<compile_context>
chip_gen: v7x
topology: tpu7x:2x2x1
jax: 0.10.2.dev20260603
libtpu: 0.0.44.dev20260713+nightly
codegen_flags: <defaults>
</compile_context>

<pallas_src>
import jax
import jax.numpy as jnp
from jax import lax
from jax.experimental import pallas as pl
from jax.experimental.pallas import tpu as pltpu
from jax.experimental.pallas import tpu_sc as plsc

N = 50000
E = 800000
HID = 64

NC, NS = 2, 16
PAY = 32
EXW = 8
SC_CHUNK = 512
N_CH_SCAT = 98
E_PAD = NS * N_CH_SCAT * SC_CHUNK
G_CHUNK = 1792
N_CH_GATH = E_PAD // (NC * NS * G_CHUNK)
N_ACC = N + NS
ROWS_PT = N_ACC // NS

BLK_N = 2000

_SC_PARAMS = pltpu.CompilerParams(
    use_tc_tiling_on_sc=False, needs_layout_passes=False)


def _sc_gather_body(src_hbm, dst_hbm, xpad_hbm, zeros_hbm,
                    s_hbm, ex_hbm, acc, ibs, ibd, rbuf, sbuf, sem, sem2):
    cid = lax.axis_index("c")
    sid = lax.axis_index("s")
    wid = sid * NC + cid

    pltpu.sync_copy(zeros_hbm, acc.at[pl.ds(sid * ROWS_PT, ROWS_PT)])
    plsc.subcore_barrier()
    lanes = lax.iota(jnp.int32, 16)
    zl = jnp.zeros((16,), jnp.int32)

    def body(g, carry):
        ch = wid * N_CH_GATH + g
        r0 = ch * (G_CHUNK // 128)
        pltpu.sync_copy(src_hbm.at[pl.ds(r0, G_CHUNK // 128)], ibs)
        pltpu.sync_copy(dst_hbm.at[pl.ds(r0, G_CHUNK // 128)], ibd)
        gets = [pltpu.async_copy(xpad_hbm.at[ibs.at[j]],
                                 rbuf.at[pl.ds(j * 128, 128)], sem)
                for j in range(G_CHUNK // 128)]
        for d in gets:
            d.wait()
        for t in range(G_CHUNK // 16):
            sbuf[pl.ds(t * 16, 16)] = plsc.load_gather(
                rbuf, [t * 16 + lanes, zl])
        puts = [pltpu.async_copy(rbuf.at[pl.ds(j * 128, 128)],
                                 acc.at[ibd.at[j]], sem2, add=True)
                for j in range(G_CHUNK // 128)]
        pltpu.sync_copy(sbuf, s_hbm.at[pl.ds(ch * G_CHUNK, G_CHUNK)])
        for d in puts:
            d.wait()
        return carry

    lax.fori_loop(0, N_CH_GATH, body, 0)
    plsc.subcore_barrier()
    pltpu.sync_copy(acc.at[pl.ds(sid * ROWS_PT, ROWS_PT)],
                    ex_hbm.at[cid].at[pl.ds(sid * ROWS_PT, ROWS_PT)])


def _sc_scatter_body(p_hbm, dst_hbm, zeros_hbm, out_hbm, acc, pbuf, ibuf,
                     sem):
    cid = lax.axis_index("c")
    sid = lax.axis_index("s")

    pltpu.sync_copy(zeros_hbm, acc.at[pl.ds(sid * ROWS_PT, ROWS_PT)])
    plsc.subcore_barrier()

    def body(g, carry):
        e0 = (sid * N_CH_SCAT + g) * SC_CHUNK
        pltpu.sync_copy(p_hbm.at[cid].at[pl.ds(e0, SC_CHUNK)], pbuf)
        pltpu.sync_copy(dst_hbm.at[pl.ds(e0 // 128, SC_CHUNK // 128)], ibuf)
        puts = [pltpu.async_copy(pbuf.at[pl.ds(j * 128, 128)],
                                 acc.at[ibuf.at[j]], sem, add=True)
                for j in range(SC_CHUNK // 128)]
        for d in puts:
            d.wait()
        return carry

    lax.fori_loop(0, N_CH_SCAT, body, 0)
    plsc.subcore_barrier()
    pltpu.sync_copy(acc.at[pl.ds(sid * ROWS_PT, ROWS_PT)],
                    out_hbm.at[cid].at[pl.ds(sid * ROWS_PT, ROWS_PT)])


_sc_cache = {}


def _sc_kernels():
    if "k" not in _sc_cache:
        mesh = plsc.VectorSubcoreMesh(
            core_axis_name="c", subcore_axis_name="s",
            num_cores=NC, num_subcores=NS)
        gather = pl.kernel(
            _sc_gather_body,
            out_type=[
                jax.ShapeDtypeStruct((E_PAD,), jnp.float32),
                jax.ShapeDtypeStruct((NC, N_ACC, EXW), jnp.float32),
            ],
            mesh=mesh,
            compiler_params=_SC_PARAMS,
            scratch_types=[
                pltpu.VMEM_SHARED((N_ACC, EXW), jnp.float32),
                pltpu.VMEM((G_CHUNK // 128, 128), jnp.int32),
                pltpu.VMEM((G_CHUNK // 128, 128), jnp.int32),
                pltpu.VMEM((G_CHUNK, EXW), jnp.float32),
                pltpu.VMEM((G_CHUNK,), jnp.float32),
                pltpu.SemaphoreType.DMA,
                pltpu.SemaphoreType.DMA,
            ])
        scatter = pl.kernel(
            _sc_scatter_body,
            out_type=jax.ShapeDtypeStruct((NC, N_ACC, PAY), jnp.float32),
            mesh=mesh,
            compiler_params=_SC_PARAMS,
            scratch_types=[
                pltpu.VMEM_SHARED((N_ACC, PAY), jnp.float32),
                pltpu.VMEM((SC_CHUNK, PAY), jnp.float32),
                pltpu.VMEM((SC_CHUNK // 128, 128), jnp.int32),
                pltpu.SemaphoreType.DMA,
            ])
        _sc_cache["k"] = (gather, scatter)
    return _sc_cache["k"]


Q = E_PAD // 4
BLK_R = 2048


def _edge_body(ea0, ea1, ea2, ea3, s4_ref, w1_ref, b1_ref, p_ref):
    lo, hi = [], []
    for k, ea_ref in enumerate((ea0, ea1, ea2, ea3)):
        z = jnp.dot(ea_ref[...], w1_ref[...],
                    preferred_element_type=jnp.float32)
        z = jnp.maximum(z + b1_ref[...], 0.0)
        sz = s4_ref[:, k:k + 1] * z
        lo.append(sz[:, :PAY])
        hi.append(sz[:, PAY:])
    p_ref[0] = jnp.concatenate(lo, axis=1)
    p_ref[1] = jnp.concatenate(hi, axis=1)


def _tc_edge(ea, s4t, W1, b1):
    nb = Q // BLK_R
    ea_specs = [pl.BlockSpec((BLK_R, 16), lambda i, k=k: (k * nb + i, 0))
                for k in range(4)]
    return pl.pallas_call(
        _edge_body,
        grid=(nb,),
        in_specs=ea_specs + [
            pl.BlockSpec((BLK_R, 4), lambda i: (i, 0)),
            pl.BlockSpec((16, HID), lambda i: (0, 0)),
            pl.BlockSpec((1, HID), lambda i: (0, 0)),
        ],
        out_specs=pl.BlockSpec((NC, BLK_R, 128), lambda i: (0, i, 0)),
        out_shape=jax.ShapeDtypeStruct((NC, Q, 128), jnp.float32),
    )(ea, ea, ea, ea, s4t, W1, b1)


def _d1_body(a0_ref, a1_ref, ex0_ref, ex1_ref, x_ref, w2_ref, b2_ref,
             wr_ref, bc_ref, pre_ref, sum_ref, sq_ref):
    A = jnp.concatenate([a0_ref[...], a1_ref[...]], axis=1)
    ex = ex0_ref[...] + ex1_ref[...]
    cs = ex[:, 0:1]
    deg = ex[:, 1:2]
    agg = jnp.dot(A, w2_ref[...], preferred_element_type=jnp.float32)
    agg = (agg + cs * b2_ref[...]) / jnp.maximum(deg, 1.0)
    pre = agg + x_ref[...] * wr_ref[...] + bc_ref[...]
    pre_ref[...] = pre

    @pl.when(pl.program_id(0) == 0)
    def _():
        sum_ref[...] = jnp.zeros_like(sum_ref)
        sq_ref[...] = jnp.zeros_like(sq_ref)

    sum_ref[...] += jnp.sum(pre, axis=0, keepdims=True)
    sq_ref[...] += jnp.sum(pre * pre, axis=0, keepdims=True)


def _tc_d1(A0, A1, EX0, EX1, x, W2, b2, Wr, bc):
    return pl.pallas_call(
        _d1_body,
        grid=(N // BLK_N,),
        in_specs=[
            pl.BlockSpec((BLK_N, PAY), lambda i: (i, 0)),
            pl.BlockSpec((BLK_N, PAY), lambda i: (i, 0)),
            pl.BlockSpec((BLK_N, EXW), lambda i: (i, 0)),
            pl.BlockSpec((BLK_N, EXW), lambda i: (i, 0)),
            pl.BlockSpec((BLK_N, 1), lambda i: (i, 0)),
            pl.BlockSpec((HID, HID), lambda i: (0, 0)),
            pl.BlockSpec((1, HID), lambda i: (0, 0)),
            pl.BlockSpec((1, HID), lambda i: (0, 0)),
            pl.BlockSpec((1, HID), lambda i: (0, 0)),
        ],
        out_specs=[
            pl.BlockSpec((BLK_N, HID), lambda i: (i, 0)),
            pl.BlockSpec((1, HID), lambda i: (0, 0)),
            pl.BlockSpec((1, HID), lambda i: (0, 0)),
        ],
        out_shape=[
            jax.ShapeDtypeStruct((N, HID), jnp.float32),
            jax.ShapeDtypeStruct((1, HID), jnp.float32),
            jax.ShapeDtypeStruct((1, HID), jnp.float32),
        ],
    )(A0, A1, EX0, EX1, x, W2, b2, Wr, bc)


def _d1b_body(pre_ref, sum_ref, csq_ref):
    mean = sum_ref[...] * (1.0 / N)
    d = pre_ref[...] - mean

    @pl.when(pl.program_id(0) == 0)
    def _():
        csq_ref[...] = jnp.zeros_like(csq_ref)

    csq_ref[...] += jnp.sum(d * d, axis=0, keepdims=True)


def _tc_d1b(pre, s1):
    return pl.pallas_call(
        _d1b_body,
        grid=(N // BLK_N,),
        in_specs=[
            pl.BlockSpec((BLK_N, HID), lambda i: (i, 0)),
            pl.BlockSpec((1, HID), lambda i: (0, 0)),
        ],
        out_specs=pl.BlockSpec((1, HID), lambda i: (0, 0)),
        out_shape=jax.ShapeDtypeStruct((1, HID), jnp.float32),
    )(pre, s1)


def _d2_body(pre_ref, sum_ref, sq_ref, g_ref, be_ref, wl1_ref, bl1_ref,
             wl2_ref, bl2_ref, y_ref):
    mean = sum_ref[...] * (1.0 / N)
    var = sq_ref[...] * (1.0 / N)
    inv = lax.rsqrt(var + 1e-5)
    o = (pre_ref[...] - mean) * (inv * g_ref[...]) + be_ref[...]
    o = jnp.maximum(o, 0.0)
    l1 = jnp.dot(o, wl1_ref[...], preferred_element_type=jnp.float32)
    l1 = jax.nn.sigmoid(l1 + bl1_ref[...])
    y_ref[...] = (jnp.dot(l1, wl2_ref[...], preferred_element_type=jnp.float32)
                  + bl2_ref[...])


def _tc_d2(pre, s1, s2, gamma, beta, Wl1, bl1, Wl2, bl2):
    return pl.pallas_call(
        _d2_body,
        grid=(N // BLK_N,),
        in_specs=[
            pl.BlockSpec((BLK_N, HID), lambda i: (i, 0)),
            pl.BlockSpec((1, HID), lambda i: (0, 0)),
            pl.BlockSpec((1, HID), lambda i: (0, 0)),
            pl.BlockSpec((1, HID), lambda i: (0, 0)),
            pl.BlockSpec((1, HID), lambda i: (0, 0)),
            pl.BlockSpec((HID, HID // 2), lambda i: (0, 0)),
            pl.BlockSpec((1, HID // 2), lambda i: (0, 0)),
            pl.BlockSpec((HID // 2, 1), lambda i: (0, 0)),
            pl.BlockSpec((1, 1), lambda i: (0, 0)),
        ],
        out_specs=pl.BlockSpec((BLK_N, 1), lambda i: (i, 0)),
        out_shape=jax.ShapeDtypeStruct((N, 1), jnp.float32),
    )(pre, s1, s2, gamma, beta, Wl1, bl1, Wl2, bl2)


def kernel(x, edge_index, edge_attr, W1, b1, W2, b2, Wr, b_conv, gamma, beta,
           Wl1, bl1, Wl2, bl2):
    pad = E_PAD - E
    src = edge_index[0].astype(jnp.int32)
    dst = edge_index[1].astype(jnp.int32)
    src_p = jnp.concatenate([src, jnp.zeros((pad,), jnp.int32)])
    src_p = src_p.reshape(E_PAD // 128, 128)
    dst_p = jnp.concatenate([dst, jnp.full((pad,), N, jnp.int32)])
    dst_p = dst_p.reshape(E_PAD // 128, 128)
    xpad = jnp.concatenate(
        [x, jnp.ones((N, 1), jnp.float32), jnp.zeros((N, EXW - 2), jnp.float32)],
        axis=1)
    ea_p = jnp.concatenate(
        [edge_attr, jnp.zeros((pad, 16), jnp.float32)], axis=0)
    zeros8 = jnp.zeros((ROWS_PT, EXW), jnp.float32)
    zeros32 = jnp.zeros((ROWS_PT, PAY), jnp.float32)

    dst_sig = jnp.concatenate([dst, jnp.full((pad,), N, jnp.int32)])
    dst_sig = dst_sig.reshape(4, Q).T.reshape(E_PAD // 128, 128)

    sc_gather, sc_scatter = _sc_kernels()
    s_flat, ex = sc_gather(src_p, dst_p, xpad, zeros8)
    P = _tc_edge(ea_p, s_flat.reshape(4, Q).T, W1, b1.reshape(1, HID))
    acc = sc_scatter(P.reshape(NC, E_PAD, PAY), dst_sig, zeros32)

    pre, s1, s2 = _tc_d1(acc[0, :N], acc[1, :N], ex[0, :N], ex[1, :N], x, W2,
                         b2.reshape(1, HID), Wr, b_conv.reshape(1, HID))
    csq = _tc_d1b(pre, s1)
    return _tc_d2(pre, s1, csq, gamma.reshape(1, HID), beta.reshape(1, HID),
                  Wl1, bl1.reshape(1, HID // 2), Wl2, bl2.reshape(1, 1))

# --- scband reference (transcript-rebuilt; emitter-appended) ---
"""Pipeline reference for scband-edge-aware-gnn-49357764166326 (READ-ONLY COPY).

The authoritative reference and input builder live on the scoring server;
editing this copy changes nothing except your own understanding.
"""

import jax, jax.numpy as jnp
import numpy as np

N_NODES = 50000
N_EDGES = 800000
EDGE_DIM = 16
HIDDEN = 64

def setup_inputs(seed: int = 0) -> dict:
    key = jax.random.key(seed)
    ks = jax.random.split(key, 16)
    x = jax.random.normal(ks[0], (N_NODES, 1), dtype=jnp.float32)
    edge_index = jax.random.randint(ks[1], (2, N_EDGES), 0, N_NODES, dtype=jnp.int64)
    edge_attr = jax.random.normal(ks[2], (N_EDGES, EDGE_DIM), dtype=jnp.float32)
    s1 = 1.0 / np.sqrt(EDGE_DIM)
    s2 = 1.0 / np.sqrt(HIDDEN)
    W1 = jax.random.uniform(ks[3], (EDGE_DIM, HIDDEN), jnp.float32, -s1, s1)
    b1 = jax.random.uniform(ks[4], (HIDDEN,), jnp.float32, -s1, s1)
    W2 = jax.random.uniform(ks[5], (HIDDEN, HIDDEN), jnp.float32, -s2, s2)
    b2 = jax.random.uniform(ks[6], (HIDDEN,), jnp.float32, -s2, s2)
    Wr = jax.random.uniform(ks[7], (1, HIDDEN), jnp.float32, -1.0, 1.0)
    b_conv = jnp.zeros((HIDDEN,), jnp.float32)
    gamma = jnp.ones((HIDDEN,), jnp.float32)
    beta = jnp.zeros((HIDDEN,), jnp.float32)
    sH = 1.0 / np.sqrt(HIDDEN)
    Wl1 = jax.random.uniform(ks[8], (HIDDEN, HIDDEN // 2), jnp.float32, -sH, sH)
    bl1 = jax.random.uniform(ks[9], (HIDDEN // 2,), jnp.float32, -sH, sH)
    sH2 = 1.0 / np.sqrt(HIDDEN // 2)
    Wl2 = jax.random.uniform(ks[10], (HIDDEN // 2, 1), jnp.float32, -sH2, sH2)
    bl2 = jax.random.uniform(ks[11], (1,), jnp.float32, -sH2, sH2)
    return {"x": x, "edge_index": edge_index, "edge_attr": edge_attr,
            "W1": W1, "b1": b1, "W2": W2, "b2": b2,
            "Wr": Wr, "b_conv": b_conv, "gamma": gamma, "beta": beta,
            "Wl1": Wl1, "bl1": bl1, "Wl2": Wl2, "bl2": bl2}

def reference(x, edge_index, edge_attr, W1, b1, W2, b2, Wr, b_conv, gamma, beta, Wl1, bl1, Wl2, bl2):
    src = edge_index[0]
    dst = edge_index[1]
    # edge network: [E, edge_dim] -> [E, hidden] (= in_channels * out_channels with in_channels=1)
    h = jnp.maximum(edge_attr @ W1 + b1, 0.0) @ W2 + b2  # [E, H]
    # NNConv message: x_j [E,1] view(-1,1,1) matmul weight [E,1,H] -> [E,H]
    msg = x[src] * h  # broadcast [E,1]*[E,H]
    agg_sum = jax.ops.segment_sum(msg, dst, num_segments=N_NODES)
    deg = jax.ops.segment_sum(jnp.ones((msg.shape[0],), jnp.float32), dst, num_segments=N_NODES)
    agg = agg_sum / jnp.clip(deg, 1.0, None)[:, None]  # mean aggregation
    out = agg + x @ Wr + b_conv  # root weight + bias
    # BatchNorm (training-mode batch statistics), dropout is a no-op in eval semantics
    mean = jnp.mean(out, axis=0)
    var = jnp.var(out, axis=0)
    out = (out - mean) / jnp.sqrt(var + 1e-5) * gamma + beta
    out = jnp.maximum(out, 0.0)
    out = jax.nn.sigmoid(out @ Wl1 + bl1)
    return out @ Wl2 + bl2

if __name__ == "__main__":
    import jax
    _d = setup_inputs()
    print(jax.jit(kernel)(*tuple(_d.values())))

</pallas_src>

<mosaic_0001>
#map = affine_map<(d0, d1) -> (0, 0, 0)>
#map1 = affine_map<(d0, d1) -> (0, 0)>
module attributes {stable_mosaic.version = 14 : i64} {
  func.func @_sc_scatter_body(%arg0: i32, %arg1: i32, %arg2: memref<2x802816x32xf32, #tpu.memory_space<hbm>>, %arg3: memref<6272x128xi32, #tpu.memory_space<hbm>>, %arg4: memref<3126x32xf32, #tpu.memory_space<hbm>>, %arg5: memref<2x50016x32xf32, #tpu.memory_space<hbm>>, %arg6: memref<50016x32xf32, #tpu.memory_space<vmem_shared>>, %arg7: memref<512x32xf32, #tpu.memory_space<vmem>>, %arg8: memref<4x128xi32, #tpu.memory_space<vmem>>, %arg9: memref<!tpu.dma_semaphore, #tpu.memory_space<semaphore_mem>>) attributes {dimension_semantics = [#tpu.dimension_semantics<core_parallel>, #tpu.dimension_semantics<subcore_parallel>], iteration_bounds = array<i64: 2, 16>, scalar_prefetch = 0 : i64, scratch_operands = 4 : i64, tpu.core_type = #tpu.core_type<sc_vector_subcore>, window_params = [{transform_indices = #map}, {transform_indices = #map1}, {transform_indices = #map1}, {transform_indices = #map}]} {
    %mul3A = arith.constant 3126 : i32
    %mul3A_0 = arith.muli %arg1, %mul3A : i32
    "tpu.region"() ({
      %run_scoped3A = tpu.sem_alloc : memref<!tpu.dma_semaphore, #tpu.memory_space<semaphore_mem>>
      %dma_start3A = arith.constant 0 : i32
      %dma_start3A_11 = tpu.memref_slice %arg6[%mul3A_0, %dma_start3A] : memref<50016x32xf32, #tpu.memory_space<vmem_shared>> -> memref<3126x32xf32, #tpu.memory_space<vmem_shared>>
      tpu.enqueue_dma source(%arg4 : memref<3126x32xf32, #tpu.memory_space<hbm>>) target(%dma_start3A_11 : memref<3126x32xf32, #tpu.memory_space<vmem_shared>>) target_semaphore(%run_scoped3A : memref<!tpu.dma_semaphore, #tpu.memory_space<semaphore_mem>>)
      %dma_wait3A = arith.constant 0 : i32
      %dma_wait3A_12 = tpu.memref_slice %arg6[%mul3A_0, %dma_wait3A] : memref<50016x32xf32, #tpu.memory_space<vmem_shared>> -> memref<3126x32xf32, #tpu.memory_space<vmem_shared>>
      tpu.wait_dma2 semaphore(%run_scoped3A : memref<!tpu.dma_semaphore, #tpu.memory_space<semaphore_mem>>) src(%arg4 : memref<3126x32xf32, #tpu.memory_space<hbm>>) dst(%dma_wait3A_12 : memref<3126x32xf32, #tpu.memory_space<vmem_shared>>)
      tpu.yield
    }) : () -> ()
    %barrier3A = arith.constant 0 : index
    tpu.barrier barrier_id(%barrier3A)
    %scan3A = arith.constant 0 : i32
    %scan3A_1 = arith.constant 0 : i32
    %scan3A_2 = arith.constant 98 : i32
    %scan3A_3 = arith.addi %scan3A_1, %scan3A_2 : i32
    %scan3A_4 = arith.constant 1 : i32
    scf.for %scan3A_11 = %scan3A_1 to %scan3A_3 step %scan3A_4  : i32 {
      %mul3A_12 = arith.constant 98 : i32
      %mul3A_13 = arith.muli %arg1, %mul3A_12 : i32
      %add3A = arith.addi %mul3A_13, %scan3A_11 : i32
      %mul3A_14 = arith.constant 512 : i32
      %mul3A_15 = arith.muli %add3A, %mul3A_14 : i32
      "tpu.region"() ({
        %run_scoped3A = tpu.sem_alloc : memref<!tpu.dma_semaphore, #tpu.memory_space<semaphore_mem>>
        %dma_start3A_110 = arith.constant 0 : i32
        %dma_start3A_111 = arith.constant 0 : i32
        %dma_start3A_112 = tpu.memref_slice %arg2[%arg0, %dma_start3A_110, %dma_start3A_111] : memref<2x802816x32xf32, #tpu.memory_space<hbm>> -> memref<1x802816x32xf32, #tpu.memory_space<hbm>>
        %dma_start3A_113 = tpu.memref_squeeze %dma_start3A_112 : memref<1x802816x32xf32, #tpu.memory_space<hbm>> -> memref<802816x32xf32, #tpu.memory_space<hbm>>
        %dma_start3A_114 = arith.constant 0 : i32
        %dma_start3A_115 = tpu.memref_slice %dma_start3A_113[%mul3A_15, %dma_start3A_114] : memref<802816x32xf32, #tpu.memory_space<hbm>> -> memref<512x32xf32, #tpu.memory_space<hbm>>
        %dma_start3A_116 = arith.constant 0 : i32
        %dma_start3A_117 = arith.constant 0 : i32
        %dma_start3A_118 = tpu.memref_slice %arg2[%arg0, %dma_start3A_116, %dma_start3A_117] : memref<2x802816x32xf32, #tpu.memory_space<hbm>> -> memref<1x802816x32xf32, #tpu.memory_space<hbm>>
        %dma_start3A_119 = tpu.memref_squeeze %dma_start3A_118 : memref<1x802816x32xf32, #tpu.memory_space<hbm>> -> memref<802816x32xf32, #tpu.memory_space<hbm>>
        %dma_start3A_120 = arith.constant 0 : i32
        %dma_start3A_121 = tpu.memref_slice %dma_start3A_119[%mul3A_15, %dma_start3A_120] : memref<802816x32xf32, #tpu.memory_space<hbm>> -> memref<512x32xf32, #tpu.memory_space<hbm>>
        tpu.enqueue_dma source(%dma_start3A_121 : memref<512x32xf32, #tpu.memory_space<hbm>>) target(%arg7 : memref<512x32xf32, #tpu.memory_space<vmem>>) target_semaphore(%run_scoped3A : memref<!tpu.dma_semaphore, #tpu.memory_space<semaphore_mem>>)
        %dma_wait3A_122 = arith.constant 0 : i32
        %dma_wait3A_123 = arith.constant 0 : i32
        %dma_wait3A_124 = tpu.memref_slice %arg2[%arg0, %dma_wait3A_122, %dma_wait3A_123] : memref<2x802816x32xf32, #tpu.memory_space<hbm>> -> memref<1x802816x32xf32, #tpu.memory_space<hbm>>
        %dma_wait3A_125 = tpu.memref_squeeze %dma_wait3A_124 : memref<1x802816x32xf32, #tpu.memory_space<hbm>> -> memref<802816x32xf32, #tpu.memory_space<hbm>>
        %dma_wait3A_126 = arith.constant 0 : i32
        %dma_wait3A_127 = tpu.memref_slice %dma_wait3A_125[%mul3A_15, %dma_wait3A_126] : memref<802816x32xf32, #tpu.memory_space<hbm>> -> memref<512x32xf32, #tpu.memory_space<hbm>>
        %dma_wait3A_128 = arith.constant 0 : i32
        %dma_wait3A_129 = arith.constant 0 : i32
        %dma_wait3A_130 = tpu.memref_slice %arg2[%arg0, %dma_wait3A_128, %dma_wait3A_129] : memref<2x802816x32xf32, #tpu.memory_space<hbm>> -> memref<1x802816x32xf32, #tpu.memory_space<hbm>>
        %dma_wait3A_131 = tpu.memref_squeeze %dma_wait3A_130 : memref<1x802816x32xf32, #tpu.memory_space<hbm>> -> memref<802816x32xf32, #tpu.memory_space<hbm>>
        %dma_wait3A_132 = arith.constant 0 : i32
        %dma_wait3A_133 = tpu.memref_slice %dma_wait3A_131[%mul3A_15, %dma_wait3A_132] : memref<802816x32xf32, #tpu.memory_space<hbm>> -> memref<512x32xf32, #tpu.memory_space<hbm>>
        tpu.wait_dma2 semaphore(%run_scoped3A : memref<!tpu.dma_semaphore, #tpu.memory_space<semaphore_mem>>) src(%dma_wait3A_133 : memref<512x32xf32, #tpu.memory_space<hbm>>) dst(%arg7 : memref<512x32xf32, #tpu.memory_space<vmem>>)
        tpu.yield
      }) : () -> ()
      %jit3A = arith.constant 128 : i32
      %div3A = arith.divsi %mul3A_15, %jit3A : i32
      %sign3A = arith.constant 0 : i32
      %sign3A_16 = arith.cmpi sgt, %mul3A_15, %sign3A : i32
      %sign3A_17 = arith.extui %sign3A_16 : i1 to i32
      %sign3A_18 = arith.constant 0 : i32
      %sign3A_19 = arith.cmpi slt, %mul3A_15, %sign3A_18 : i32
      %sign3A_20 = arith.extui %sign3A_19 : i1 to i32
      %sign3A_21 = arith.subi %sign3A_17, %sign3A_20 : i32
      %sign3A_22 = arith.constant 0 : i32
      %sign3A_23 = arith.cmpi sgt, %jit3A, %sign3A_22 : i32
      %sign3A_24 = arith.extui %sign3A_23 : i1 to i32
      %sign3A_25 = arith.constant 0 : i32
      %sign3A_26 = arith.cmpi slt, %jit3A, %sign3A_25 : i32
      %sign3A_27 = arith.extui %sign3A_26 : i1 to i32
      %sign3A_28 = arith.subi %sign3A_24, %sign3A_27 : i32
      %ne3A = arith.cmpi ne, %sign3A_21, %sign3A_28 : i32
      %rem3A = arith.remsi %mul3A_15, %jit3A : i32
      %ne3A_29 = arith.constant 0 : i32
      %ne3A_30 = arith.cmpi ne, %rem3A, %ne3A_29 : i32
      %and3A = arith.andi %ne3A, %ne3A_30 : i1
      %sub3A = arith.constant 1 : i32
      %sub3A_31 = arith.subi %div3A, %sub3A : i32
      %select_n3A = arith.select %and3A, %sub3A_31, %div3A : i32
      "tpu.region"() ({
        %run_scoped3A = tpu.sem_alloc : memref<!tpu.dma_semaphore, #tpu.memory_space<semaphore_mem>>
        %dma_start3A_110 = arith.constant 0 : i32
        %dma_start3A_111 = tpu.memref_slice %arg3[%select_n3A, %dma_start3A_110] : memref<6272x128xi32, #tpu.memory_space<hbm>> -> memref<4x128xi32, #tpu.memory_space<hbm>>
        %dma_start3A_112 = arith.constant 0 : i32
        %dma_start3A_113 = tpu.memref_slice %arg3[%select_n3A, %dma_start3A_112] : memref<6272x128xi32, #tpu.memory_space<hbm>> -> memref<4x128xi32, #tpu.memory_space<hbm>>
        tpu.enqueue_dma source(%dma_start3A_113 : memref<4x128xi32, #tpu.memory_space<hbm>>) target(%arg8 : memref<4x128xi32, #tpu.memory_space<vmem>>) target_semaphore(%run_scoped3A : memref<!tpu.dma_semaphore, #tpu.memory_space<semaphore_mem>>)
        %dma_wait3A_114 = arith.constant 0 : i32
        %dma_wait3A_115 = tpu.memref_slice %arg3[%select_n3A, %dma_wait3A_114] : memref<6272x128xi32, #tpu.memory_space<hbm>> -> memref<4x128xi32, #tpu.memory_space<hbm>>
        %dma_wait3A_116 = arith.constant 0 : i32
        %dma_wait3A_117 = tpu.memref_slice %arg3[%select_n3A, %dma_wait3A_116] : memref<6272x128xi32, #tpu.memory_space<hbm>> -> memref<4x128xi32, #tpu.memory_space<hbm>>
        tpu.wait_dma2 semaphore(%run_scoped3A : memref<!tpu.dma_semaphore, #tpu.memory_space<semaphore_mem>>) src(%dma_wait3A_117 : memref<4x128xi32, #tpu.memory_space<hbm>>) dst(%arg8 : memref<4x128xi32, #tpu.memory_space<vmem>>)
        tpu.yield
      }) : () -> ()
      %dma_start3A = arith.constant 0 : i32
      %dma_start3A_32 = arith.constant 0 : i32
      %dma_start3A_33 = arith.constant 0 : i32
      %dma_start3A_34 = tpu.memref_slice %arg7[%dma_start3A_32, %dma_start3A_33] : memref<512x32xf32, #tpu.memory_space<vmem>> -> memref<128x32xf32, #tpu.memory_space<vmem>>
      %dma_start3A_35 = arith.constant 0 : i32
      %dma_start3A_36 = tpu.memref_slice %arg8[%dma_start3A, %dma_start3A_35] : memref<4x128xi32, #tpu.memory_space<vmem>> -> memref<1x128xi32, #tpu.memory_space<vmem>>
      %dma_start3A_37 = tpu.memref_squeeze %dma_start3A_36 : memref<1x128xi32, #tpu.memory_space<vmem>> -> memref<128xi32, #tpu.memory_space<vmem>>
      %dma_start3A_38 = arith.constant 0 : i32
      %dma_start3A_39 = arith.constant 0 : i32
      %dma_start3A_40 = tpu.memref_slice %arg6[%dma_start3A_38, %dma_start3A_39] : memref<50016x32xf32, #tpu.memory_space<vmem_shared>> -> memref<50016x32xf32, #tpu.memory_space<vmem_shared>>
      tpu.enqueue_indirect_dma source(%dma_start3A_34 : memref<128x32xf32, #tpu.memory_space<vmem>>) target(%dma_start3A_40 : memref<50016x32xf32, #tpu.memory_space<vmem_shared>>) offsets(%dma_start3A_37 : memref<128xi32, #tpu.memory_space<vmem>>) semaphore(%arg9 : memref<!tpu.dma_semaphore, #tpu.memory_space<semaphore_mem>>) {add = true}
      %dma_start3A_41 = arith.constant 1 : i32
      %dma_start3A_42 = arith.constant 128 : i32
      %dma_start3A_43 = arith.constant 0 : i32
      %dma_start3A_44 = tpu.memref_slice %arg7[%dma_start3A_42, %dma_start3A_43] : memref<512x32xf32, #tpu.memory_space<vmem>> -> memref<128x32xf32, #tpu.memory_space<vmem>>
      %dma_start3A_45 = arith.constant 0 : i32
      %dma_start3A_46 = tpu.memref_slice %arg8[%dma_start3A_41, %dma_start3A_45] : memref<4x128xi32, #tpu.memory_space<vmem>> -> memref<1x128xi32, #tpu.memory_space<vmem>>
      %dma_start3A_47 = tpu.memref_squeeze %dma_start3A_46 : memref<1x128xi32, #tpu.memory_space<vmem>> -> memref<128xi32, #tpu.memory_space<vmem>>
      %dma_start3A_48 = arith.constant 0 : i32
      %dma_start3A_49 = arith.constant 0 : i32
      %dma_start3A_50 = tpu.memref_slice %arg6[%dma_start3A_48, %dma_start3A_49] : memref<50016x32xf32, #tpu.memory_space<vmem_shared>> -> memref<50016x32xf32, #tpu.memory_space<vmem_shared>>
      tpu.enqueue_indirect_dma source(%dma_start3A_44 : memref<128x32xf32, #tpu.memory_space<vmem>>) target(%dma_start3A_50 : memref<50016x32xf32, #tpu.memory_space<vmem_shared>>) offsets(%dma_start3A_47 : memref<128xi32, #tpu.memory_space<vmem>>) semaphore(%arg9 : memref<!tpu.dma_semaphore, #tpu.memory_space<semaphore_mem>>) {add = true}
      %dma_start3A_51 = arith.constant 2 : i32
      %dma_start3A_52 = arith.constant 256 : i32
      %dma_start3A_53 = arith.constant 0 : i32
      %dma_start3A_54 = tpu.memref_slice %arg7[%dma_start3A_52, %dma_start3A_53] : memref<512x32xf32, #tpu.memory_space<vmem>> -> memref<128x32xf32, #tpu.memory_space<vmem>>
      %dma_start3A_55 = arith.constant 0 : i32
      %dma_start3A_56 = tpu.memref_slice %arg8[%dma_start3A_51, %dma_start3A_55] : memref<4x128xi32, #tpu.memory_space<vmem>> -> memref<1x128xi32, #tpu.memory_space<vmem>>
      %dma_start3A_57 = tpu.memref_squeeze %dma_start3A_56 : memref<1x128xi32, #tpu.memory_space<vmem>> -> memref<128xi32, #tpu.memory_space<vmem>>
      %dma_start3A_58 = arith.constant 0 : i32
      %dma_start3A_59 = arith.constant 0 : i32
      %dma_start3A_60 = tpu.memref_slice %arg6[%dma_start3A_58, %dma_start3A_59] : memref<50016x32xf32, #tpu.memory_space<vmem_shared>> -> memref<50016x32xf32, #tpu.memory_space<vmem_shared>>
      tpu.enqueue_indirect_dma source(%dma_start3A_54 : memref<128x32xf32, #tpu.memory_space<vmem>>) target(%dma_start3A_60 : memref<50016x32xf32, #tpu.memory_space<vmem_shared>>) offsets(%dma_start3A_57 : memref<128xi32, #tpu.memory_space<vmem>>) semaphore(%arg9 : memref<!tpu.dma_semaphore, #tpu.memory_space<semaphore_mem>>) {add = true}
      %dma_start3A_61 = arith.constant 3 : i32
      %dma_start3A_62 = arith.constant 384 : i32
      %dma_start3A_63 = arith.constant 0 : i32
      %dma_start3A_64 = tpu.memref_slice %arg7[%dma_start3A_62, %dma_start3A_63] : memref<512x32xf32, #tpu.memory_space<vmem>> -> memref<128x32xf32, #tpu.memory_space<vmem>>
      %dma_start3A_65 = arith.constant 0 : i32
      %dma_start3A_66 = tpu.memref_slice %arg8[%dma_start3A_61, %dma_start3A_65] : memref<4x128xi32, #tpu.memory_space<vmem>> -> memref<1x128xi32, #tpu.memory_space<vmem>>
      %dma_start3A_67 = tpu.memref_squeeze %dma_start3A_66 : memref<1x128xi32, #tpu.memory_space<vmem>> -> memref<128xi32, #tpu.memory_space<vmem>>
      %dma_start3A_68 = arith.constant 0 : i32
      %dma_start3A_69 = arith.constant 0 : i32
      %dma_start3A_70 = tpu.memref_slice %arg6[%dma_start3A_68, %dma_start3A_69] : memref<50016x32xf32, #tpu.memory_space<vmem_shared>> -> memref<50016x32xf32, #tpu.memory_space<vmem_shared>>
      tpu.enqueue_indirect_dma source(%dma_start3A_64 : memref<128x32xf32, #tpu.memory_space<vmem>>) target(%dma_start3A_70 : memref<50016x32xf32, #tpu.memory_space<vmem_shared>>) offsets(%dma_start3A_67 : memref<128xi32, #tpu.memory_space<vmem>>) semaphore(%arg9 : memref<!tpu.dma_semaphore, #tpu.memory_space<semaphore_mem>>) {add = true}
      %dma_wait3A = arith.constant 0 : i32
      %dma_wait3A_71 = arith.constant 0 : i32
      %dma_wait3A_72 = arith.constant 0 : i32
      %dma_wait3A_73 = tpu.memref_slice %arg7[%dma_wait3A_71, %dma_wait3A_72] : memref<512x32xf32, #tpu.memory_space<vmem>> -> memref<128x32xf32, #tpu.memory_space<vmem>>
      %dma_wait3A_74 = arith.constant 0 : i32
      %dma_wait3A_75 = tpu.memref_slice %arg8[%dma_wait3A, %dma_wait3A_74] : memref<4x128xi32, #tpu.memory_space<vmem>> -> memref<1x128xi32, #tpu.memory_space<vmem>>
      %dma_wait3A_76 = tpu.memref_squeeze %dma_wait3A_75 : memref<1x128xi32, #tpu.memory_space<vmem>> -> memref<128xi32, #tpu.memory_space<vmem>>
      %dma_wait3A_77 = arith.constant 0 : i32
      %dma_wait3A_78 = arith.constant 0 : i32
      %dma_wait3A_79 = tpu.memref_slice %arg6[%dma_wait3A_77, %dma_wait3A_78] : memref<50016x32xf32, #tpu.memory_space<vmem_shared>> -> memref<50016x32xf32, #tpu.memory_space<vmem_shared>>
      tpu.wait_indirect_dma semaphore(%arg9 : memref<!tpu.dma_semaphore, #tpu.memory_space<semaphore_mem>>) src(%dma_wait3A_73 : memref<128x32xf32, #tpu.memory_space<vmem>>) dst(%dma_wait3A_79 : memref<50016x32xf32, #tpu.memory_space<vmem_shared>>)
      %dma_wait3A_80 = arith.constant 1 : i32
      %dma_wait3A_81 = arith.constant 128 : i32
      %dma_wait3A_82 = arith.constant 0 : i32
      %dma_wait3A_83 = tpu.memref_slice %arg7[%dma_wait3A_81, %dma_wait3A_82] : memref<512x32xf32, #tpu.memory_space<vmem>> -> memref<128x32xf32, #tpu.memory_space<vmem>>
      %dma_wait3A_84 = arith.constant 0 : i32
      %dma_wait3A_85 = tpu.memref_slice %arg8[%dma_wait3A_80, %dma_wait3A_84] : memref<4x128xi32, #tpu.memory_space<vmem>> -> memref<1x128xi32, #tpu.memory_space<vmem>>
      %dma_wait3A_86 = tpu.memref_squeeze %dma_wait3A_85 : memref<1x128xi32, #tpu.memory_space<vmem>> -> memref<128xi32, #tpu.memory_space<vmem>>
      %dma_wait3A_87 = arith.constant 0 : i32
      %dma_wait3A_88 = arith.constant 0 : i32
      %dma_wait3A_89 = tpu.memref_slice %arg6[%dma_wait3A_87, %dma_wait3A_88] : memref<50016x32xf32, #tpu.memory_space<vmem_shared>> -> memref<50016x32xf32, #tpu.memory_space<vmem_shared>>
      tpu.wait_indirect_dma semaphore(%arg9 : memref<!tpu.dma_semaphore, #tpu.memory_space<semaphore_mem>>) src(%dma_wait3A_83 : memref<128x32xf32, #tpu.memory_space<vmem>>) dst(%dma_wait3A_89 : memref<50016x32xf32, #tpu.memory_space<vmem_shared>>)
      %dma_wait3A_90 = arith.constant 2 : i32
      %dma_wait3A_91 = arith.constant 256 : i32
      %dma_wait3A_92 = arith.constant 0 : i32
      %dma_wait3A_93 = tpu.memref_slice %arg7[%dma_wait3A_91, %dma_wait3A_92] : memref<512x32xf32, #tpu.memory_space<vmem>> -> memref<128x32xf32, #tpu.memory_space<vmem>>
      %dma_wait3A_94 = arith.constant 0 : i32
      %dma_wait3A_95 = tpu.memref_slice %arg8[%dma_wait3A_90, %dma_wait3A_94] : memref<4x128xi32, #tpu.memory_space<vmem>> -> memref<1x128xi32, #tpu.memory_space<vmem>>
      %dma_wait3A_96 = tpu.memref_squeeze %dma_wait3A_95 : memref<1x128xi32, #tpu.memory_space<vmem>> -> memref<128xi32, #tpu.memory_space<vmem>>
      %dma_wait3A_97 = arith.constant 0 : i32
      %dma_wait3A_98 = arith.constant 0 : i32
      %dma_wait3A_99 = tpu.memref_slice %arg6[%dma_wait3A_97, %dma_wait3A_98] : memref<50016x32xf32, #tpu.memory_space<vmem_shared>> -> memref<50016x32xf32, #tpu.memory_space<vmem_shared>>
      tpu.wait_indirect_dma semaphore(%arg9 : memref<!tpu.dma_semaphore, #tpu.memory_space<semaphore_mem>>) src(%dma_wait3A_93 : memref<128x32xf32, #tpu.memory_space<vmem>>) dst(%dma_wait3A_99 : memref<50016x32xf32, #tpu.memory_space<vmem_shared>>)
      %dma_wait3A_100 = arith.constant 3 : i32
      %dma_wait3A_101 = arith.constant 384 : i32
      %dma_wait3A_102 = arith.constant 0 : i32
      %dma_wait3A_103 = tpu.memref_slice %arg7[%dma_wait3A_101, %dma_wait3A_102] : memref<512x32xf32, #tpu.memory_space<vmem>> -> memref<128x32xf32, #tpu.memory_space<vmem>>
      %dma_wait3A_104 = arith.constant 0 : i32
      %dma_wait3A_105 = tpu.memref_slice %arg8[%dma_wait3A_100, %dma_wait3A_104] : memref<4x128xi32, #tpu.memory_space<vmem>> -> memref<1x128xi32, #tpu.memory_space<vmem>>
      %dma_wait3A_106 = tpu.memref_squeeze %dma_wait3A_105 : memref<1x128xi32, #tpu.memory_space<vmem>> -> memref<128xi32, #tpu.memory_space<vmem>>
      %dma_wait3A_107 = arith.constant 0 : i32
      %dma_wait3A_108 = arith.constant 0 : i32
      %dma_wait3A_109 = tpu.memref_slice %arg6[%dma_wait3A_107, %dma_wait3A_108] : memref<50016x32xf32, #tpu.memory_space<vmem_shared>> -> memref<50016x32xf32, #tpu.memory_space<vmem_shared>>
      tpu.wait_indirect_dma semaphore(%arg9 : memref<!tpu.dma_semaphore, #tpu.memory_space<semaphore_mem>>) src(%dma_wait3A_103 : memref<128x32xf32, #tpu.memory_space<vmem>>) dst(%dma_wait3A_109 : memref<50016x32xf32, #tpu.memory_space<vmem_shared>>)
    }
    %scan3A_5 = arith.constant 98 : i32
    %barrier3A_6 = arith.constant 0 : index
    tpu.barrier barrier_id(%barrier3A_6)
    %mul3A_7 = arith.constant 3126 : i32
    %mul3A_8 = arith.muli %arg1, %mul3A_7 : i32
    %mul3A_9 = arith.constant 3126 : i32
    %mul3A_10 = arith.muli %arg1, %mul3A_9 : i32
    "tpu.region"() ({
      %run_scoped3A = tpu.sem_alloc : memref<!tpu.dma_semaphore, #tpu.memory_space<semaphore_mem>>
      %dma_start3A = arith.constant 0 : i32
      %dma_start3A_11 = arith.constant 0 : i32
      %dma_start3A_12 = tpu.memref_slice %arg5[%arg0, %dma_start3A, %dma_start3A_11] : memref<2x50016x32xf32, #tpu.memory_space<hbm>> -> memref<1x50016x32xf32, #tpu.memory_space<hbm>>
      %dma_start3A_13 = tpu.memref_squeeze %dma_start3A_12 : memref<1x50016x32xf32, #tpu.memory_space<hbm>> -> memref<50016x32xf32, #tpu.memory_space<hbm>>
      %dma_start3A_14 = arith.constant 0 : i32
      %dma_start3A_15 = tpu.memref_slice %dma_start3A_13[%mul3A_10, %dma_start3A_14] : memref<50016x32xf32, #tpu.memory_space<hbm>> -> memref<3126x32xf32, #tpu.memory_space<hbm>>
      %dma_start3A_16 = arith.constant 0 : i32
      %dma_start3A_17 = tpu.memref_slice %arg6[%mul3A_8, %dma_start3A_16] : memref<50016x32xf32, #tpu.memory_space<vmem_shared>> -> memref<3126x32xf32, #tpu.memory_space<vmem_shared>>
      tpu.enqueue_dma source(%dma_start3A_17 : memref<3126x32xf32, #tpu.memory_space<vmem_shared>>) target(%dma_start3A_15 : memref<3126x32xf32, #tpu.memory_space<hbm>>) target_semaphore(%run_scoped3A : memref<!tpu.dma_semaphore, #tpu.memory_space<semaphore_mem>>)
      %dma_wait3A = arith.constant 0 : i32
      %dma_wait3A_18 = arith.constant 0 : i32
      %dma_wait3A_19 = tpu.memref_slice %arg5[%arg0, %dma_wait3A, %dma_wait3A_18] : memref<2x50016x32xf32, #tpu.memory_space<hbm>> -> memref<1x50016x32xf32, #tpu.memory_space<hbm>>
      %dma_wait3A_20 = tpu.memref_squeeze %dma_wait3A_19 : memref<1x50016x32xf32, #tpu.memory_space<hbm>> -> memref<50016x32xf32, #tpu.memory_space<hbm>>
      %dma_wait3A_21 = arith.constant 0 : i32
      %dma_wait3A_22 = tpu.memref_slice %dma_wait3A_20[%mul3A_10, %dma_wait3A_21] : memref<50016x32xf32, #tpu.memory_space<hbm>> -> memref<3126x32xf32, #tpu.memory_space<hbm>>
      %dma_wait3A_23 = arith.constant 0 : i32
      %dma_wait3A_24 = tpu.memref_slice %arg6[%mul3A_8, %dma_wait3A_23] : memref<50016x32xf32, #tpu.memory_space<vmem_shared>> -> memref<3126x32xf32, #tpu.memory_space<vmem_shared>>
      tpu.wait_dma2 semaphore(%run_scoped3A : memref<!tpu.dma_semaphore, #tpu.memory_space<semaphore_mem>>) src(%dma_wait3A_24 : memref<3126x32xf32, #tpu.memory_space<vmem_shared>>) dst(%dma_wait3A_22 : memref<3126x32xf32, #tpu.memory_space<hbm>>)
      tpu.yield
    }) : () -> ()
    return
  }
}

#map = affine_map<(d0, d1) -> (0, 0)>
#map1 = affine_map<(d0, d1) -> (0)>
#map2 = affine_map<(d0, d1) -> (0, 0, 0)>
module attributes {stable_mosaic.version = 14 : i64} {
  func.func @_sc_gather_body(%arg0: i32, %arg1: i32, %arg2: memref<6272x128xi32, #tpu.memory_space<hbm>>, %arg3: memref<6272x128xi32, #tpu.memory_space<hbm>>, %arg4: memref<50000x8xf32, #tpu.memory_space<hbm>>, %arg5: memref<3126x8xf32, #tpu.memory_space<hbm>>, %arg6: memref<802816xf32, #tpu.memory_space<hbm>>, %arg7: memref<2x50016x8xf32, #tpu.memory_space<hbm>>, %arg8: memref<50016x8xf32, #tpu.memory_space<vmem_shared>>, %arg9: memref<14x128xi32, #tpu.memory_space<vmem>>, %arg10: memref<14x128xi32, #tpu.memory_space<vmem>>, %arg11: memref<1792x8xf32, #tpu.memory_space<vmem>>, %arg12: memref<1792xf32, #tpu.memory_space<vmem>>, %arg13: memref<!tpu.dma_semaphore, #tpu.memory_space<semaphore_mem>>, %arg14: memref<!tpu.dma_semaphore, #tpu.memory_space<semaphore_mem>>) attributes {dimension_semantics = [#tpu.dimension_semantics<core_parallel>, #tpu.dimension_semantics<subcore_parallel>], iteration_bounds = array<i64: 2, 16>, scalar_prefetch = 0 : i64, scratch_operands = 7 : i64, tpu.core_type = #tpu.core_type<sc_vector_subcore>, window_params = [{transform_indices = #map}, {transform_indices = #map}, {transform_indices = #map}, {transform_indices = #map}, {transform_indices = #map1}, {transform_indices = #map2}]} {
    %mul3A = arith.constant 2 : i32
    %mul3A_0 = arith.muli %arg1, %mul3A : i32
    %add3A = arith.addi %mul3A_0, %arg0 : i32
    %mul3A_1 = arith.constant 3126 : i32
    %mul3A_2 = arith.muli %arg1, %mul3A_1 : i32
    "tpu.region"() ({
      %run_scoped3A = tpu.sem_alloc : memref<!tpu.dma_semaphore, #tpu.memory_space<semaphore_mem>>
      %dma_start3A = arith.constant 0 : i32
      %dma_start3A_14 = tpu.memref_slice %arg8[%mul3A_2, %dma_start3A] : memref<50016x8xf32, #tpu.memory_space<vmem_shared>> -> memref<3126x8xf32, #tpu.memory_space<vmem_shared>>
      tpu.enqueue_dma source(%arg5 : memref<3126x8xf32, #tpu.memory_space<hbm>>) target(%dma_start3A_14 : memref<3126x8xf32, #tpu.memory_space<vmem_shared>>) target_semaphore(%run_scoped3A : memref<!tpu.dma_semaphore, #tpu.memory_space<semaphore_mem>>)
      %dma_wait3A = arith.constant 0 : i32
      %dma_wait3A_15 = tpu.memref_slice %arg8[%mul3A_2, %dma_wait3A] : memref<50016x8xf32, #tpu.memory_space<vmem_shared>> -> memref<3126x8xf32, #tpu.memory_space<vmem_shared>>
      tpu.wait_dma2 semaphore(%run_scoped3A : memref<!tpu.dma_semaphore, #tpu.memory_space<semaphore_mem>>) src(%arg5 : memref<3126x8xf32, #tpu.memory_space<hbm>>) dst(%dma_wait3A_15 : memref<3126x8xf32, #tpu.memory_space<vmem_shared>>)
      tpu.yield
    }) : () -> ()
    %barrier3A = arith.constant 0 : index
    tpu.barrier barrier_id(%barrier3A)
    %iota3A = tpu.iota {dimensions = array<i32: 0>} : vector<16xi32>
    %broadcast_in_dim3A = arith.constant 0 : i32
    %broadcast_in_dim3A_3 = vector.broadcast %broadcast_in_dim3A : i32 to vector<16xi32>
    %scan3A = arith.constant 0 : i32
    %scan3A_4 = arith.constant 0 : i32
    %scan3A_5 = arith.constant 14 : i32
    %scan3A_6 = arith.addi %scan3A_4, %scan3A_5 : i32
    %scan3A_7 = arith.constant 1 : i32
    scf.for %scan3A_14 = %scan3A_4 to %scan3A_6 step %scan3A_7  : i32 {
      %mul3A_15 = arith.constant 14 : i32
      %mul3A_16 = arith.muli %add3A, %mul3A_15 : i32
      %add3A_17 = arith.addi %mul3A_16, %scan3A_14 : i32
      %mul3A_18 = arith.constant 14 : i32
      %mul3A_19 = arith.muli %add3A_17, %mul3A_18 : i32
      "tpu.region"() ({
        %run_scoped3A = tpu.sem_alloc : memref<!tpu.dma_semaphore, #tpu.memory_space<semaphore_mem>>
        %dma_start3A_1250 = arith.constant 0 : i32
        %dma_start3A_1251 = tpu.memref_slice %arg2[%mul3A_19, %dma_start3A_1250] : memref<6272x128xi32, #tpu.memory_space<hbm>> -> memref<14x128xi32, #tpu.memory_space<hbm>>
        %dma_start3A_1252 = arith.constant 0 : i32
        %dma_start3A_1253 = tpu.memref_slice %arg2[%mul3A_19, %dma_start3A_1252] : memref<6272x128xi32, #tpu.memory_space<hbm>> -> memref<14x128xi32, #tpu.memory_space<hbm>>
        tpu.enqueue_dma source(%dma_start3A_1253 : memref<14x128xi32, #tpu.memory_space<hbm>>) target(%arg9 : memref<14x128xi32, #tpu.memory_space<vmem>>) target_semaphore(%run_scoped3A : memref<!tpu.dma_semaphore, #tpu.memory_space<semaphore_mem>>)
        %dma_wait3A_1254 = arith.constant 0 : i32
        %dma_wait3A_1255 = tpu.memref_slice %arg2[%mul3A_19, %dma_wait3A_1254] : memref<6272x128xi32, #tpu.memory_space<hbm>> -> memref<14x128xi32, #tpu.memory_space<hbm>>
        %dma_wait3A_1256 = arith.constant 0 : i32
        %dma_wait3A_1257 = tpu.memref_slice %arg2[%mul3A_19, %dma_wait3A_1256] : memref<6272x128xi32, #tpu.memory_space<hbm>> -> memref<14x128xi32, #tpu.memory_space<hbm>>
        tpu.wait_dma2 semaphore(%run_scoped3A : memref<!tpu.dma_semaphore, #tpu.memory_space<semaphore_mem>>) src(%dma_wait3A_1257 : memref<14x128xi32, #tpu.memory_space<hbm>>) dst(%arg9 : memref<14x128xi32, #tpu.memory_space<vmem>>)
        tpu.yield
      }) : () -> ()
      "tpu.region"() ({
        %run_scoped3A = tpu.sem_alloc : memref<!tpu.dma_semaphore, #tpu.memory_space<semaphore_mem>>
        %dma_start3A_1250 = arith.constant 0 : i32
        %dma_start3A_1251 = tpu.memref_slice %arg3[%mul3A_19, %dma_start3A_1250] : memref<6272x128xi32, #tpu.memory_space<hbm>> -> memref<14x128xi32, #tpu.memory_space<hbm>>
        %dma_start3A_1252 = arith.constant 0 : i32
        %dma_start3A_1253 = tpu.memref_slice %arg3[%mul3A_19, %dma_start3A_1252] : memref<6272x128xi32, #tpu.memory_space<hbm>> -> memref<14x128xi32, #tpu.memory_space<hbm>>
        tpu.enqueue_dma source(%dma_start3A_1253 : memref<14x128xi32, #tpu.memory_space<hbm>>) target(%arg10 : memref<14x128xi32, #tpu.memory_space<vmem>>) target_semaphore(%run_scoped3A : memref<!tpu.dma_semaphore, #tpu.memory_space<semaphore_mem>>)
        %dma_wait3A_1254 = arith.constant 0 : i32
        %dma_wait3A_1255 = tpu.memref_slice %arg3[%mul3A_19, %dma_wait3A_1254] : memref<6272x128xi32, #tpu.memory_space<hbm>> -> memref<14x128xi32, #tpu.memory_space<hbm>>
        %dma_wait3A_1256 = arith.constant 0 : i32
        %dma_wait3A_1257 = tpu.memref_slice %arg3[%mul3A_19, %dma_wait3A_1256] : memref<6272x128xi32, #tpu.memory_space<hbm>> -> memref<14x128xi32, #tpu.memory_space<hbm>>
        tpu.wait_dma2 semaphore(%run_scoped3A : memref<!tpu.dma_semaphore, #tpu.memory_space<semaphore_mem>>) src(%dma_wait3A_1257 : memref<14x128xi32, #tpu.memory_space<hbm>>) dst(%arg10 : memref<14x128xi32, #tpu.memory_space<vmem>>)
        tpu.yield
      }) : () -> ()
      %dma_start3A = arith.constant 0 : i32
      %dma_start3A_20 = arith.constant 0 : i32
      %dma_start3A_21 = arith.constant 0 : i32
      %dma_start3A_22 = tpu.memref_slice %arg11[%dma_start3A_20, %dma_start3A_21] : memref<1792x8xf32, #tpu.memory_space<vmem>> -> memref<128x8xf32, #tpu.memory_space<vmem>>
      %dma_start3A_23 = arith.constant 0 : i32
      %dma_start3A_24 = tpu.memref_slice %arg9[%dma_start3A, %dma_start3A_23] : memref<14x128xi32, #tpu.memory_space<vmem>> -> memref<1x128xi32, #tpu.memory_space<vmem>>
      %dma_start3A_25 = tpu.memref_squeeze %dma_start3A_24 : memref<1x128xi32, #tpu.memory_space<vmem>> -> memref<128xi32, #tpu.memory_space<vmem>>
      %dma_start3A_26 = arith.constant 0 : i32
      %dma_start3A_27 = arith.constant 0 : i32
      %dma_start3A_28 = tpu.memref_slice %arg4[%dma_start3A_26, %dma_start3A_27] : memref<50000x8xf32, #tpu.memory_space<hbm>> -> memref<50000x8xf32, #tpu.memory_space<hbm>>
      tpu.enqueue_indirect_dma source(%dma_start3A_28 : memref<50000x8xf32, #tpu.memory_space<hbm>>) target(%dma_start3A_22 : memref<128x8xf32, #tpu.memory_space<vmem>>) offsets(%dma_start3A_25 : memref<128xi32, #tpu.memory_space<vmem>>) semaphore(%arg13 : memref<!tpu.dma_semaphore, #tpu.memory_space<semaphore_mem>>)
      %dma_start3A_29 = arith.constant 1 : i32
      %dma_start3A_30 = arith.constant 128 : i32
      %dma_start3A_31 = arith.constant 0 : i32
      %dma_start3A_32 = tpu.memref_slice %arg11[%dma_start3A_30, %dma_start3A_31] : memref<1792x8xf32, #tpu.memory_space<vmem>> -> memref<128x8xf32, #tpu.memory_space<vmem>>
      %dma_start3A_33 = arith.constant 0 : i32
      %dma_start3A_34 = tpu.memref_slice %arg9[%dma_start3A_29, %dma_start3A_33] : memref<14x128xi32, #tpu.memory_space<vmem>> -> memref<1x128xi32, #tpu.memory_space<vmem>>
      %dma_start3A_35 = tpu.memref_squeeze %dma_start3A_34 : memref<1x128xi32, #tpu.memory_space<vmem>> -> memref<128xi32, #tpu.memory_space<vmem>>
      %dma_start3A_36 = arith.constant 0 : i32
      %dma_start3A_37 = arith.constant 0 : i32
      %dma_start3A_38 = tpu.memref_slice %arg4[%dma_start3A_36, %dma_start3A_37] : memref<50000x8xf32, #tpu.memory_space<hbm>> -> memref<50000x8xf32, #tpu.memory_space<hbm>>
      tpu.enqueue_indirect_dma source(%dma_start3A_38 : memref<50000x8xf32, #tpu.memory_space<hbm>>) target(%dma_start3A_32 : memref<128x8xf32, #tpu.memory_space<vmem>>) offsets(%dma_start3A_35 : memref<128xi32, #tpu.memory_space<vmem>>) semaphore(%arg13 : memref<!tpu.dma_semaphore, #tpu.memory_space<semaphore_mem>>)
      %dma_start3A_39 = arith.constant 2 : i32
      %dma_start3A_40 = arith.constant 256 : i32
      %dma_start3A_41 = arith.constant 0 : i32
      %dma_start3A_42 = tpu.memref_slice %arg11[%dma_start3A_40, %dma_start3A_41] : memref<1792x8xf32, #tpu.memory_space<vmem>> -> memref<128x8xf32, #tpu.memory_space<vmem>>
      %dma_start3A_43 = arith.constant 0 : i32
      %dma_start3A_44 = tpu.memref_slice %arg9[%dma_start3A_39, %dma_start3A_43] : memref<14x128xi32, #tpu.memory_space<vmem>> -> memref<1x128xi32, #tpu.memory_space<vmem>>
      %dma_start3A_45 = tpu.memref_squeeze %dma_start3A_44 : memref<1x128xi32, #tpu.memory_space<vmem>> -> memref<128xi32, #tpu.memory_space<vmem>>
      %dma_start3A_46 = arith.constant 0 : i32
      %dma_start3A_47 = arith.constant 0 : i32
      %dma_start3A_48 = tpu.memref_slice %arg4[%dma_start3A_46, %dma_start3A_47] : memref<50000x8xf32, #tpu.memory_space<hbm>> -> memref<50000x8xf32, #tpu.memory_space<hbm>>
      tpu.enqueue_indirect_dma source(%dma_start3A_48 : memref<50000x8xf32, #tpu.memory_space<hbm>>) target(%dma_start3A_42 : memref<128x8xf32, #tpu.memory_space<vmem>>) offsets(%dma_start3A_45 : memref<128xi32, #tpu.memory_space<vmem>>) semaphore(%arg13 : memref<!tpu.dma_semaphore, #tpu.memory_space<semaphore_mem>>)
      %dma_start3A_49 = arith.constant 3 : i32
      %dma_start3A_50 = arith.constant 384 : i32
      %dma_start3A_51 = arith.constant 0 : i32
      %dma_start3A_52 = tpu.memref_slice %arg11[%dma_start3A_50, %dma_start3A_51] : memref<1792x8xf32, #tpu.memory_space<vmem>> -> memref<128x8xf32, #tpu.memory_space<vmem>>
      %dma_start3A_53 = arith.constant 0 : i32
      %dma_start3A_54 = tpu.memref_slice %arg9[%dma_start3A_49, %dma_start3A_53] : memref<14x128xi32, #tpu.memory_space<vmem>> -> memref<1x128xi32, #tpu.memory_space<vmem>>
      %dma_start3A_55 = tpu.memref_squeeze %dma_start3A_54 : memref<1x128xi32, #tpu.memory_space<vmem>> -> memref<128xi32, #tpu.memory_space<vmem>>
      %dma_start3A_56 = arith.constant 0 : i32
      %dma_start3A_57 = arith.constant 0 : i32
      %dma_start3A_58 = tpu.memref_slice %arg4[%dma_start3A_56, %dma_start3A_57] : memref<50000x8xf32, #tpu.memory_space<hbm>> -> memref<50000x8xf32, #tpu.memory_space<hbm>>
      tpu.enqueue_indirect_dma source(%dma_start3A_58 : memref<50000x8xf32, #tpu.memory_space<hbm>>) target(%dma_start3A_52 : memref<128x8xf32, #tpu.memory_space<vmem>>) offsets(%dma_start3A_55 : memref<128xi32, #tpu.memory_space<vmem>>) semaphore(%arg13 : memref<!tpu.dma_semaphore, #tpu.memory_space<semaphore_mem>>)
      %dma_start3A_59 = arith.constant 4 : i32
      %dma_start3A_60 = arith.constant 512 : i32
      %dma_start3A_61 = arith.constant 0 : i32
      %dma_start3A_62 = tpu.memref_slice %arg11[%dma_start3A_60, %dma_start3A_61] : memref<1792x8xf32, #tpu.memory_space<vmem>> -> memref<128x8xf32, #tpu.memory_space<vmem>>
      %dma_start3A_63 = arith.constant 0 : i32
      %dma_start3A_64 = tpu.memref_slice %arg9[%dma_start3A_59, %dma_start3A_63] : memref<14x128xi32, #tpu.memory_space<vmem>> -> memref<1x128xi32, #tpu.memory_space<vmem>>
      %dma_start3A_65 = tpu.memref_squeeze %dma_start3A_64 : memref<1x128xi32, #tpu.memory_space<vmem>> -> memref<128xi32, #tpu.memory_space<vmem>>
      %dma_start3A_66 = arith.constant 0 : i32
      %dma_start3A_67 = arith.constant 0 : i32
      %dma_start3A_68 = tpu.memref_slice %arg4[%dma_start3A_66, %dma_start3A_67] : memref<50000x8xf32, #tpu.memory_space<hbm>> -> memref<50000x8xf32, #tpu.memory_space<hbm>>
      tpu.enqueue_indirect_dma source(%dma_start3A_68 : memref<50000x8xf32, #tpu.memory_space<hbm>>) target(%dma_start3A_62 : memref<128x8xf32, #tpu.memory_space<vmem>>) offsets(%dma_start3A_65 : memref<128xi32, #tpu.memory_space<vmem>>) semaphore(%arg13 : memref<!tpu.dma_semaphore, #tpu.memory_space<semaphore_mem>>)
      %dma_start3A_69 = arith.constant 5 : i32
      %dma_start3A_70 = arith.constant 640 : i32
      %dma_start3A_71 = arith.constant 0 : i32
      %dma_start3A_72 = tpu.memref_slice %arg11[%dma_start3A_70, %dma_start3A_71] : memref<1792x8xf32, #tpu.memory_space<vmem>> -> memref<128x8xf32, #tpu.memory_space<vmem>>
      %dma_start3A_73 = arith.constant 0 : i32
      %dma_start3A_74 = tpu.memref_slice %arg9[%dma_start3A_69, %dma_start3A_73] : memref<14x128xi32, #tpu.memory_space<vmem>> -> memref<1x128xi32, #tpu.memory_space<vmem>>
      %dma_start3A_75 = tpu.memref_squeeze %dma_start3A_74 : memref<1x128xi32, #tpu.memory_space<vmem>> -> memref<128xi32, #tpu.memory_space<vmem>>
      %dma_start3A_76 = arith.constant 0 : i32
      %dma_start3A_77 = arith.constant 0 : i32
      %dma_start3A_78 = tpu.memref_slice %arg4[%dma_start3A_76, %dma_start3A_77] : memref<50000x8xf32, #tpu.memory_space<hbm>> -> memref<50000x8xf32, #tpu.memory_space<hbm>>
      tpu.enqueue_indirect_dma source(%dma_start3A_78 : memref<50000x8xf32, #tpu.memory_space<hbm>>) target(%dma_start3A_72 : memref<128x8xf32, #tpu.memory_space<vmem>>) offsets(%dma_start3A_75 : memref<128xi32, #tpu.memory_space<vmem>>) semaphore(%arg13 : memref<!tpu.dma_semaphore, #tpu.memory_space<semaphore_mem>>)
      %dma_start3A_79 = arith.constant 6 : i32
      %dma_start3A_80 = arith.constant 768 : i32
      %dma_start3A_81 = arith.constant 0 : i32
      %dma_start3A_82 = tpu.memref_slice %arg11[%dma_start3A_80, %dma_start3A_81] : memref<1792x8xf32, #tpu.memory_space<vmem>> -> memref<128x8xf32, #tpu.memory_space<vmem>>
      %dma_start3A_83 = arith.constant 0 : i32
      %dma_start3A_84 = tpu.memref_slice %arg9[%dma_start3A_79, %dma_start3A_83] : memref<14x128xi32, #tpu.memory_space<vmem>> -> memref<1x128xi32, #tpu.memory_space<vmem>>
      %dma_start3A_85 = tpu.memref_squeeze %dma_start3A_84 : memref<1x128xi32, #tpu.memory_space<vmem>> -> memref<128xi32, #tpu.memory_space<vmem>>
      %dma_start3A_86 = arith.constant 0 : i32
      %dma_start3A_87 = arith.constant 0 : i32
      %dma_start3A_88 = tpu.memref_slice %arg4[%dma_start3A_86, %dma_start3A_87] : memref<50000x8xf32, #tpu.memory_space<hbm>> -> memref<50000x8xf32, #tpu.memory_space<hbm>>
      tpu.enqueue_indirect_dma source(%dma_start3A_88 : memref<50000x8xf32, #tpu.memory_space<hbm>>) target(%dma_start3A_82 : memref<128x8xf32, #tpu.memory_space<vmem>>) offsets(%dma_start3A_85 : memref<128xi32, #tpu.memory_space<vmem>>) semaphore(%arg13 : memref<!tpu.dma_semaphore, #tpu.memory_space<semaphore_mem>>)
      %dma_start3A_89 = arith.constant 7 : i32
      %dma_start3A_90 = arith.constant 896 : i32
      %dma_start3A_91 = arith.constant 0 : i32
      %dma_start3A_92 = tpu.memref_slice %arg11[%dma_start3A_90, %dma_start3A_91] : memref<1792x8xf32, #tpu.memory_space<vmem>> -> memref<128x8xf32, #tpu.memory_space<vmem>>
      %dma_start3A_93 = arith.constant 0 : i32
      %dma_start3A_94 = tpu.memref_slice %arg9[%dma_start3A_89, %dma_start3A_93] : memref<14x128xi32, #tpu.memory_space<vmem>> -> memref<1x128xi32, #tpu.memory_space<vmem>>
      %dma_start3A_95 = tpu.memref_squeeze %dma_start3A_94 : memref<1x128xi32, #tpu.memory_space<vmem>> -> memref<128xi32, #tpu.memory_space<vmem>>
      %dma_start3A_96 = arith.constant 0 : i32
      %dma_start3A_97 = arith.constant 0 : i32
      %dma_start3A_98 = tpu.memref_slice %arg4[%dma_start3A_96, %dma_start3A_97] : memref<50000x8xf32, #tpu.memory_space<hbm>> -> memref<50000x8xf32, #tpu.memory_space<hbm>>
      tpu.enqueue_indirect_dma source(%dma_start3A_98 : memref<50000x8xf32, #tpu.memory_space<hbm>>) target(%dma_start3A_92 : memref<128x8xf32, #tpu.memory_space<vmem>>) offsets(%dma_start3A_95 : memref<128xi32, #tpu.memory_space<vmem>>) semaphore(%arg13 : memref<!tpu.dma_semaphore, #tpu.memory_space<semaphore_mem>>)
      %dma_start3A_99 = arith.constant 8 : i32
      %dma_start3A_100 = arith.constant 1024 : i32
      %dma_start3A_101 = arith.constant 0 : i32
      %dma_start3A_102 = tpu.memref_slice %arg11[%dma_start3A_100, %dma_start3A_101] : memref<1792x8xf32, #tpu.memory_space<vmem>> -> memref<128x8xf32, #tpu.memory_space<vmem>>
      %dma_start3A_103 = arith.constant 0 : i32
      %dma_start3A_104 = tpu.memref_slice %arg9[%dma_start3A_99, %dma_start3A_103] : memref<14x128xi32, #tpu.memory_space<vmem>> -> memref<1x128xi32, #tpu.memory_space<vmem>>
      %dma_start3A_105 = tpu.memref_squeeze %dma_start3A_104 : memref<1x128xi32, #tpu.memory_space<vmem>> -> memref<128xi32, #tpu.memory_space<vmem>>
      %dma_start3A_106 = arith.constant 0 : i32
      %dma_start3A_107 = arith.constant 0 : i32
      %dma_start3A_108 = tpu.memref_slice %arg4[%dma_start3A_106, %dma_start3A_107] : memref<50000x8xf32, #tpu.memory_space<hbm>> -> memref<50000x8xf32, #tpu.memory_space<hbm>>
      tpu.enqueue_indirect_dma source(%dma_start3A_108 : memref<50000x8xf32, #tpu.memory_space<hbm>>) target(%dma_start3A_102 : memref<128x8xf32, #tpu.memory_space<vmem>>) offsets(%dma_start3A_105 : memref<128xi32, #tpu.memory_space<vmem>>) semaphore(%arg13 : memref<!tpu.dma_semaphore, #tpu.memory_space<semaphore_mem>>)
      %dma_start3A_109 = arith.constant 9 : i32
      %dma_start3A_110 = arith.constant 1152 : i32
      %dma_start3A_111 = arith.constant 0 : i32
      %dma_start3A_112 = tpu.memref_slice %arg11[%dma_start3A_110, %dma_start3A_111] : memref<1792x8xf32, #tpu.memory_space<vmem>> -> memref<128x8xf32, #tpu.memory_space<vmem>>
      %dma_start3A_113 = arith.constant 0 : i32
      %dma_start3A_114 = tpu.memref_slice %arg9[%dma_start3A_109, %dma_start3A_113] : memref<14x128xi32, #tpu.memory_space<vmem>> -> memref<1x128xi32, #tpu.memory_space<vmem>>
      %dma_start3A_115 = tpu.memref_squeeze %dma_start3A_114 : memref<1x128xi32, #tpu.memory_space<vmem>> -> memref<128xi32, #tpu.memory_space<vmem>>
      %dma_start3A_116 = arith.constant 0 : i32
      %dma_start3A_117 = arith.constant 0 : i32
      %dma_start3A_118 = tpu.memref_slice %arg4[%dma_start3A_116, %dma_start3A_117] : memref<50000x8xf32, #tpu.memory_space<hbm>> -> memref<50000x8xf32, #tpu.memory_space<hbm>>
      tpu.enqueue_indirect_dma source(%dma_start3A_118 : memref<50000x8xf32, #tpu.memory_space<hbm>>) target(%dma_start3A_112 : memref<128x8xf32, #tpu.memory_space<vmem>>) offsets(%dma_start3A_115 : memref<128xi32, #tpu.memory_space<vmem>>) semaphore(%arg13 : memref<!tpu.dma_semaphore, #tpu.memory_space<semaphore_mem>>)
      %dma_start3A_119 = arith.constant 10 : i32
      %dma_start3A_120 = arith.constant 1280 : i32
      %dma_start3A_121 = arith.constant 0 : i32
      %dma_start3A_122 = tpu.memref_slice %arg11[%dma_start3A_120, %dma_start3A_121] : memref<1792x8xf32, #tpu.memory_space<vmem>> -> memref<128x8xf32, #tpu.memory_space<vmem>>
      %dma_start3A_123 = arith.constant 0 : i32
      %dma_start3A_124 = tpu.memref_slice %arg9[%dma_start3A_119, %dma_start3A_123] : memref<14x128xi32, #tpu.memory_space<vmem>> -> memref<1x128xi32, #tpu.memory_space<vmem>>
      %dma_start3A_125 = tpu.memref_squeeze %dma_start3A_124 : memref<1x128xi32, #tpu.memory_space<vmem>> -> memref<128xi32, #tpu.memory_space<vmem>>
      %dma_start3A_126 = arith.constant 0 : i32
      %dma_start3A_127 = arith.constant 0 : i32
      %dma_start3A_128 = tpu.memref_slice %arg4[%dma_start3A_126, %dma_start3A_127] : memref<50000x8xf32, #tpu.memory_space<hbm>> -> memref<50000x8xf32, #tpu.memory_space<hbm>>
      tpu.enqueue_indirect_dma source(%dma_start3A_128 : memref<50000x8xf32, #tpu.memory_space<hbm>>) target(%dma_start3A_122 : memref<128x8xf32, #tpu.memory_space<vmem>>) offsets(%dma_start3A_125 : memref<128xi32, #tpu.memory_space<vmem>>) semaphore(%arg13 : memref<!tpu.dma_semaphore, #tpu.memory_space<semaphore_mem>>)
      %dma_start3A_129 = arith.constant 11 : i32
      %dma_start3A_130 = arith.constant 1408 : i32
      %dma_start3A_131 = arith.constant 0 : i32
      %dma_start3A_132 = tpu.memref_slice %arg11[%dma_start3A_130, %dma_start3A_131] : memref<1792x8xf32, #tpu.memory_space<vmem>> -> memref<128x8xf32, #tpu.memory_space<vmem>>
      %dma_start3A_133 = arith.constant 0 : i32
      %dma_start3A_134 = tpu.memref_slice %arg9[%dma_start3A_129, %dma_start3A_133] : memref<14x128xi32, #tpu.memory_space<vmem>> -> memref<1x128xi32, #tpu.memory_space<vmem>>
      %dma_start3A_135 = tpu.memref_squeeze %dma_start3A_134 : memref<1x128xi32, #tpu.memory_space<vmem>> -> memref<128xi32, #tpu.memory_space<vmem>>
      %dma_start3A_136 = arith.constant 0 : i32
      %dma_start3A_137 = arith.constant 0 : i32
      %dma_start3A_138 = tpu.memref_slice %arg4[%dma_start3A_136, %dma_start3A_137] : memref<50000x8xf32, #tpu.memory_space<hbm>> -> memref<50000x8xf32, #tpu.memory_space<hbm>>
      tpu.enqueue_indirect_dma source(%dma_start3A_138 : memref<50000x8xf32, #tpu.memory_space<hbm>>) target(%dma_start3A_132 : memref<128x8xf32, #tpu.memory_space<vmem>>) offsets(%dma_start3A_135 : memref<128xi32, #tpu.memory_space<vmem>>) semaphore(%arg13 : memref<!tpu.dma_semaphore, #tpu.memory_space<semaphore_mem>>)
      %dma_start3A_139 = arith.constant 12 : i32
      %dma_start3A_140 = arith.constant 1536 : i32
      %dma_start3A_141 = arith.constant 0 : i32
      %dma_start3A_142 = tpu.memref_slice %arg11[%dma_start3A_140, %dma_start3A_141] : memref<1792x8xf32, #tpu.memory_space<vmem>> -> memref<128x8xf32, #tpu.memory_space<vmem>>
      %dma_start3A_143 = arith.constant 0 : i32
      %dma_start3A_144 = tpu.memref_slice %arg9[%dma_start3A_139, %dma_start3A_143] : memref<14x128xi32, #tpu.memory_space<vmem>> -> memref<1x128xi32, #tpu.memory_space<vmem>>
      %dma_start3A_145 = tpu.memref_squeeze %dma_start3A_144 : memref<1x128xi32, #tpu.memory_space<vmem>> -> memref<128xi32, #tpu.memory_space<vmem>>
      %dma_start3A_146 = arith.constant 0 : i32
      %dma_start3A_147 = arith.constant 0 : i32
      %dma_start3A_148 = tpu.memref_slice %arg4[%dma_start3A_146, %dma_start3A_147] : memref<50000x8xf32, #tpu.memory_space<hbm>> -> memref<50000x8xf32, #tpu.memory_space<hbm>>
      tpu.enqueue_indirect_dma source(%dma_start3A_148 : memref<50000x8xf32, #tpu.memory_space<hbm>>) target(%dma_start3A_142 : memref<128x8xf32, #tpu.memory_space<vmem>>) offsets(%dma_start3A_145 : memref<128xi32, #tpu.memory_space<vmem>>) semaphore(%arg13 : memref<!tpu.dma_semaphore, #tpu.memory_space<semaphore_mem>>)
      %dma_start3A_149 = arith.constant 13 : i32
      %dma_start3A_150 = arith.constant 1664 : i32
      %dma_start3A_151 = arith.constant 0 : i32
      %dma_start3A_152 = tpu.memref_slice %arg11[%dma_start3A_150, %dma_start3A_151] : memref<1792x8xf32, #tpu.memory_space<vmem>> -> memref<128x8xf32, #tpu.memory_space<vmem>>
      %dma_start3A_153 = arith.constant 0 : i32
      %dma_start3A_154 = tpu.memref_slice %arg9[%dma_start3A_149, %dma_start3A_153] : memref<14x128xi32, #tpu.memory_space<vmem>> -> memref<1x128xi32, #tpu.memory_space<vmem>>
      %dma_start3A_155 = tpu.memref_squeeze %dma_start3A_154 : memref<1x128xi32, #tpu.memory_space<vmem>> -> memref<128xi32, #tpu.memory_space<vmem>>
      %dma_start3A_156 = arith.constant 0 : i32
      %dma_start3A_157 = arith.constant 0 : i32
      %dma_start3A_158 = tpu.memref_slice %arg4[%dma_start3A_156, %dma_start3A_157] : memref<50000x8xf32, #tpu.memory_space<hbm>> -> memref<50000x8xf32, #tpu.memory_space<hbm>>
      tpu.enqueue_indirect_dma source(%dma_start3A_158 : memref<50000x8xf32, #tpu.memory_space<hbm>>) target(%dma_start3A_152 : memref<128x8xf32, #tpu.memory_space<vmem>>) offsets(%dma_start3A_155 : memref<128xi32, #tpu.memory_space<vmem>>) semaphore(%arg13 : memref<!tpu.dma_semaphore, #tpu.memory_space<semaphore_mem>>)
      %dma_wait3A = arith.constant 0 : i32
      %dma_wait3A_159 = arith.constant 0 : i32
      %dma_wait3A_160 = arith.constant 0 : i32
      %dma_wait3A_161 = tpu.memref_slice %arg11[%dma_wait3A_159, %dma_wait3A_160] : memref<1792x8xf32, #tpu.memory_space<vmem>> -> memref<128x8xf32, #tpu.memory_space<vmem>>
      %dma_wait3A_162 = arith.constant 0 : i32
      %dma_wait3A_163 = tpu.memref_slice %arg9[%dma_wait3A, %dma_wait3A_162] : memref<14x128xi32, #tpu.memory_space<vmem>> -> memref<1x128xi32, #tpu.memory_space<vmem>>
      %dma_wait3A_164 = tpu.memref_squeeze %dma_wait3A_163 : memref<1x128xi32, #tpu.memory_space<vmem>> -> memref<128xi32, #tpu.memory_space<vmem>>
      %dma_wait3A_165 = arith.constant 0 : i32
      %dma_wait3A_166 = arith.constant 0 : i32
      %dma_wait3A_167 = tpu.memref_slice %arg4[%dma_wait3A_165, %dma_wait3A_166] : memref<50000x8xf32, #tpu.memory_space<hbm>> -> memref<50000x8xf32, #tpu.memory_space<hbm>>
      tpu.wait_indirect_dma semaphore(%arg13 : memref<!tpu.dma_semaphore, #tpu.memory_space<semaphore_mem>>) src(%dma_wait3A_167 : memref<50000x8xf32, #tpu.memory_space<hbm>>) dst(%dma_wait3A_161 : memref<128x8xf32, #tpu.memory_space<vmem>>)
      %dma_wait3A_168 = arith.constant 1 : i32
      %dma_wait3A_169 = arith.constant 128 : i32
      %dma_wait3A_170 = arith.constant 0 : i32
      %dma_wait3A_171 = tpu.memref_slice %arg11[%dma_wait3A_169, %dma_wait3A_170] : memref<1792x8xf32, #tpu.memory_space<vmem>> -> memref<128x8xf32, #tpu.memory_space<vmem>>
      %dma_wait3A_172 = arith.constant 0 : i32
      %dma_wait3A_173 = tpu.memref_slice %arg9[%dma_wait3A_168, %dma_wait3A_172] : memref<14x128xi32, #tpu.memory_space<vmem>> -> memref<1x128xi32, #tpu.memory_space<vmem>>
      %dma_wait3A_174 = tpu.memref_squeeze %dma_wait3A_173 : memref<1x128xi32, #tpu.memory_space<vmem>> -> memref<128xi32, #tpu.memory_space<vmem>>
      %dma_wait3A_175 = arith.constant 0 : i32
      %dma_wait3A_176 = arith.constant 0 : i32
      %dma_wait3A_177 = tpu.memref_slice %arg4[%dma_wait3A_175, %dma_wait3A_176] : memref<50000x8xf32, #tpu.memory_space<hbm>> -> memref<50000x8xf32, #tpu.memory_space<hbm>>
      tpu.wait_indirect_dma semaphore(%arg13 : memref<!tpu.dma_semaphore, #tpu.memory_space<semaphore_mem>>) src(%dma_wait3A_177 : memref<50000x8xf32, #tpu.memory_space<hbm>>) dst(%dma_wait3A_171 : memref<128x8xf32, #tpu.memory_space<vmem>>)
      %dma_wait3A_178 = arith.constant 2 : i32
      %dma_wait3A_179 = arith.constant 256 : i32
      %dma_wait3A_180 = arith.constant 0 : i32
      %dma_wait3A_181 = tpu.memref_slice %arg11[%dma_wait3A_179, %dma_wait3A_180] : memref<1792x8xf32, #tpu.memory_space<vmem>> -> memref<128x8xf32, #tpu.memory_space<vmem>>
      %dma_wait3A_182 = arith.constant 0 : i32
      %dma_wait3A_183 = tpu.memref_slice %arg9[%dma_wait3A_178, %dma_wait3A_182] : memref<14x128xi32, #tpu.memory_space<vmem>> -> memref<1x128xi32, #tpu.memory_space<vmem>>
      %dma_wait3A_184 = tpu.memref_squeeze %dma_wait3A_183 : memref<1x128xi32, #tpu.memory_space<vmem>> -> memref<128xi32, #tpu.memory_space<vmem>>
      %dma_wait3A_185 = arith.constant 0 : i32
      %dma_wait3A_186 = arith.constant 0 : i32
      %dma_wait3A_187 = tpu.memref_slice %arg4[%dma_wait3A_185, %dma_wait3A_186] : memref<50000x8xf32, #tpu.memory_space<hbm>> -> memref<50000x8xf32, #tpu.memory_space<hbm>>
      tpu.wait_indirect_dma semaphore(%arg13 : memref<!tpu.dma_semaphore, #tpu.memory_space<semaphore_mem>>) src(%dma_wait3A_187 : memref<50000x8xf32, #tpu.memory_space<hbm>>) dst(%dma_wait3A_181 : memref<128x8xf32, #tpu.memory_space<vmem>>)
      %dma_wait3A_188 = arith.constant 3 : i32
      %dma_wait3A_189 = arith.constant 384 : i32
      %dma_wait3A_190 = arith.constant 0 : i32
      %dma_wait3A_191 = tpu.memref_slice %arg11[%dma_wait3A_189, %dma_wait3A_190] : memref<1792x8xf32, #tpu.memory_space<vmem>> -> memref<128x8xf32, #tpu.memory_space<vmem>>
      %dma_wait3A_192 = arith.constant 0 : i32
      %dma_wait3A_193 = tpu.memref_slice %arg9[%dma_wait3A_188, %dma_wait3A_192] : memref<14x128xi32, #tpu.memory_space<vmem>> -> memref<1x128xi32, #tpu.memory_space<vmem>>
      %dma_wait3A_194 = tpu.memref_squeeze %dma_wait3A_193 : memref<1x128xi32, #tpu.memory_space<vmem>> -> memref<128xi32, #tpu.memory_space<vmem>>
      %dma_wait3A_195 = arith.constant 0 : i32
      %dma_wait3A_196 = arith.constant 0 : i32
      %dma_wait3A_197 = tpu.memref_slice %arg4[%dma_wait3A_195, %dma_wait3A_196] : memref<50000x8xf32, #tpu.memory_space<hbm>> -> memref<50000x8xf32, #tpu.memory_space<hbm>>
      tpu.wait_indirect_dma semaphore(%arg13 : memref<!tpu.dma_semaphore, #tpu.memory_space<semaphore_mem>>) src(%dma_wait3A_197 : memref<50000x8xf32, #tpu.memory_space<hbm>>) dst(%dma_wait3A_191 : memref<128x8xf32, #tpu.memory_space<vmem>>)
      %dma_wait3A_198 = arith.constant 4 : i32
      %dma_wait3A_199 = arith.constant 512 : i32
      %dma_wait3A_200 = arith.constant 0 : i32
      %dma_wait3A_201 = tpu.memref_slice %arg11[%dma_wait3A_199, %dma_wait3A_200] : memref<1792x8xf32, #tpu.memory_space<vmem>> -> memref<128x8xf32, #tpu.memory_space<vmem>>
      %dma_wait3A_202 = arith.constant 0 : i32
      %dma_wait3A_203 = tpu.memref_slice %arg9[%dma_wait3A_198, %dma_wait3A_202] : memref<14x128xi32, #tpu.memory_space<vmem>> -> memref<1x128xi32, #tpu.memory_space<vmem>>
      %dma_wait3A_204 = tpu.memref_squeeze %dma_wait3A_203 : memref<1x128xi32, #tpu.memory_space<vmem>> -> memref<128xi32, #tpu.memory_space<vmem>>
      %dma_wait3A_205 = arith.constant 0 : i32
      %dma_wait3A_206 = arith.constant 0 : i32
      %dma_wait3A_207 = tpu.memref_slice %arg4[%dma_wait3A_205, %dma_wait3A_206] : memref<50000x8xf32, #tpu.memory_space<hbm>> -> memref<50000x8xf32, #tpu.memory_space<hbm>>
      tpu.wait_indirect_dma semaphore(%arg13 : memref<!tpu.dma_semaphore, #tpu.memory_space<semaphore_mem>>) src(%dma_wait3A_207 : memref<50000x8xf32, #tpu.memory_space<hbm>>) dst(%dma_wait3A_201 : memref<128x8xf32, #tpu.memory_space<vmem>>)
      %dma_wait3A_208 = arith.constant 5 : i32
      %dma_wait3A_209 = arith.constant 640 : i32
      %dma_wait3A_210 = arith.constant 0 : i32
      %dma_wait3A_211 = tpu.memref_slice %arg11[%dma_wait3A_209, %dma_wait3A_210] : memref<1792x8xf32, #tpu.memory_space<vmem>> -> memref<128x8xf32, #tpu.memory_space<vmem>>
      %dma_wait3A_212 = arith.constant 0 : i32
      %dma_wait3A_213 = tpu.memref_slice %arg9[%dma_wait3A_208, %dma_wait3A_212] : memref<14x128xi32, #tpu.memory_space<vmem>> -> memref<1x128xi32, #tpu.memory_space<vmem>>
      %dma_wait3A_214 = tpu.memref_squeeze %dma_wait3A_213 : memref<1x128xi32, #tpu.memory_space<vmem>> -> memref<128xi32, #tpu.memory_space<vmem>>
      %dma_wait3A_215 = arith.constant 0 : i32
      %dma_wait3A_216 = arith.constant 0 : i32
      %dma_wait3A_217 = tpu.memref_slice %arg4[%dma_wait3A_215, %dma_wait3A_216] : memref<50000x8xf32, #tpu.memory_space<hbm>> -> memref<50000x8xf32, #tpu.memory_space<hbm>>
      tpu.wait_indirect_dma semaphore(%arg13 : memref<!tpu.dma_semaphore, #tpu.memory_space<semaphore_mem>>) src(%dma_wait3A_217 : memref<50000x8xf32, #tpu.memory_space<hbm>>) dst(%dma_wait3A_211 : memref<128x8xf32, #tpu.memory_space<vmem>>)
      %dma_wait3A_218 = arith.constant 6 : i32
      %dma_wait3A_219 = arith.constant 768 : i32
      %dma_wait3A_220 = arith.constant 0 : i32
      %dma_wait3A_221 = tpu.memref_slice %arg11[%dma_wait3A_219, %dma_wait3A_220] : memref<1792x8xf32, #tpu.memory_space<vmem>> -> memref<128x8xf32, #tpu.memory_space<vmem>>
      %dma_wait3A_222 = arith.constant 0 : i32
      %dma_wait3A_223 = tpu.memref_slice %arg9[%dma_wait3A_218, %dma_wait3A_222] : memref<14x128xi32, #tpu.memory_space<vmem>> -> memref<1x128xi32, #tpu.memory_space<vmem>>
      %dma_wait3A_224 = tpu.memref_squeeze %dma_wait3A_223 : memref<1x128xi32, #tpu.memory_space<vmem>> -> memref<128xi32, #tpu.memory_space<vmem>>
      %dma_wait3A_225 = arith.constant 0 : i32
      %dma_wait3A_226 = arith.constant 0 : i32
      %dma_wait3A_227 = tpu.memref_slice %arg4[%dma_wait3A_225, %dma_wait3A_226] : memref<50000x8xf32, #tpu.memory_space<hbm>> -> memref<50000x8xf32, #tpu.memory_space<hbm>>
      tpu.wait_indirect_dma semaphore(%arg13 : memref<!tpu.dma_semaphore, #tpu.memory_space<semaphore_mem>>) src(%dma_wait3A_227 : memref<50000x8xf32, #tpu.memory_space<hbm>>) dst(%dma_wait3A_221 : memref<128x8xf32, #tpu.memory_space<vmem>>)
      %dma_wait3A_228 = arith.constant 7 : i32
      %dma_wait3A_229 = arith.constant 896 : i32
      %dma_wait3A_230 = arith.constant 0 : i32
      %dma_wait3A_231 = tpu.memref_slice %arg11[%dma_wait3A_229, %dma_wait3A_230] : memref<1792x8xf32, #tpu.memory_space<vmem>> -> memref<128x8xf32, #tpu.memory_space<vmem>>
      %dma_wait3A_232 = arith.constant 0 : i32
      %dma_wait3A_233 = tpu.memref_slice %arg9[%dma_wait3A_228, %dma_wait3A_232] : memref<14x128xi32, #tpu.memory_space<vmem>> -> memref<1x128xi32, #tpu.memory_space<vmem>>
      %dma_wait3A_234 = tpu.memref_squeeze %dma_wait3A_233 : memref<1x128xi32, #tpu.memory_space<vmem>> -> memref<128xi32, #tpu.memory_space<vmem>>
      %dma_wait3A_235 = arith.constant 0 : i32
      %dma_wait3A_236 = arith.constant 0 : i32
      %dma_wait3A_237 = tpu.memref_slice %arg4[%dma_wait3A_235, %dma_wait3A_236] : memref<50000x8xf32, #tpu.memory_space<hbm>> -> memref<50000x8xf32, #tpu.memory_space<hbm>>
      tpu.wait_indirect_dma semaphore(%arg13 : memref<!tpu.dma_semaphore, #tpu.memory_space<semaphore_mem>>) src(%dma_wait3A_237 : memref<50000x8xf32, #tpu.memory_space<hbm>>) dst(%dma_wait3A_231 : memref<128x8xf32, #tpu.memory_space<vmem>>)
      %dma_wait3A_238 = arith.constant 8 : i32
      %dma_wait3A_239 = arith.constant 1024 : i32
      %dma_wait3A_240 = arith.constant 0 : i32
      %dma_wait3A_241 = tpu.memref_slice %arg11[%dma_wait3A_239, %dma_wait3A_240] : memref<1792x8xf32, #tpu.memory_space<vmem>> -> memref<128x8xf32, #tpu.memory_space<vmem>>
      %dma_wait3A_242 = arith.constant 0 : i32
      %dma_wait3A_243 = tpu.memref_slice %arg9[%dma_wait3A_238, %dma_wait3A_242] : memref<14x128xi32, #tpu.memory_space<vmem>> -> memref<1x128xi32, #tpu.memory_space<vmem>>
      %dma_wait3A_244 = tpu.memref_squeeze %dma_wait3A_243 : memref<1x128xi32, #tpu.memory_space<vmem>> -> memref<128xi32, #tpu.memory_space<vmem>>
      %dma_wait3A_245 = arith.constant 0 : i32
      %dma_wait3A_246 = arith.constant 0 : i32
      %dma_wait3A_247 = tpu.memref_slice %arg4[%dma_wait3A_245, %dma_wait3A_246] : memref<50000x8xf32, #tpu.memory_space<hbm>> -> memref<50000x8xf32, #tpu.memory_space<hbm>>
      tpu.wait_indirect_dma semaphore(%arg13 : memref<!tpu.dma_semaphore, #tpu.memory_space<semaphore_mem>>) src(%dma_wait3A_247 : memref<50000x8xf32, #tpu.memory_space<hbm>>) dst(%dma_wait3A_241 : memref<128x8xf32, #tpu.memory_space<vmem>>)
      %dma_wait3A_248 = arith.constant 9 : i32
      %dma_wait3A_249 = arith.constant 1152 : i32
      %dma_wait3A_250 = arith.constant 0 : i32
      %dma_wait3A_251 = tpu.memref_slice %arg11[%dma_wait3A_249, %dma_wait3A_250] : memref<1792x8xf32, #tpu.memory_space<vmem>> -> memref<128x8xf32, #tpu.memory_space<vmem>>
      %dma_wait3A_252 = arith.constant 0 : i32
      %dma_wait3A_253 = tpu.memref_slice %arg9[%dma_wait3A_248, %dma_wait3A_252] : memref<14x128xi32, #tpu.memory_space<vmem>> -> memref<1x128xi32, #tpu.memory_space<vmem>>
      %dma_wait3A_254 = tpu.memref_squeeze %dma_wait3A_253 : memref<1x128xi32, #tpu.memory_space<vmem>> -> memref<128xi32, #tpu.memory_space<vmem>>
      %dma_wait3A_255 = arith.constant 0 : i32
      %dma_wait3A_256 = arith.constant 0 : i32
      %dma_wait3A_257 = tpu.memref_slice %arg4[%dma_wait3A_255, %dma_wait3A_256] : memref<50000x8xf32, #tpu.memory_space<hbm>> -> memref<50000x8xf32, #tpu.memory_space<hbm>>
      tpu.wait_indirect_dma semaphore(%arg13 : memref<!tpu.dma_semaphore, #tpu.memory_space<semaphore_mem>>) src(%dma_wait3A_257 : memref<50000x8xf32, #tpu.memory_space<hbm>>) dst(%dma_wait3A_251 : memref<128x8xf32, #tpu.memory_space<vmem>>)
      %dma_wait3A_258 = arith.constant 10 : i32
      %dma_wait3A_259 = arith.constant 1280 : i32
      %dma_wait3A_260 = arith.constant 0 : i32
      %dma_wait3A_261 = tpu.memref_slice %arg11[%dma_wait3A_259, %dma_wait3A_260] : memref<1792x8xf32, #tpu.memory_space<vmem>> -> memref<128x8xf32, #tpu.memory_space<vmem>>
      %dma_wait3A_262 = arith.constant 0 : i32
      %dma_wait3A_263 = tpu.memref_slice %arg9[%dma_wait3A_258, %dma_wait3A_262] : memref<14x128xi32, #tpu.memory_space<vmem>> -> memref<1x128xi32, #tpu.memory_space<vmem>>
      %dma_wait3A_264 = tpu.memref_squeeze %dma_wait3A_263 : memref<1x128xi32, #tpu.memory_space<vmem>> -> memref<128xi32, #tpu.memory_space<vmem>>
      %dma_wait3A_265 = arith.constant 0 : i32
      %dma_wait3A_266 = arith.constant 0 : i32
      %dma_wait3A_267 = tpu.memref_slice %arg4[%dma_wait3A_265, %dma_wait3A_266] : memref<50000x8xf32, #tpu.memory_space<hbm>> -> memref<50000x8xf32, #tpu.memory_space<hbm>>
      tpu.wait_indirect_dma semaphore(%arg13 : memref<!tpu.dma_semaphore, #tpu.memory_space<semaphore_mem>>) src(%dma_wait3A_267 : memref<50000x8xf32, #tpu.memory_space<hbm>>) dst(%dma_wait3A_261 : memref<128x8xf32, #tpu.memory_space<vmem>>)
      %dma_wait3A_268 = arith.constant 11 : i32
      %dma_wait3A_269 = arith.constant 1408 : i32
      %dma_wait3A_270 = arith.constant 0 : i32
      %dma_wait3A_271 = tpu.memref_slice %arg11[%dma_wait3A_269, %dma_wait3A_270] : memref<1792x8xf32, #tpu.memory_space<vmem>> -> memref<128x8xf32, #tpu.memory_space<vmem>>
      %dma_wait3A_272 = arith.constant 0 : i32
      %dma_wait3A_273 = tpu.memref_slice %arg9[%dma_wait3A_268, %dma_wait3A_272] : memref<14x128xi32, #tpu.memory_space<vmem>> -> memref<1x128xi32, #tpu.memory_space<vmem>>
      %dma_wait3A_274 = tpu.memref_squeeze %dma_wait3A_273 : memref<1x128xi32, #tpu.memory_space<vmem>> -> memref<128xi32, #tpu.memory_space<vmem>>
      %dma_wait3A_275 = arith.constant 0 : i32
      %dma_wait3A_276 = arith.constant 0 : i32
      %dma_wait3A_277 = tpu.memref_slice %arg4[%dma_wait3A_275, %dma_wait3A_276] : memref<50000x8xf32, #tpu.memory_space<hbm>> -> memref<50000x8xf32, #tpu.memory_space<hbm>>
      tpu.wait_indirect_dma semaphore(%arg13 : memref<!tpu.dma_semaphore, #tpu.memory_space<semaphore_mem>>) src(%dma_wait3A_277 : memref<50000x8xf32, #tpu.memory_space<hbm>>) dst(%dma_wait3A_271 : memref<128x8xf32, #tpu.memory_space<vmem>>)
      %dma_wait3A_278 = arith.constant 12 : i32
      %dma_wait3A_279 = arith.constant 1536 : i32
      %dma_wait3A_280 = arith.constant 0 : i32
      %dma_wait3A_281 = tpu.memref_slice %arg11[%dma_wait3A_279, %dma_wait3A_280] : memref<1792x8xf32, #tpu.memory_space<vmem>> -> memref<128x8xf32, #tpu.memory_space<vmem>>
      %dma_wait3A_282 = arith.constant 0 : i32
      %dma_wait3A_283 = tpu.memref_slice %arg9[%dma_wait3A_278, %dma_wait3A_282] : memref<14x128xi32, #tpu.memory_space<vmem>> -> memref<1x128xi32, #tpu.memory_space<vmem>>
      %dma_wait3A_284 = tpu.memref_squeeze %dma_wait3A_283 : memref<1x128xi32, #tpu.memory_space<vmem>> -> memref<128xi32, #tpu.memory_space<vmem>>
      %dma_wait3A_285 = arith.constant 0 : i32
      %dma_wait3A_286 = arith.constant 0 : i32
      %dma_wait3A_287 = tpu.memref_slice %arg4[%dma_wait3A_285, %dma_wait3A_286] : memref<50000x8xf32, #tpu.memory_space<hbm>> -> memref<50000x8xf32, #tpu.memory_space<hbm>>
      tpu.wait_indirect_dma semaphore(%arg13 : memref<!tpu.dma_semaphore, #tpu.memory_space<semaphore_mem>>) src(%dma_wait3A_287 : memref<50000x8xf32, #tpu.memory_space<hbm>>) dst(%dma_wait3A_281 : memref<128x8xf32, #tpu.memory_space<vmem>>)
      %dma_wait3A_288 = arith.constant 13 : i32
      %dma_wait3A_289 = arith.constant 1664 : i32
      %dma_wait3A_290 = arith.constant 0 : i32
      %dma_wait3A_291 = tpu.memref_slice %arg11[%dma_wait3A_289, %dma_wait3A_290] : memref<1792x8xf32, #tpu.memory_space<vmem>> -> memref<128x8xf32, #tpu.memory_space<vmem>>
      %dma_wait3A_292 = arith.constant 0 : i32
      %dma_wait3A_293 = tpu.memref_slice %arg9[%dma_wait3A_288, %dma_wait3A_292] : memref<14x128xi32, #tpu.memory_space<vmem>> -> memref<1x128xi32, #tpu.memory_space<vmem>>
      %dma_wait3A_294 = tpu.memref_squeeze %dma_wait3A_293 : memref<1x128xi32, #tpu.memory_space<vmem>> -> memref<128xi32, #tpu.memory_space<vmem>>
      %dma_wait3A_295 = arith.constant 0 : i32
      %dma_wait3A_296 = arith.constant 0 : i32
      %dma_wait3A_297 = tpu.memref_slice %arg4[%dma_wait3A_295, %dma_wait3A_296] : memref<50000x8xf32, #tpu.memory_space<hbm>> -> memref<50000x8xf32, #tpu.memory_space<hbm>>
      tpu.wait_indirect_dma semaphore(%arg13 : memref<!tpu.dma_semaphore, #tpu.memory_space<semaphore_mem>>) src(%dma_wait3A_297 : memref<50000x8xf32, #tpu.memory_space<hbm>>) dst(%dma_wait3A_291 : memref<128x8xf32, #tpu.memory_space<vmem>>)
      %add3A_298 = arith.constant 0 : i32
      %add3A_299 = vector.broadcast %add3A_298 : i32 to vector<16xi32>
      %add3A_300 = arith.addi %add3A_299, %iota3A : vector<16xi32>
      %gather3A = tpu.vector_load_idx %arg11[%add3A_300, %broadcast_in_dim3A_3] : memref<1792x8xf32, #tpu.memory_space<vmem>>[vector<16xi32>, vector<16xi32>], vector<16xf32>,
      %swap3A = arith.constant 0 : index
      %swap3A_301 = tpu.vector_load %arg12[%swap3A] {strides = array<i32>} : memref<1792xf32, #tpu.memory_space<vmem>>, vector<16xf32>,
      tpu.vector_store %arg12[%swap3A], %gather3A {strides = array<i32>} : memref<1792xf32, #tpu.memory_space<vmem>>, vector<16xf32>,
      %add3A_302 = arith.constant 16 : i32
      %add3A_303 = vector.broadcast %add3A_302 : i32 to vector<16xi32>
      %add3A_304 = arith.addi %add3A_303, %iota3A : vector<16xi32>
      %gather3A_305 = tpu.vector_load_idx %arg11[%add3A_304, %broadcast_in_dim3A_3] : memref<1792x8xf32, #tpu.memory_space<vmem>>[vector<16xi32>, vector<16xi32>], vector<16xf32>,
      %swap3A_306 = arith.constant 16 : index
      %swap3A_307 = tpu.vector_load %arg12[%swap3A_306] {strides = array<i32>} : memref<1792xf32, #tpu.memory_space<vmem>>, vector<16xf32>,
      tpu.vector_store %arg12[%swap3A_306], %gather3A_305 {strides = array<i32>} : memref<1792xf32, #tpu.memory_space<vmem>>, vector<16xf32>,
      %add3A_308 = arith.constant 32 : i32
      %add3A_309 = vector.broadcast %add3A_308 : i32 to vector<16xi32>
      %add3A_310 = arith.addi %add3A_309, %iota3A : vector<16xi32>
      %gather3A_311 = tpu.vector_load_idx %arg11[%add3A_310, %broadcast_in_dim3A_3] : memref<1792x8xf32, #tpu.memory_space<vmem>>[vector<16xi32>, vector<16xi32>], vector<16xf32>,
      %swap3A_312 = arith.constant 32 : index
      %swap3A_313 = tpu.vector_load %arg12[%swap3A_312] {strides = array<i32>} : memref<1792xf32, #tpu.memory_space<vmem>>, vector<16xf32>,
      tpu.vector_store %arg12[%swap3A_312], %gather3A_311 {strides = array<i32>} : memref<1792xf32, #tpu.memory_space<vmem>>, vector<16xf32>,
      %add3A_314 = arith.constant 48 : i32
      %add3A_315 = vector.broadcast %add3A_314 : i32 to vector<16xi32>
      %add3A_316 = arith.addi %add3A_315, %iota3A : vector<16xi32>
      %gather3A_317 = tpu.vector_load_idx %arg11[%add3A_316, %broadcast_in_dim3A_3] : memref<1792x8xf32, #tpu.memory_space<vmem>>[vector<16xi32>, vector<16xi32>], vector<16xf32>,
      %swap3A_318 = arith.constant 48 : index
      %swap3A_319 = tpu.vector_load %arg12[%swap3A_318] {strides = array<i32>} : memref<1792xf32, #tpu.memory_space<vmem>>, vector<16xf32>,
      tpu.vector_store %arg12[%swap3A_318], %gather3A_317 {strides = array<i32>} : memref<1792xf32, #tpu.memory_space<vmem>>, vector<16xf32>,
      %add3A_320 = arith.constant 64 : i32
      %add3A_321 = vector.broadcast %add3A_320 : i32 to vector<16xi32>
      %add3A_322 = arith.addi %add3A_321, %iota3A : vector<16xi32>
      %gather3A_323 = tpu.vector_load_idx %arg11[%add3A_322, %broadcast_in_dim3A_3] : memref<1792x8xf32, #tpu.memory_space<vmem>>[vector<16xi32>, vector<16xi32>], vector<16xf32>,
      %swap3A_324 = arith.constant 64 : index
      %swap3A_325 = tpu.vector_load %arg12[%swap3A_324] {strides = array<i32>} : memref<1792xf32, #tpu.memory_space<vmem>>, vector<16xf32>,
      tpu.vector_store %arg12[%swap3A_324], %gather3A_323 {strides = array<i32>} : memref<1792xf32, #tpu.memory_space<vmem>>, vector<16xf32>,
      %add3A_326 = arith.constant 80 : i32
      %add3A_327 = vector.broadcast %add3A_326 : i32 to vector<16xi32>
      %add3A_328 = arith.addi %add3A_327, %iota3A : vector<16xi32>
      %gather3A_329 = tpu.vector_load_idx %arg11[%add3A_328, %broadcast_in_dim3A_3] : memref<1792x8xf32, #tpu.memory_space<vmem>>[vector<16xi32>, vector<16xi32>], vector<16xf32>,
      %swap3A_330 = arith.constant 80 : index
      %swap3A_331 = tpu.vector_load %arg12[%swap3A_330] {strides = array<i32>} : memref<1792xf32, #tpu.memory_space<vmem>>, vector<16xf32>,
      tpu.vector_store %arg12[%swap3A_330], %gather3A_329 {strides = array<i32>} : memref<1792xf32, #tpu.memory_space<vmem>>, vector<16xf32>,
      %add3A_332 = arith.constant 96 : i32
      %add3A_333 = vector.broadcast %add3A_332 : i32 to vector<16xi32>
      %add3A_334 = arith.addi %add3A_333, %iota3A : vector<16xi32>
      %gather3A_335 = tpu.vector_load_idx %arg11[%add3A_334, %broadcast_in_dim3A_3] : memref<1792x8xf32, #tpu.memory_space<vmem>>[vector<16xi32>, vector<16xi32>], vector<16xf32>,
      %swap3A_336 = arith.constant 96 : index
      %swap3A_337 = tpu.vector_load %arg12[%swap3A_336] {strides = array<i32>} : memref<1792xf32, #tpu.memory_space<vmem>>, vector<16xf32>,
      tpu.vector_store %arg12[%swap3A_336], %gather3A_335 {strides = array<i32>} : memref<1792xf32, #tpu.memory_space<vmem>>, vector<16xf32>,
      %add3A_338 = arith.constant 112 : i32
      %add3A_339 = vector.broadcast %add3A_338 : i32 to vector<16xi32>
      %add3A_340 = arith.addi %add3A_339, %iota3A : vector<16xi32>
      %gather3A_341 = tpu.vector_load_idx %arg11[%add3A_340, %broadcast_in_dim3A_3] : memref<1792x8xf32, #tpu.memory_space<vmem>>[vector<16xi32>, vector<16xi32>], vector<16xf32>,
      %swap3A_342 = arith.constant 112 : index
      %swap3A_343 = tpu.vector_load %arg12[%swap3A_342] {strides = array<i32>} : memref<1792xf32, #tpu.memory_space<vmem>>, vector<16xf32>,
      tpu.vector_store %arg12[%swap3A_342], %gather3A_341 {strides = array<i32>} : memref<1792xf32, #tpu.memory_space<vmem>>, vector<16xf32>,
      %add3A_344 = arith.constant 128 : i32
      %add3A_345 = vector.broadcast %add3A_344 : i32 to vector<16xi32>
      %add3A_346 = arith.addi %add3A_345, %iota3A : vector<16xi32>
      %gather3A_347 = tpu.vector_load_idx %arg11[%add3A_346, %broadcast_in_dim3A_3] : memref<1792x8xf32, #tpu.memory_space<vmem>>[vector<16xi32>, vector<16xi32>], vector<16xf32>,
      %swap3A_348 = arith.constant 128 : index
      %swap3A_349 = tpu.vector_load %arg12[%swap3A_348] {strides = array<i32>} : memref<1792xf32, #tpu.memory_space<vmem>>, vector<16xf32>,
      tpu.vector_store %arg12[%swap3A_348], %gather3A_347 {strides = array<i32>} : memref<1792xf32, #tpu.memory_space<vmem>>, vector<16xf32>,
      %add3A_350 = arith.constant 144 : i32
      %add3A_351 = vector.broadcast %add3A_350 : i32 to vector<16xi32>
      %add3A_352 = arith.addi %add3A_351, %iota3A : vector<16xi32>
      %gather3A_353 = tpu.vector_load_idx %arg11[%add3A_352, %broadcast_in_dim3A_3] : memref<1792x8xf32, #tpu.memory_space<vmem>>[vector<16xi32>, vector<16xi32>], vector<16xf32>,
      %swap3A_354 = arith.constant 144 : index
      %swap3A_355 = tpu.vector_load %arg12[%swap3A_354] {strides = array<i32>} : memref<1792xf32, #tpu.memory_space<vmem>>, vector<16xf32>,
      tpu.vector_store %arg12[%swap3A_354], %gather3A_353 {strides = array<i32>} : memref<1792xf32, #tpu.memory_space<vmem>>, vector<16xf32>,
      %add3A_356 = arith.constant 160 : i32
      %add3A_357 = vector.broadcast %add3A_356 : i32 to vector<16xi32>
      %add3A_358 = arith.addi %add3A_357, %iota3A : vector<16xi32>
      %gather3A_359 = tpu.vector_load_idx %arg11[%add3A_358, %broadcast_in_dim3A_3] : memref<1792x8xf32, #tpu.memory_space<vmem>>[vector<16xi32>, vector<16xi32>], vector<16xf32>,
      %swap3A_360 = arith.constant 160 : index
      %swap3A_361 = tpu.vector_load %arg12[%swap3A_360] {strides = array<i32>} : memref<1792xf32, #tpu.memory_space<vmem>>, vector<16xf32>,
      tpu.vector_store %arg12[%swap3A_360], %gather3A_359 {strides = array<i32>} : memref<1792xf32, #tpu.memory_space<vmem>>, vector<16xf32>,
      %add3A_362 = arith.constant 176 : i32
      %add3A_363 = vector.broadcast %add3A_362 : i32 to vector<16xi32>
      %add3A_364 = arith.addi %add3A_363, %iota3A : vector<16xi32>
      %gather3A_365 = tpu.vector_load_idx %arg11[%add3A_364, %broadcast_in_dim3A_3] : memref<1792x8xf32, #tpu.memory_space<vmem>>[vector<16xi32>, vector<16xi32>], vector<16xf32>,
      %swap3A_366 = arith.constant 176 : index
      %swap3A_367 = tpu.vector_load %arg12[%swap3A_366] {strides = array<i32>} : memref<1792xf32, #tpu.memory_space<vmem>>, vector<16xf32>,
      tpu.vector_store %arg12[%swap3A_366], %gather3A_365 {strides = array<i32>} : memref<1792xf32, #tpu.memory_space<vmem>>, vector<16xf32>,
      %add3A_368 = arith.constant 192 : i32
      %add3A_369 = vector.broadcast %add3A_368 : i32 to vector<16xi32>
      %add3A_370 = arith.addi %add3A_369, %iota3A : vector<16xi32>
      %gather3A_371 = tpu.vector_load_idx %arg11[%add3A_370, %broadcast_in_dim3A_3] : memref<1792x8xf32, #tpu.memory_space<vmem>>[vector<16xi32>, vector<16xi32>], vector<16xf32>,
      %swap3A_372 = arith.constant 192 : index
      %swap3A_373 = tpu.vector_load %arg12[%swap3A_372] {strides = array<i32>} : memref<1792xf32, #tpu.memory_space<vmem>>, vector<16xf32>,
      tpu.vector_store %arg12[%swap3A_372], %gather3A_371 {strides = array<i32>} : memref<1792xf32, #tpu.memory_space<vmem>>, vector<16xf32>,
      %add3A_374 = arith.constant 208 : i32
      %add3A_375 = vector.broadcast %add3A_374 : i32 to vector<16xi32>
      %add3A_376 = arith.addi %add3A_375, %iota3A : vector<16xi32>
      %gather3A_377 = tpu.vector_load_idx %arg11[%add3A_376, %broadcast_in_dim3A_3] : memref<1792x8xf32, #tpu.memory_space<vmem>>[vector<16xi32>, vector<16xi32>], vector<16xf32>,
      %swap3A_378 = arith.constant 208 : index
      %swap3A_379 = tpu.vector_load %arg12[%swap3A_378] {strides = array<i32>} : memref<1792xf32, #tpu.memory_space<vmem>>, vector<16xf32>,
      tpu.vector_store %arg12[%swap3A_378], %gather3A_377 {strides = array<i32>} : memref<1792xf32, #tpu.memory_space<vmem>>, vector<16xf32>,
      %add3A_380 = arith.constant 224 : i32
      %add3A_381 = vector.broadcast %add3A_380 : i32 to vector<16xi32>
      %add3A_382 = arith.addi %add3A_381, %iota3A : vector<16xi32>
      %gather3A_383 = tpu.vector_load_idx %arg11[%add3A_382, %broadcast_in_dim3A_3] : memref<1792x8xf32, #tpu.memory_space<vmem>>[vector<16xi32>, vector<16xi32>], vector<16xf32>,
      %swap3A_384 = arith.constant 224 : index
      %swap3A_385 = tpu.vector_load %arg12[%swap3A_384] {strides = array<i32>} : memref<1792xf32, #tpu.memory_space<vmem>>, vector<16xf32>,
      tpu.vector_store %arg12[%swap3A_384], %gather3A_383 {strides = array<i32>} : memref<1792xf32, #tpu.memory_space<vmem>>, vector<16xf32>,
      %add3A_386 = arith.constant 240 : i32
      %add3A_387 = vector.broadcast %add3A_386 : i32 to vector<16xi32>
      %add3A_388 = arith.addi %add3A_387, %iota3A : vector<16xi32>
      %gather3A_389 = tpu.vector_load_idx %arg11[%add3A_388, %broadcast_in_dim3A_3] : memref<1792x8xf32, #tpu.memory_space<vmem>>[vector<16xi32>, vector<16xi32>], vector<16xf32>,
      %swap3A_390 = arith.constant 240 : index
      %swap3A_391 = tpu.vector_load %arg12[%swap3A_390] {strides = array<i32>} : memref<1792xf32, #tpu.memory_space<vmem>>, vector<16xf32>,
      tpu.vector_store %arg12[%swap3A_390], %gather3A_389 {strides = array<i32>} : memref<1792xf32, #tpu.memory_space<vmem>>, vector<16xf32>,
      %add3A_392 = arith.constant 256 : i32
      %add3A_393 = vector.broadcast %add3A_392 : i32 to vector<16xi32>
      %add3A_394 = arith.addi %add3A_393, %iota3A : vector<16xi32>
      %gather3A_395 = tpu.vector_load_idx %arg11[%add3A_394, %broadcast_in_dim3A_3] : memref<1792x8xf32, #tpu.memory_space<vmem>>[vector<16xi32>, vector<16xi32>], vector<16xf32>,
      %swap3A_396 = arith.constant 256 : index
      %swap3A_397 = tpu.vector_load %arg12[%swap3A_396] {strides = array<i32>} : memref<1792xf32, #tpu.memory_space<vmem>>, vector<16xf32>,
      tpu.vector_store %arg12[%swap3A_396], %gather3A_395 {strides = array<i32>} : memref<1792xf32, #tpu.memory_space<vmem>>, vector<16xf32>,
      %add3A_398 = arith.constant 272 : i32
      %add3A_399 = vector.broadcast %add3A_398 : i32 to vector<16xi32>
      %add3A_400 = arith.addi %add3A_399, %iota3A : vector<16xi32>
      %gather3A_401 = tpu.vector_load_idx %arg11[%add3A_400, %broadcast_in_dim3A_3] : memref<1792x8xf32, #tpu.memory_space<vmem>>[vector<16xi32>, vector<16xi32>], vector<16xf32>,
      %swap3A_402 = arith.constant 272 : index
      %swap3A_403 = tpu.vector_load %arg12[%swap3A_402] {strides = array<i32>} : memref<1792xf32, #tpu.memory_space<vmem>>, vector<16xf32>,
      tpu.vector_store %arg12[%swap3A_402], %gather3A_401 {strides = array<i32>} : memref<1792xf32, #tpu.memory_space<vmem>>, vector<16xf32>,
      %add3A_404 = arith.constant 288 : i32
      %add3A_405 = vector.broadcast %add3A_404 : i32 to vector<16xi32>
      %add3A_406 = arith.addi %add3A_405, %iota3A : vector<16xi32>
      %gather3A_407 = tpu.vector_load_idx %arg11[%add3A_406, %broadcast_in_dim3A_3] : memref<1792x8xf32, #tpu.memory_space<vmem>>[vector<16xi32>, vector<16xi32>], vector<16xf32>,
      %swap3A_408 = arith.constant 288 : index
      %swap3A_409 = tpu.vector_load %arg12[%swap3A_408] {strides = array<i32>} : memref<1792xf32, #tpu.memory_space<vmem>>, vector<16xf32>,
      tpu.vector_store %arg12[%swap3A_408], %gather3A_407 {strides = array<i32>} : memref<1792xf32, #tpu.memory_space<vmem>>, vector<16xf32>,
      %add3A_410 = arith.constant 304 : i32
      %add3A_411 = vector.broadcast %add3A_410 : i32 to vector<16xi32>
      %add3A_412 = arith.addi %add3A_411, %iota3A : vector<16xi32>
      %gather3A_413 = tpu.vector_load_idx %arg11[%add3A_412, %broadcast_in_dim3A_3] : memref<1792x8xf32, #tpu.memory_space<vmem>>[vector<16xi32>, vector<16xi32>], vector<16xf32>,
      %swap3A_414 = arith.constant 304 : index
      %swap3A_415 = tpu.vector_load %arg12[%swap3A_414] {strides = array<i32>} : memref<1792xf32, #tpu.memory_space<vmem>>, vector<16xf32>,
      tpu.vector_store %arg12[%swap3A_414], %gather3A_413 {strides = array<i32>} : memref<1792xf32, #tpu.memory_space<vmem>>, vector<16xf32>,
      %add3A_416 = arith.constant 320 : i32
      %add3A_417 = vector.broadcast %add3A_416 : i32 to vector<16xi32>
      %add3A_418 = arith.addi %add3A_417, %iota3A : vector<16xi32>
      %gather3A_419 = tpu.vector_load_idx %arg11[%add3A_418, %broadcast_in_dim3A_3] : memref<1792x8xf32, #tpu.memory_space<vmem>>[vector<16xi32>, vector<16xi32>], vector<16xf32>,
      %swap3A_420 = arith.constant 320 : index
      %swap3A_421 = tpu.vector_load %arg12[%swap3A_420] {strides = array<i32>} : memref<1792xf32, #tpu.memory_space<vmem>>, vector<16xf32>,
      tpu.vector_store %arg12[%swap3A_420], %gather3A_419 {strides = array<i32>} : memref<1792xf32, #tpu.memory_space<vmem>>, vector<16xf32>,
      %add3A_422 = arith.constant 336 : i32
      %add3A_423 = vector.broadcast %add3A_422 : i32 to vector<16xi32>
      %add3A_424 = arith.addi %add3A_423, %iota3A : vector<16xi32>
      %gather3A_425 = tpu.vector_load_idx %arg11[%add3A_424, %broadcast_in_dim3A_3] : memref<1792x8xf32, #tpu.memory_space<vmem>>[vector<16xi32>, vector<16xi32>], vector<16xf32>,
      %swap3A_426 = arith.constant 336 : index
      %swap3A_427 = tpu.vector_load %arg12[%swap3A_426] {strides = array<i32>} : memref<1792xf32, #tpu.memory_space<vmem>>, vector<16xf32>,
      tpu.vector_store %arg12[%swap3A_426], %gather3A_425 {strides = array<i32>} : memref<1792xf32, #tpu.memory_space<vmem>>, vector<16xf32>,
      %add3A_428 = arith.constant 352 : i32
      %add3A_429 = vector.broadcast %add3A_428 : i32 to vector<16xi32>
      %add3A_430 = arith.addi %add3A_429, %iota3A : vector<16xi32>
      %gather3A_431 = tpu.vector_load_idx %arg11[%add3A_430, %broadcast_in_dim3A_3] : memref<1792x8xf32, #tpu.memory_space<vmem>>[vector<16xi32>, vector<16xi32>], vector<16xf32>,
      %swap3A_432 = arith.constant 352 : index
      %swap3A_433 = tpu.vector_load %arg12[%swap3A_432] {strides = array<i32>} : memref<1792xf32, #tpu.memory_space<vmem>>, vector<16xf32>,
      tpu.vector_store %arg12[%swap3A_432], %gather3A_431 {strides = array<i32>} : memref<1792xf32, #tpu.memory_space<vmem>>, vector<16xf32>,
      %add3A_434 = arith.constant 368 : i32
      %add3A_435 = vector.broadcast %add3A_434 : i32 to vector<16xi32>
      %add3A_436 = arith.addi %add3A_435, %iota3A : vector<16xi32>
      %gather3A_437 = tpu.vector_load_idx %arg11[%add3A_436, %broadcast_in_dim3A_3] : memref<1792x8xf32, #tpu.memory_space<vmem>>[vector<16xi32>, vector<16xi32>], vector<16xf32>,
      %swap3A_438 = arith.constant 368 : index
      %swap3A_439 = tpu.vector_load %arg12[%swap3A_438] {strides = array<i32>} : memref<1792xf32, #tpu.memory_space<vmem>>, vector<16xf32>,
      tpu.vector_store %arg12[%swap3A_438], %gather3A_437 {strides = array<i32>} : memref<1792xf32, #tpu.memory_space<vmem>>, vector<16xf32>,
      %add3A_440 = arith.constant 384 : i32
      %add3A_441 = vector.broadcast %add3A_440 : i32 to vector<16xi32>
      %add3A_442 = arith.addi %add3A_441, %iota3A : vector<16xi32>
      %gather3A_443 = tpu.vector_load_idx %arg11[%add3A_442, %broadcast_in_dim3A_3] : memref<1792x8xf32, #tpu.memory_space<vmem>>[vector<16xi32>, vector<16xi32>], vector<16xf32>,
      %swap3A_444 = arith.constant 384 : index
      %swap3A_445 = tpu.vector_load %arg12[%swap3A_444] {strides = array<i32>} : memref<1792xf32, #tpu.memory_space<vmem>>, vector<16xf32>,
      tpu.vector_store %arg12[%swap3A_444], %gather3A_443 {strides = array<i32>} : memref<1792xf32, #tpu.memory_space<vmem>>, vector<16xf32>,
      %add3A_446 = arith.constant 400 : i32
      %add3A_447 = vector.broadcast %add3A_446 : i32 to vector<16xi32>
      %add3A_448 = arith.addi %add3A_447, %iota3A : vector<16xi32>
      %gather3A_449 = tpu.vector_load_idx %arg11[%add3A_448, %broadcast_in_dim3A_3] : memref<1792x8xf32, #tpu.memory_space<vmem>>[vector<16xi32>, vector<16xi32>], vector<16xf32>,
      %swap3A_450 = arith.constant 400 : index
      %swap3A_451 = tpu.vector_load %arg12[%swap3A_450] {strides = array<i32>} : memref<1792xf32, #tpu.memory_space<vmem>>, vector<16xf32>,
      tpu.vector_store %arg12[%swap3A_450], %gather3A_449 {strides = array<i32>} : memref<1792xf32, #tpu.memory_space<vmem>>, vector<16xf32>,
      %add3A_452 = arith.constant 416 : i32
      %add3A_453 = vector.broadcast %add3A_452 : i32 to vector<16xi32>
      %add3A_454 = arith.addi %add3A_453, %iota3A : vector<16xi32>
      %gather3A_455 = tpu.vector_load_idx %arg11[%add3A_454, %broadcast_in_dim3A_3] : memref<1792x8xf32, #tpu.memory_space<vmem>>[vector<16xi32>, vector<16xi32>], vector<16xf32>,
      %swap3A_456 = arith.constant 416 : index
      %swap3A_457 = tpu.vector_load %arg12[%swap3A_456] {strides = array<i32>} : memref<1792xf32, #tpu.memory_space<vmem>>, vector<16xf32>,
      tpu.vector_store %arg12[%swap3A_456], %gather3A_455 {strides = array<i32>} : memref<1792xf32, #tpu.memory_space<vmem>>, vector<16xf32>,
      %add3A_458 = arith.constant 432 : i32
      %add3A_459 = vector.broadcast %add3A_458 : i32 to vector<16xi32>
      %add3A_460 = arith.addi %add3A_459, %iota3A : vector<16xi32>
      %gather3A_461 = tpu.vector_load_idx %arg11[%add3A_460, %broadcast_in_dim3A_3] : memref<1792x8xf32, #tpu.memory_space<vmem>>[vector<16xi32>, vector<16xi32>], vector<16xf32>,
      %swap3A_462 = arith.constant 432 : index
      %swap3A_463 = tpu.vector_load %arg12[%swap3A_462] {strides = array<i32>} : memref<1792xf32, #tpu.memory_space<vmem>>, vector<16xf32>,
      tpu.vector_store %arg12[%swap3A_462], %gather3A_461 {strides = array<i32>} : memref<1792xf32, #tpu.memory_space<vmem>>, vector<16xf32>,
      %add3A_464 = arith.constant 448 : i32
      %add3A_465 = vector.broadcast %add3A_464 : i32 to vector<16xi32>
      %add3A_466 = arith.addi %add3A_465, %iota3A : vector<16xi32>
      %gather3A_467 = tpu.vector_load_idx %arg11[%add3A_466, %broadcast_in_dim3A_3] : memref<1792x8xf32, #tpu.memory_space<vmem>>[vector<16xi32>, vector<16xi32>], vector<16xf32>,
      %swap3A_468 = arith.constant 448 : index
      %swap3A_469 = tpu.vector_load %arg12[%swap3A_468] {strides = array<i32>} : memref<1792xf32, #tpu.memory_space<vmem>>, vector<16xf32>,
      tpu.vector_store %arg12[%swap3A_468], %gather3A_467 {strides = array<i32>} : memref<1792xf32, #tpu.memory_space<vmem>>, vector<16xf32>,
      %add3A_470 = arith.constant 464 : i32
      %add3A_471 = vector.broadcast %add3A_470 : i32 to vector<16xi32>
      %add3A_472 = arith.addi %add3A_471, %iota3A : vector<16xi32>
      %gather3A_473 = tpu.vector_load_idx %arg11[%add3A_472, %broadcast_in_dim3A_3] : memref<1792x8xf32, #tpu.memory_space<vmem>>[vector<16xi32>, vector<16xi32>], vector<16xf32>,
      %swap3A_474 = arith.constant 464 : index
      %swap3A_475 = tpu.vector_load %arg12[%swap3A_474] {strides = array<i32>} : memref<1792xf32, #tpu.memory_space<vmem>>, vector<16xf32>,
      tpu.vector_store %arg12[%swap3A_474], %gather3A_473 {strides = array<i32>} : memref<1792xf32, #tpu.memory_space<vmem>>, vector<16xf32>,
      %add3A_476 = arith.constant 480 : i32
      %add3A_477 = vector.broadcast %add3A_476 : i32 to vector<16xi32>
      %add3A_478 = arith.addi %add3A_477, %iota3A : vector<16xi32>
      %gather3A_479 = tpu.vector_load_idx %arg11[%add3A_478, %broadcast_in_dim3A_3] : memref<1792x8xf32, #tpu.memory_space<vmem>>[vector<16xi32>, vector<16xi32>], vector<16xf32>,
      %swap3A_480 = arith.constant 480 : index
      %swap3A_481 = tpu.vector_load %arg12[%swap3A_480] {strides = array<i32>} : memref<1792xf32, #tpu.memory_space<vmem>>, vector<16xf32>,
      tpu.vector_store %arg12[%swap3A_480], %gather3A_479 {strides = array<i32>} : memref<1792xf32, #tpu.memory_space<vmem>>, vector<16xf32>,
      %add3A_482 = arith.constant 496 : i32
      %add3A_483 = vector.broadcast %add3A_482 : i32 to vector<16xi32>
      %add3A_484 = arith.addi %add3A_483, %iota3A : vector<16xi32>
      %gather3A_485 = tpu.vector_load_idx %arg11[%add3A_484, %broadcast_in_dim3A_3] : memref<1792x8xf32, #tpu.memory_space<vmem>>[vector<16xi32>, vector<16xi32>], vector<16xf32>,
      %swap3A_486 = arith.constant 496 : index
      %swap3A_487 = tpu.vector_load %arg12[%swap3A_486] {strides = array<i32>} : memref<1792xf32, #tpu.memory_space<vmem>>, vector<16xf32>,
      tpu.vector_store %arg12[%swap3A_486], %gather3A_485 {strides = array<i32>} : memref<1792xf32, #tpu.memory_space<vmem>>, vector<16xf32>,
      %add3A_488 = arith.constant 512 : i32
      %add3A_489 = vector.broadcast %add3A_488 : i32 to vector<16xi32>
      %add3A_490 = arith.addi %add3A_489, %iota3A : vector<16xi32>
      %gather3A_491 = tpu.vector_load_idx %arg11[%add3A_490, %broadcast_in_dim3A_3] : memref<1792x8xf32, #tpu.memory_space<vmem>>[vector<16xi32>, vector<16xi32>], vector<16xf32>,
      %swap3A_492 = arith.constant 512 : index
      %swap3A_493 = tpu.vector_load %arg12[%swap3A_492] {strides = array<i32>} : memref<1792xf32, #tpu.memory_space<vmem>>, vector<16xf32>,
      tpu.vector_store %arg12[%swap3A_492], %gather3A_491 {strides = array<i32>} : memref<1792xf32, #tpu.memory_space<vmem>>, vector<16xf32>,
      %add3A_494 = arith.constant 528 : i32
      %add3A_495 = vector.broadcast %add3A_494 : i32 to vector<16xi32>
      %add3A_496 = arith.addi %add3A_495, %iota3A : vector<16xi32>
      %gather3A_497 = tpu.vector_load_idx %arg11[%add3A_496, %broadcast_in_dim3A_3] : memref<1792x8xf32, #tpu.memory_space<vmem>>[vector<16xi32>, vector<16xi32>], vector<16xf32>,
      %swap3A_498 = arith.constant 528 : index
      %swap3A_499 = tpu.vector_load %arg12[%swap3A_498] {strides = array<i32>} : memref<1792xf32, #tpu.memory_space<vmem>>, vector<16xf32>,
      tpu.vector_store %arg12[%swap3A_498], %gather3A_497 {strides = array<i32>} : memref<1792xf32, #tpu.memory_space<vmem>>, vector<16xf32>,
      %add3A_500 = arith.constant 544 : i32
      %add3A_501 = vector.broadcast %add3A_500 : i32 to vector<16xi32>
      %add3A_502 = arith.addi %add3A_501, %iota3A : vector<16xi32>
      %gather3A_503 = tpu.vector_load_idx %arg11[%add3A_502, %broadcast_in_dim3A_3] : memref<1792x8xf32, #tpu.memory_space<vmem>>[vector<16xi32>, vector<16xi32>], vector<16xf32>,
      %swap3A_504 = arith.constant 544 : index
      %swap3A_505 = tpu.vector_load %arg12[%swap3A_504] {strides = array<i32>} : memref<1792xf32, #tpu.memory_space<vmem>>, vector<16xf32>,
      tpu.vector_store %arg12[%swap3A_504], %gather3A_503 {strides = array<i32>} : memref<1792xf32, #tpu.memory_space<vmem>>, vector<16xf32>,
      %add3A_506 = arith.constant 560 : i32
      %add3A_507 = vector.broadcast %add3A_506 : i32 to vector<16xi32>
      %add3A_508 = arith.addi %add3A_507, %iota3A : vector<16xi32>
      %gather3A_509 = tpu.vector_load_idx %arg11[%add3A_508, %broadcast_in_dim3A_3] : memref<1792x8xf32, #tpu.memory_space<vmem>>[vector<16xi32>, vector<16xi32>], vector<16xf32>,
      %swap3A_510 = arith.constant 560 : index
      %swap3A_511 = tpu.vector_load %arg12[%swap3A_510] {strides = array<i32>} : memref<1792xf32, #tpu.memory_space<vmem>>, vector<16xf32>,
      tpu.vector_store %arg12[%swap3A_510], %gather3A_509 {strides = array<i32>} : memref<1792xf32, #tpu.memory_space<vmem>>, vector<16xf32>,
      %add3A_512 = arith.constant 576 : i32
      %add3A_513 = vector.broadcast %add3A_512 : i32 to vector<16xi32>
      %add3A_514 = arith.addi %add3A_513, %iota3A : vector<16xi32>
      %gather3A_515 = tpu.vector_load_idx %arg11[%add3A_514, %broadcast_in_dim3A_3] : memref<1792x8xf32, #tpu.memory_space<vmem>>[vector<16xi32>, vector<16xi32>], vector<16xf32>,
      %swap3A_516 = arith.constant 576 : index
      %swap3A_517 = tpu.vector_load %arg12[%swap3A_516] {strides = array<i32>} : memref<1792xf32, #tpu.memory_space<vmem>>, vector<16xf32>,
      tpu.vector_store %arg12[%swap3A_516], %gather3A_515 {strides = array<i32>} : memref<1792xf32, #tpu.memory_space<vmem>>, vector<16xf32>,
      %add3A_518 = arith.constant 592 : i32
      %add3A_519 = vector.broadcast %add3A_518 : i32 to vector<16xi32>
      %add3A_520 = arith.addi %add3A_519, %iota3A : vector<16xi32>
      %gather3A_521 = tpu.vector_load_idx %arg11[%add3A_520, %broadcast_in_dim3A_3] : memref<1792x8xf32, #tpu.memory_space<vmem>>[vector<16xi32>, vector<16xi32>], vector<16xf32>,
      %swap3A_522 = arith.constant 592 : index
      %swap3A_523 = tpu.vector_load %arg12[%swap3A_522] {strides = array<i32>} : memref<1792xf32, #tpu.memory_space<vmem>>, vector<16xf32>,
      tpu.vector_store %arg12[%swap3A_522], %gather3A_521 {strides = array<i32>} : memref<1792xf32, #tpu.memory_space<vmem>>, vector<16xf32>,
      %add3A_524 = arith.constant 608 : i32
      %add3A_525 = vector.broadcast %add3A_524 : i32 to vector<16xi32>
      %add3A_526 = arith.addi %add3A_525, %iota3A : vector<16xi32>
      %gather3A_527 = tpu.vector_load_idx %arg11[%add3A_526, %broadcast_in_dim3A_3] : memref<1792x8xf32, #tpu.memory_space<vmem>>[vector<16xi32>, vector<16xi32>], vector<16xf32>,
      %swap3A_528 = arith.constant 608 : index
      %swap3A_529 = tpu.vector_load %arg12[%swap3A_528] {strides = array<i32>} : memref<1792xf32, #tpu.memory_space<vmem>>, vector<16xf32>,
      tpu.vector_store %arg12[%swap3A_528], %gather3A_527 {strides = array<i32>} : memref<1792xf32, #tpu.memory_space<vmem>>, vector<16xf32>,
      %add3A_530 = arith.constant 624 : i32
      %add3A_531 = vector.broadcast %add3A_530 : i32 to vector<16xi32>
      %add3A_532 = arith.addi %add3A_531, %iota3A : vector<16xi32>
      %gather3A_533 = tpu.vector_load_idx %arg11[%add3A_532, %broadcast_in_dim3A_3] : memref<1792x8xf32, #tpu.memory_space<vmem>>[vector<16xi32>, vector<16xi32>], vector<16xf32>,
      %swap3A_534 = arith.constant 624 : index
      %swap3A_535 = tpu.vector_load %arg12[%swap3A_534] {strides = array<i32>} : memref<1792xf32, #tpu.memory_space<vmem>>, vector<16xf32>,
      tpu.vector_store %arg12[%swap3A_534], %gather3A_533 {strides = array<i32>} : memref<1792xf32, #tpu.memory_space<vmem>>, vector<16xf32>,
      %add3A_536 = arith.constant 640 : i32
      %add3A_537 = vector.broadcast %add3A_536 : i32 to vector<16xi32>
      %add3A_538 = arith.addi %add3A_537, %iota3A : vector<16xi32>
      %gather3A_539 = tpu.vector_load_idx %arg11[%add3A_538, %broadcast_in_dim3A_3] : memref<1792x8xf32, #tpu.memory_space<vmem>>[vector<16xi32>, vector<16xi32>], vector<16xf32>,
      %swap3A_540 = arith.constant 640 : index
      %swap3A_541 = tpu.vector_load %arg12[%swap3A_540] {strides = array<i32>} : memref<1792xf32, #tpu.memory_space<vmem>>, vector<16xf32>,
      tpu.vector_store %arg12[%swap3A_540], %gather3A_539 {strides = array<i32>} : memref<1792xf32, #tpu.memory_space<vmem>>, vector<16xf32>,
      %add3A_542 = arith.constant 656 : i32
      %add3A_543 = vector.broadcast %add3A_542 : i32 to vector<16xi32>
      %add3A_544 = arith.addi %add3A_543, %iota3A : vector<16xi32>
      %gather3A_545 = tpu.vector_load_idx %arg11[%add3A_544, %broadcast_in_dim3A_3] : memref<1792x8xf32, #tpu.memory_space<vmem>>[vector<16xi32>, vector<16xi32>], vector<16xf32>,
      %swap3A_546 = arith.constant 656 : index
      %swap3A_547 = tpu.vector_load %arg12[%swap3A_546] {strides = array<i32>} : memref<1792xf32, #tpu.memory_space<vmem>>, vector<16xf32>,
      tpu.vector_store %arg12[%swap3A_546], %gather3A_545 {strides = array<i32>} : memref<1792xf32, #tpu.memory_space<vmem>>, vector<16xf32>,
      %add3A_548 = arith.constant 672 : i32
      %add3A_549 = vector.broadcast %add3A_548 : i32 to vector<16xi32>
      %add3A_550 = arith.addi %add3A_549, %iota3A : vector<16xi32>
      %gather3A_551 = tpu.vector_load_idx %arg11[%add3A_550, %broadcast_in_dim3A_3] : memref<1792x8xf32, #tpu.memory_space<vmem>>[vector<16xi32>, vector<16xi32>], vector<16xf32>,
      %swap3A_552 = arith.constant 672 : index
      %swap3A_553 = tpu.vector_load %arg12[%swap3A_552] {strides = array<i32>} : memref<1792xf32, #tpu.memory_space<vmem>>, vector<16xf32>,
      tpu.vector_store %arg12[%swap3A_552], %gather3A_551 {strides = array<i32>} : memref<1792xf32, #tpu.memory_space<vmem>>, vector<16xf32>,
      %add3A_554 = arith.constant 688 : i32
      %add3A_555 = vector.broadcast %add3A_554 : i32 to vector<16xi32>
      %add3A_556 = arith.addi %add3A_555, %iota3A : vector<16xi32>
      %gather3A_557 = tpu.vector_load_idx %arg11[%add3A_556, %broadcast_in_dim3A_3] : memref<1792x8xf32, #tpu.memory_space<vmem>>[vector<16xi32>, vector<16xi32>], vector<16xf32>,
      %swap3A_558 = arith.constant 688 : index
      %swap3A_559 = tpu.vector_load %arg12[%swap3A_558] {strides = array<i32>} : memref<1792xf32, #tpu.memory_space<vmem>>, vector<16xf32>,
      tpu.vector_store %arg12[%swap3A_558], %gather3A_557 {strides = array<i32>} : memref<1792xf32, #tpu.memory_space<vmem>>, vector<16xf32>,
      %add3A_560 = arith.constant 704 : i32
      %add3A_561 = vector.broadcast %add3A_560 : i32 to vector<16xi32>
      %add3A_562 = arith.addi %add3A_561, %iota3A : vector<16xi32>
      %gather3A_563 = tpu.vector_load_idx %arg11[%add3A_562, %broadcast_in_dim3A_3] : memref<1792x8xf32, #tpu.memory_space<vmem>>[vector<16xi32>, vector<16xi32>], vector<16xf32>,
      %swap3A_564 = arith.constant 704 : index
      %swap3A_565 = tpu.vector_load %arg12[%swap3A_564] {strides = array<i32>} : memref<1792xf32, #tpu.memory_space<vmem>>, vector<16xf32>,
      tpu.vector_store %arg12[%swap3A_564], %gather3A_563 {strides = array<i32>} : memref<1792xf32, #tpu.memory_space<vmem>>, vector<16xf32>,
      %add3A_566 = arith.constant 720 : i32
      %add3A_567 = vector.broadcast %add3A_566 : i32 to vector<16xi32>
      %add3A_568 = arith.addi %add3A_567, %iota3A : vector<16xi32>
      %gather3A_569 = tpu.vector_load_idx %arg11[%add3A_568, %broadcast_in_dim3A_3] : memref<1792x8xf32, #tpu.memory_space<vmem>>[vector<16xi32>, vector<16xi32>], vector<16xf32>,
      %swap3A_570 = arith.constant 720 : index
      %swap3A_571 = tpu.vector_load %arg12[%swap3A_570] {strides = array<i32>} : memref<1792xf32, #tpu.memory_space<vmem>>, vector<16xf32>,
      tpu.vector_store %arg12[%swap3A_570], %gather3A_569 {strides = array<i32>} : memref<1792xf32, #tpu.memory_space<vmem>>, vector<16xf32>,
      %add3A_572 = arith.constant 736 : i32
      %add3A_573 = vector.broadcast %add3A_572 : i32 to vector<16xi32>
      %add3A_574 = arith.addi %add3A_573, %iota3A : vector<16xi32>
      %gather3A_575 = tpu.vector_load_idx %arg11[%add3A_574, %broadcast_in_dim3A_3] : memref<1792x8xf32, #tpu.memory_space<vmem>>[vector<16xi32>, vector<16xi32>], vector<16xf32>,
      %swap3A_576 = arith.constant 736 : index
      %swap3A_577 = tpu.vector_load %arg12[%swap3A_576] {strides = array<i32>} : memref<1792xf32, #tpu.memory_space<vmem>>, vector<16xf32>,
      tpu.vector_store %arg12[%swap3A_576], %gather3A_575 {strides = array<i32>} : memref<1792xf32, #tpu.memory_space<vmem>>, vector<16xf32>,
      %add3A_578 = arith.constant 752 : i32
      %add3A_579 = vector.broadcast %add3A_578 : i32 to vector<16xi32>
      %add3A_580 = arith.addi %add3A_579, %iota3A : vector<16xi32>
      %gather3A_581 = tpu.vector_load_idx %arg11[%add3A_580, %broadcast_in_dim3A_3] : memref<1792x8xf32, #tpu.memory_space<vmem>>[vector<16xi32>, vector<16xi32>], vector<16xf32>,
      %swap3A_582 = arith.constant 752 : index
      %swap3A_583 = tpu.vector_load %arg12[%swap3A_582] {strides = array<i32>} : memref<1792xf32, #tpu.memory_space<vmem>>, vector<16xf32>,
      tpu.vector_store %arg12[%swap3A_582], %gather3A_581 {strides = array<i32>} : memref<1792xf32, #tpu.memory_space<vmem>>, vector<16xf32>,
      %add3A_584 = arith.constant 768 : i32
      %add3A_585 = vector.broadcast %add3A_584 : i32 to vector<16xi32>
      %add3A_586 = arith.addi %add3A_585, %iota3A : vector<16xi32>
      %gather3A_587 = tpu.vector_load_idx %arg11[%add3A_586, %broadcast_in_dim3A_3] : memref<1792x8xf32, #tpu.memory_space<vmem>>[vector<16xi32>, vector<16xi32>], vector<16xf32>,
      %swap3A_588 = arith.constant 768 : index
      %swap3A_589 = tpu.vector_load %arg12[%swap3A_588] {strides = array<i32>} : memref<1792xf32, #tpu.memory_space<vmem>>, vector<16xf32>,
      tpu.vector_store %arg12[%swap3A_588], %gather3A_587 {strides = array<i32>} : memref<1792xf32, #tpu.memory_space<vmem>>, vector<16xf32>,
      %add3A_590 = arith.constant 784 : i32
      %add3A_591 = vector.broadcast %add3A_590 : i32 to vector<16xi32>
      %add3A_592 = arith.addi %add3A_591, %iota3A : vector<16xi32>
      %gather3A_593 = tpu.vector_load_idx %arg11[%add3A_592, %broadcast_in_dim3A_3] : memref<1792x8xf32, #tpu.memory_space<vmem>>[vector<16xi32>, vector<16xi32>], vector<16xf32>,
      %swap3A_594 = arith.constant 784 : index
      %swap3A_595 = tpu.vector_load %arg12[%swap3A_594] {strides = array<i32>} : memref<1792xf32, #tpu.memory_space<vmem>>, vector<16xf32>,
      tpu.vector_store %arg12[%swap3A_594], %gather3A_593 {strides = array<i32>} : memref<1792xf32, #tpu.memory_space<vmem>>, vector<16xf32>,
      %add3A_596 = arith.constant 800 : i32
      %add3A_597 = vector.broadcast %add3A_596 : i32 to vector<16xi32>
      %add3A_598 = arith.addi %add3A_597, %iota3A : vector<16xi32>
      %gather3A_599 = tpu.vector_load_idx %arg11[%add3A_598, %broadcast_in_dim3A_3] : memref<1792x8xf32, #tpu.memory_space<vmem>>[vector<16xi32>, vector<16xi32>], vector<16xf32>,
      %swap3A_600 = arith.constant 800 : index
      %swap3A_601 = tpu.vector_load %arg12[%swap3A_600] {strides = array<i32>} : memref<1792xf32, #tpu.memory_space<vmem>>, vector<16xf32>,
      tpu.vector_store %arg12[%swap3A_600], %gather3A_599 {strides = array<i32>} : memref<1792xf32, #tpu.memory_space<vmem>>, vector<16xf32>,
      %add3A_602 = arith.constant 816 : i32
      %add3A_603 = vector.broadcast %add3A_602 : i32 to vector<16xi32>
      %add3A_604 = arith.addi %add3A_603, %iota3A : vector<16xi32>
      %gather3A_605 = tpu.vector_load_idx %arg11[%add3A_604, %broadcast_in_dim3A_3] : memref<1792x8xf32, #tpu.memory_space<vmem>>[vector<16xi32>, vector<16xi32>], vector<16xf32>,
      %swap3A_606 = arith.constant 816 : index
      %swap3A_607 = tpu.vector_load %arg12[%swap3A_606] {strides = array<i32>} : memref<1792xf32, #tpu.memory_space<vmem>>, vector<16xf32>,
      tpu.vector_store %arg12[%swap3A_606], %gather3A_605 {strides = array<i32>} : memref<1792xf32, #tpu.memory_space<vmem>>, vector<16xf32>,
      %add3A_608 = arith.constant 832 : i32
      %add3A_609 = vector.broadcast %add3A_608 : i32 to vector<16xi32>
      %add3A_610 = arith.addi %add3A_609, %iota3A : vector<16xi32>
      %gather3A_611 = tpu.vector_load_idx %arg11[%add3A_610, %broadcast_in_dim3A_3] : memref<1792x8xf32, #tpu.memory_space<vmem>>[vector<16xi32>, vector<16xi32>], vector<16xf32>,
      %swap3A_612 = arith.constant 832 : index
      %swap3A_613 = tpu.vector_load %arg12[%swap3A_612] {strides = array<i32>} : memref<1792xf32, #tpu.memory_space<vmem>>, vector<16xf32>,
      tpu.vector_store %arg12[%swap3A_612], %gather3A_611 {strides = array<i32>} : memref<1792xf32, #tpu.memory_space<vmem>>, vector<16xf32>,
      %add3A_614 = arith.constant 848 : i32
      %add3A_615 = vector.broadcast %add3A_614 : i32 to vector<16xi32>
      %add3A_616 = arith.addi %add3A_615, %iota3A : vector<16xi32>
      %gather3A_617 = tpu.vector_load_idx %arg11[%add3A_616, %broadcast_in_dim3A_3] : memref<1792x8xf32, #tpu.memory_space<vmem>>[vector<16xi32>, vector<16xi32>], vector<16xf32>,
      %swap3A_618 = arith.constant 848 : index
      %swap3A_619 = tpu.vector_load %arg12[%swap3A_618] {strides = array<i32>} : memref<1792xf32, #tpu.memory_space<vmem>>, vector<16xf32>,
      tpu.vector_store %arg12[%swap3A_618], %gather3A_617 {strides = array<i32>} : memref<1792xf32, #tpu.memory_space<vmem>>, vector<16xf32>,
      %add3A_620 = arith.constant 864 : i32
      %add3A_621 = vector.broadcast %add3A_620 : i32 to vector<16xi32>
      %add3A_622 = arith.addi %add3A_621, %iota3A : vector<16xi32>
      %gather3A_623 = tpu.vector_load_idx %arg11[%add3A_622, %broadcast_in_dim3A_3] : memref<1792x8xf32, #tpu.memory_space<vmem>>[vector<16xi32>, vector<16xi32>], vector<16xf32>,
      %swap3A_624 = arith.constant 864 : index
      %swap3A_625 = tpu.vector_load %arg12[%swap3A_624] {strides = array<i32>} : memref<1792xf32, #tpu.memory_space<vmem>>, vector<16xf32>,
      tpu.vector_store %arg12[%swap3A_624], %gather3A_623 {strides = array<i32>} : memref<1792xf32, #tpu.memory_space<vmem>>, vector<16xf32>,
      %add3A_626 = arith.constant 880 : i32
      %add3A_627 = vector.broadcast %add3A_626 : i32 to vector<16xi32>
      %add3A_628 = arith.addi %add3A_627, %iota3A : vector<16xi32>
      %gather3A_629 = tpu.vector_load_idx %arg11[%add3A_628, %broadcast_in_dim3A_3] : memref<1792x8xf32, #tpu.memory_space<vmem>>[vector<16xi32>, vector<16xi32>], vector<16xf32>,
      %swap3A_630 = arith.constant 880 : index
      %swap3A_631 = tpu.vector_load %arg12[%swap3A_630] {strides = array<i32>} : memref<1792xf32, #tpu.memory_space<vmem>>, vector<16xf32>,
      tpu.vector_store %arg12[%swap3A_630], %gather3A_629 {strides = array<i32>} : memref<1792xf32, #tpu.memory_space<vmem>>, vector<16xf32>,
      %add3A_632 = arith.constant 896 : i32
      %add3A_633 = vector.broadcast %add3A_632 : i32 to vector<16xi32>
      %add3A_634 = arith.addi %add3A_633, %iota3A : vector<16xi32>
      %gather3A_635 = tpu.vector_load_idx %arg11[%add3A_634, %broadcast_in_dim3A_3] : memref<1792x8xf32, #tpu.memory_space<vmem>>[vector<16xi32>, vector<16xi32>], vector<16xf32>,
      %swap3A_636 = arith.constant 896 : index
      %swap3A_637 = tpu.vector_load %arg12[%swap3A_636] {strides = array<i32>} : memref<1792xf32, #tpu.memory_space<vmem>>, vector<16xf32>,
      tpu.vector_store %arg12[%swap3A_636], %gather3A_635 {strides = array<i32>} : memref<1792xf32, #tpu.memory_space<vmem>>, vector<16xf32>,
      %add3A_638 = arith.constant 912 : i32
      %add3A_639 = vector.broadcast %add3A_638 : i32 to vector<16xi32>
      %add3A_640 = arith.addi %add3A_639, %iota3A : vector<16xi32>
      %gather3A_641 = tpu.vector_load_idx %arg11[%add3A_640, %broadcast_in_dim3A_3] : memref<1792x8xf32, #tpu.memory_space<vmem>>[vector<16xi32>, vector<16xi32>], vector<16xf32>,
      %swap3A_642 = arith.constant 912 : index
      %swap3A_643 = tpu.vector_load %arg12[%swap3A_642] {strides = array<i32>} : memref<1792xf32, #tpu.memory_space<vmem>>, vector<16xf32>,
      tpu.vector_store %arg12[%swap3A_642], %gather3A_641 {strides = array<i32>} : memref<1792xf32, #tpu.memory_space<vmem>>, vector<16xf32>,
      %add3A_644 = arith.constant 928 : i32
      %add3A_645 = vector.broadcast %add3A_644 : i32 to vector<16xi32>
      %add3A_646 = arith.addi %add3A_645, %iota3A : vector<16xi32>
      %gather3A_647 = tpu.vector_load_idx %arg11[%add3A_646, %broadcast_in_dim3A_3] : memref<1792x8xf32, #tpu.memory_space<vmem>>[vector<16xi32>, vector<16xi32>], vector<16xf32>,
      %swap3A_648 = arith.constant 928 : index
      %swap3A_649 = tpu.vector_load %arg12[%swap3A_648] {strides = array<i32>} : memref<1792xf32, #tpu.memory_space<vmem>>, vector<16xf32>,
      tpu.vector_store %arg12[%swap3A_648], %gather3A_647 {strides = array<i32>} : memref<1792xf32, #tpu.memory_space<vmem>>, vector<16xf32>,
      %add3A_650 = arith.constant 944 : i32
      %add3A_651 = vector.broadcast %add3A_650 : i32 to vector<16xi32>
      %add3A_652 = arith.addi %add3A_651, %iota3A : vector<16xi32>
      %gather3A_653 = tpu.vector_load_idx %arg11[%add3A_652, %broadcast_in_dim3A_3] : memref<1792x8xf32, #tpu.memory_space<vmem>>[vector<16xi32>, vector<16xi32>], vector<16xf32>,
      %swap3A_654 = arith.constant 944 : index
      %swap3A_655 = tpu.vector_load %arg12[%swap3A_654] {strides = array<i32>} : memref<1792xf32, #tpu.memory_space<vmem>>, vector<16xf32>,
      tpu.vector_store %arg12[%swap3A_654], %gather3A_653 {strides = array<i32>} : memref<1792xf32, #tpu.memory_space<vmem>>, vector<16xf32>,
      %add3A_656 = arith.constant 960 : i32
      %add3A_657 = vector.broadcast %add3A_656 : i32 to vector<16xi32>
      %add3A_658 = arith.addi %add3A_657, %iota3A : vector<16xi32>
      %gather3A_659 = tpu.vector_load_idx %arg11[%add3A_658, %broadcast_in_dim3A_3] : memref<1792x8xf32, #tpu.memory_space<vmem>>[vector<16xi32>, vector<16xi32>], vector<16xf32>,
      %swap3A_660 = arith.constant 960 : index
      %swap3A_661 = tpu.vector_load %arg12[%swap3A_660] {strides = array<i32>} : memref<1792xf32, #tpu.memory_space<vmem>>, vector<16xf32>,
      tpu.vector_store %arg12[%swap3A_660], %gather3A_659 {strides = array<i32>} : memref<1792xf32, #tpu.memory_space<vmem>>, vector<16xf32>,
      %add3A_662 = arith.constant 976 : i32
      %add3A_663 = vector.broadcast %add3A_662 : i32 to vector<16xi32>
      %add3A_664 = arith.addi %add3A_663, %iota3A : vector<16xi32>
      %gather3A_665 = tpu.vector_load_idx %arg11[%add3A_664, %broadcast_in_dim3A_3] : memref<1792x8xf32, #tpu.memory_space<vmem>>[vector<16xi32>, vector<16xi32>], vector<16xf32>,
      %swap3A_666 = arith.constant 976 : index
      %swap3A_667 = tpu.vector_load %arg12[%swap3A_666] {strides = array<i32>} : memref<1792xf32, #tpu.memory_space<vmem>>, vector<16xf32>,
      tpu.vector_store %arg12[%swap3A_666], %gather3A_665 {strides = array<i32>} : memref<1792xf32, #tpu.memory_space<vmem>>, vector<16xf32>,
      %add3A_668 = arith.constant 992 : i32
      %add3A_669 = vector.broadcast %add3A_668 : i32 to vector<16xi32>
      %add3A_670 = arith.addi %add3A_669, %iota3A : vector<16xi32>
      %gather3A_671 = tpu.vector_load_idx %arg11[%add3A_670, %broadcast_in_dim3A_3] : memref<1792x8xf32, #tpu.memory_space<vmem>>[vector<16xi32>, vector<16xi32>], vector<16xf32>,
      %swap3A_672 = arith.constant 992 : index
      %swap3A_673 = tpu.vector_load %arg12[%swap3A_672] {strides = array<i32>} : memref<1792xf32, #tpu.memory_space<vmem>>, vector<16xf32>,
      tpu.vector_store %arg12[%swap3A_672], %gather3A_671 {strides = array<i32>} : memref<1792xf32, #tpu.memory_space<vmem>>, vector<16xf32>,
      %add3A_674 = arith.constant 1008 : i32
      %add3A_675 = vector.broadcast %add3A_674 : i32 to vector<16xi32>
      %add3A_676 = arith.addi %add3A_675, %iota3A : vector<16xi32>
      %gather3A_677 = tpu.vector_load_idx %arg11[%add3A_676, %broadcast_in_dim3A_3] : memref<1792x8xf32, #tpu.memory_space<vmem>>[vector<16xi32>, vector<16xi32>], vector<16xf32>,
      %swap3A_678 = arith.constant 1008 : index
      %swap3A_679 = tpu.vector_load %arg12[%swap3A_678] {strides = array<i32>} : memref<1792xf32, #tpu.memory_space<vmem>>, vector<16xf32>,
      tpu.vector_store %arg12[%swap3A_678], %gather3A_677 {strides = array<i32>} : memref<1792xf32, #tpu.memory_space<vmem>>, vector<16xf32>,
      %add3A_680 = arith.constant 1024 : i32
      %add3A_681 = vector.broadcast %add3A_680 : i32 to vector<16xi32>
      %add3A_682 = arith.addi %add3A_681, %iota3A : vector<16xi32>
      %gather3A_683 = tpu.vector_load_idx %arg11[%add3A_682, %broadcast_in_dim3A_3] : memref<1792x8xf32, #tpu.memory_space<vmem>>[vector<16xi32>, vector<16xi32>], vector<16xf32>,
      %swap3A_684 = arith.constant 1024 : index
      %swap3A_685 = tpu.vector_load %arg12[%swap3A_684] {strides = array<i32>} : memref<1792xf32, #tpu.memory_space<vmem>>, vector<16xf32>,
      tpu.vector_store %arg12[%swap3A_684], %gather3A_683 {strides = array<i32>} : memref<1792xf32, #tpu.memory_space<vmem>>, vector<16xf32>,
      %add3A_686 = arith.constant 1040 : i32
      %add3A_687 = vector.broadcast %add3A_686 : i32 to vector<16xi32>
      %add3A_688 = arith.addi %add3A_687, %iota3A : vector<16xi32>
      %gather3A_689 = tpu.vector_load_idx %arg11[%add3A_688, %broadcast_in_dim3A_3] : memref<1792x8xf32, #tpu.memory_space<vmem>>[vector<16xi32>, vector<16xi32>], vector<16xf32>,
      %swap3A_690 = arith.constant 1040 : index
      %swap3A_691 = tpu.vector_load %arg12[%swap3A_690] {strides = array<i32>} : memref<1792xf32, #tpu.memory_space<vmem>>, vector<16xf32>,
      tpu.vector_store %arg12[%swap3A_690], %gather3A_689 {strides = array<i32>} : memref<1792xf32, #tpu.memory_space<vmem>>, vector<16xf32>,
      %add3A_692 = arith.constant 1056 : i32
      %add3A_693 = vector.broadcast %add3A_692 : i32 to vector<16xi32>
      %add3A_694 = arith.addi %add3A_693, %iota3A : vector<16xi32>
      %gather3A_695 = tpu.vector_load_idx %arg11[%add3A_694, %broadcast_in_dim3A_3] : memref<1792x8xf32, #tpu.memory_space<vmem>>[vector<16xi32>, vector<16xi32>], vector<16xf32>,
      %swap3A_696 = arith.constant 1056 : index
      %swap3A_697 = tpu.vector_load %arg12[%swap3A_696] {strides = array<i32>} : memref<1792xf32, #tpu.memory_space<vmem>>, vector<16xf32>,
      tpu.vector_store %arg12[%swap3A_696], %gather3A_695 {strides = array<i32>} : memref<1792xf32, #tpu.memory_space<vmem>>, vector<16xf32>,
      %add3A_698 = arith.constant 1072 : i32
      %add3A_699 = vector.broadcast %add3A_698 : i32 to vector<16xi32>
      %add3A_700 = arith.addi %add3A_699, %iota3A : vector<16xi32>
      %gather3A_701 = tpu.vector_load_idx %arg11[%add3A_700, %broadcast_in_dim3A_3] : memref<1792x8xf32, #tpu.memory_space<vmem>>[vector<16xi32>, vector<16xi32>], vector<16xf32>,
      %swap3A_702 = arith.constant 1072 : index
      %swap3A_703 = tpu.vector_load %arg12[%swap3A_702] {strides = array<i32>} : memref<1792xf32, #tpu.memory_space<vmem>>, vector<16xf32>,
      tpu.vector_store %arg12[%swap3A_702], %gather3A_701 {strides = array<i32>} : memref<1792xf32, #tpu.memory_space<vmem>>, vector<16xf32>,
      %add3A_704 = arith.constant 1088 : i32
      %add3A_705 = vector.broadcast %add3A_704 : i32 to vector<16xi32>
      %add3A_706 = arith.addi %add3A_705, %iota3A : vector<16xi32>
      %gather3A_707 = tpu.vector_load_idx %arg11[%add3A_706, %broadcast_in_dim3A_3] : memref<1792x8xf32, #tpu.memory_space<vmem>>[vector<16xi32>, vector<16xi32>], vector<16xf32>,
      %swap3A_708 = arith.constant 1088 : index
      %swap3A_709 = tpu.vector_load %arg12[%swap3A_708] {strides = array<i32>} : memref<1792xf32, #tpu.memory_space<vmem>>, vector<16xf32>,
      tpu.vector_store %arg12[%swap3A_708], %gather3A_707 {strides = array<i32>} : memref<1792xf32, #tpu.memory_space<vmem>>, vector<16xf32>,
      %add3A_710 = arith.constant 1104 : i32
      %add3A_711 = vector.broadcast %add3A_710 : i32 to vector<16xi32>
      %add3A_712 = arith.addi %add3A_711, %iota3A : vector<16xi32>
      %gather3A_713 = tpu.vector_load_idx %arg11[%add3A_712, %broadcast_in_dim3A_3] : memref<1792x8xf32, #tpu.memory_space<vmem>>[vector<16xi32>, vector<16xi32>], vector<16xf32>,
      %swap3A_714 = arith.constant 1104 : index
      %swap3A_715 = tpu.vector_load %arg12[%swap3A_714] {strides = array<i32>} : memref<1792xf32, #tpu.memory_space<vmem>>, vector<16xf32>,
      tpu.vector_store %arg12[%swap3A_714], %gather3A_713 {strides = array<i32>} : memref<1792xf32, #tpu.memory_space<vmem>>, vector<16xf32>,
      %add3A_716 = arith.constant 1120 : i32
      %add3A_717 = vector.broadcast %add3A_716 : i32 to vector<16xi32>
      %add3A_718 = arith.addi %add3A_717, %iota3A : vector<16xi32>
      %gather3A_719 = tpu.vector_load_idx %arg11[%add3A_718, %broadcast_in_dim3A_3] : memref<1792x8xf32, #tpu.memory_space<vmem>>[vector<16xi32>, vector<16xi32>], vector<16xf32>,
      %swap3A_720 = arith.constant 1120 : index
      %swap3A_721 = tpu.vector_load %arg12[%swap3A_720] {strides = array<i32>} : memref<1792xf32, #tpu.memory_space<vmem>>, vector<16xf32>,
      tpu.vector_store %arg12[%swap3A_720], %gather3A_719 {strides = array<i32>} : memref<1792xf32, #tpu.memory_space<vmem>>, vector<16xf32>,
      %add3A_722 = arith.constant 1136 : i32
      %add3A_723 = vector.broadcast %add3A_722 : i32 to vector<16xi32>
      %add3A_724 = arith.addi %add3A_723, %iota3A : vector<16xi32>
      %gather3A_725 = tpu.vector_load_idx %arg11[%add3A_724, %broadcast_in_dim3A_3] : memref<1792x8xf32, #tpu.memory_space<vmem>>[vector<16xi32>, vector<16xi32>], vector<16xf32>,
      %swap3A_726 = arith.constant 1136 : index
      %swap3A_727 = tpu.vector_load %arg12[%swap3A_726] {strides = array<i32>} : memref<1792xf32, #tpu.memory_space<vmem>>, vector<16xf32>,
      tpu.vector_store %arg12[%swap3A_726], %gather3A_725 {strides = array<i32>} : memref<1792xf32, #tpu.memory_space<vmem>>, vector<16xf32>,
      %add3A_728 = arith.constant 1152 : i32
      %add3A_729 = vector.broadcast %add3A_728 : i32 to vector<16xi32>
      %add3A_730 = arith.addi %add3A_729, %iota3A : vector<16xi32>
      %gather3A_731 = tpu.vector_load_idx %arg11[%add3A_730, %broadcast_in_dim3A_3] : memref<1792x8xf32, #tpu.memory_space<vmem>>[vector<16xi32>, vector<16xi32>], vector<16xf32>,
      %swap3A_732 = arith.constant 1152 : index
      %swap3A_733 = tpu.vector_load %arg12[%swap3A_732] {strides = array<i32>} : memref<1792xf32, #tpu.memory_space<vmem>>, vector<16xf32>,
      tpu.vector_store %arg12[%swap3A_732], %gather3A_731 {strides = array<i32>} : memref<1792xf32, #tpu.memory_space<vmem>>, vector<16xf32>,
      %add3A_734 = arith.constant 1168 : i32
      %add3A_735 = vector.broadcast %add3A_734 : i32 to vector<16xi32>
      %add3A_736 = arith.addi %add3A_735, %iota3A : vector<16xi32>
      %gather3A_737 = tpu.vector_load_idx %arg11[%add3A_736, %broadcast_in_dim3A_3] : memref<1792x8xf32, #tpu.memory_space<vmem>>[vector<16xi32>, vector<16xi32>], vector<16xf32>,
      %swap3A_738 = arith.constant 1168 : index
      %swap3A_739 = tpu.vector_load %arg12[%swap3A_738] {strides = array<i32>} : memref<1792xf32, #tpu.memory_space<vmem>>, vector<16xf32>,
      tpu.vector_store %arg12[%swap3A_738], %gather3A_737 {strides = array<i32>} : memref<1792xf32, #tpu.memory_space<vmem>>, vector<16xf32>,
      %add3A_740 = arith.constant 1184 : i32
      %add3A_741 = vector.broadcast %add3A_740 : i32 to vector<16xi32>
      %add3A_742 = arith.addi %add3A_741, %iota3A : vector<16xi32>
      %gather3A_743 = tpu.vector_load_idx %arg11[%add3A_742, %broadcast_in_dim3A_3] : memref<1792x8xf32, #tpu.memory_space<vmem>>[vector<16xi32>, vector<16xi32>], vector<16xf32>,
      %swap3A_744 = arith.constant 1184 : index
      %swap3A_745 = tpu.vector_load %arg12[%swap3A_744] {strides = array<i32>} : memref<1792xf32, #tpu.memory_space<vmem>>, vector<16xf32>,
      tpu.vector_store %arg12[%swap3A_744], %gather3A_743 {strides = array<i32>} : memref<1792xf32, #tpu.memory_space<vmem>>, vector<16xf32>,
      %add3A_746 = arith.constant 1200 : i32
      %add3A_747 = vector.broadcast %add3A_746 : i32 to vector<16xi32>
      %add3A_748 = arith.addi %add3A_747, %iota3A : vector<16xi32>
      %gather3A_749 = tpu.vector_load_idx %arg11[%add3A_748, %broadcast_in_dim3A_3] : memref<1792x8xf32, #tpu.memory_space<vmem>>[vector<16xi32>, vector<16xi32>], vector<16xf32>,
      %swap3A_750 = arith.constant 1200 : index
      %swap3A_751 = tpu.vector_load %arg12[%swap3A_750] {strides = array<i32>} : memref<1792xf32, #tpu.memory_space<vmem>>, vector<16xf32>,
      tpu.vector_store %arg12[%swap3A_750], %gather3A_749 {strides = array<i32>} : memref<1792xf32, #tpu.memory_space<vmem>>, vector<16xf32>,
      %add3A_752 = arith.constant 1216 : i32
      %add3A_753 = vector.broadcast %add3A_752 : i32 to vector<16xi32>
      %add3A_754 = arith.addi %add3A_753, %iota3A : vector<16xi32>
      %gather3A_755 = tpu.vector_load_idx %arg11[%add3A_754, %broadcast_in_dim3A_3] : memref<1792x8xf32, #tpu.memory_space<vmem>>[vector<16xi32>, vector<16xi32>], vector<16xf32>,
      %swap3A_756 = arith.constant 1216 : index
      %swap3A_757 = tpu.vector_load %arg12[%swap3A_756] {strides = array<i32>} : memref<1792xf32, #tpu.memory_space<vmem>>, vector<16xf32>,
      tpu.vector_store %arg12[%swap3A_756], %gather3A_755 {strides = array<i32>} : memref<1792xf32, #tpu.memory_space<vmem>>, vector<16xf32>,
      %add3A_758 = arith.constant 1232 : i32
      %add3A_759 = vector.broadcast %add3A_758 : i32 to vector<16xi32>
      %add3A_760 = arith.addi %add3A_759, %iota3A : vector<16xi32>
      %gather3A_761 = tpu.vector_load_idx %arg11[%add3A_760, %broadcast_in_dim3A_3] : memref<1792x8xf32, #tpu.memory_space<vmem>>[vector<16xi32>, vector<16xi32>], vector<16xf32>,
      %swap3A_762 = arith.constant 1232 : index
      %swap3A_763 = tpu.vector_load %arg12[%swap3A_762] {strides = array<i32>} : memref<1792xf32, #tpu.memory_space<vmem>>, vector<16xf32>,
      tpu.vector_store %arg12[%swap3A_762], %gather3A_761 {strides = array<i32>} : memref<1792xf32, #tpu.memory_space<vmem>>, vector<16xf32>,
      %add3A_764 = arith.constant 1248 : i32
      %add3A_765 = vector.broadcast %add3A_764 : i32 to vector<16xi32>
      %add3A_766 = arith.addi %add3A_765, %iota3A : vector<16xi32>
      %gather3A_767 = tpu.vector_load_idx %arg11[%add3A_766, %broadcast_in_dim3A_3] : memref<1792x8xf32, #tpu.memory_space<vmem>>[vector<16xi32>, vector<16xi32>], vector<16xf32>,
      %swap3A_768 = arith.constant 1248 : index
      %swap3A_769 = tpu.vector_load %arg12[%swap3A_768] {strides = array<i32>} : memref<1792xf32, #tpu.memory_space<vmem>>, vector<16xf32>,
      tpu.vector_store %arg12[%swap3A_768], %gather3A_767 {strides = array<i32>} : memref<1792xf32, #tpu.memory_space<vmem>>, vector<16xf32>,
      %add3A_770 = arith.constant 1264 : i32
      %add3A_771 = vector.broadcast %add3A_770 : i32 to vector<16xi32>
      %add3A_772 = arith.addi %add3A_771, %iota3A : vector<16xi32>
      %gather3A_773 = tpu.vector_load_idx %arg11[%add3A_772, %broadcast_in_dim3A_3] : memref<1792x8xf32, #tpu.memory_space<vmem>>[vector<16xi32>, vector<16xi32>], vector<16xf32>,
      %swap3A_774 = arith.constant 1264 : index
      %swap3A_775 = tpu.vector_load %arg12[%swap3A_774] {strides = array<i32>} : memref<1792xf32, #tpu.memory_space<vmem>>, vector<16xf32>,
      tpu.vector_store %arg12[%swap3A_774], %gather3A_773 {strides = array<i32>} : memref<1792xf32, #tpu.memory_space<vmem>>, vector<16xf32>,
      %add3A_776 = arith.constant 1280 : i32
      %add3A_777 = vector.broadcast %add3A_776 : i32 to vector<16xi32>
      %add3A_778 = arith.addi %add3A_777, %iota3A : vector<16xi32>
      %gather3A_779 = tpu.vector_load_idx %arg11[%add3A_778, %broadcast_in_dim3A_3] : memref<1792x8xf32, #tpu.memory_space<vmem>>[vector<16xi32>, vector<16xi32>], vector<16xf32>,
      %swap3A_780 = arith.constant 1280 : index
      %swap3A_781 = tpu.vector_load %arg12[%swap3A_780] {strides = array<i32>} : memref<1792xf32, #tpu.memory_space<vmem>>, vector<16xf32>,
      tpu.vector_store %arg12[%swap3A_780], %gather3A_779 {strides = array<i32>} : memref<1792xf32, #tpu.memory_space<vmem>>, vector<16xf32>,
      %add3A_782 = arith.constant 1296 : i32
      %add3A_783 = vector.broadcast %add3A_782 : i32 to vector<16xi32>
      %add3A_784 = arith.addi %add3A_783, %iota3A : vector<16xi32>
      %gather3A_785 = tpu.vector_load_idx %arg11[%add3A_784, %broadcast_in_dim3A_3] : memref<1792x8xf32, #tpu.memory_space<vmem>>[vector<16xi32>, vector<16xi32>], vector<16xf32>,
      %swap3A_786 = arith.constant 1296 : index
      %swap3A_787 = tpu.vector_load %arg12[%swap3A_786] {strides = array<i32>} : memref<1792xf32, #tpu.memory_space<vmem>>, vector<16xf32>,
      tpu.vector_store %arg12[%swap3A_786], %gather3A_785 {strides = array<i32>} : memref<1792xf32, #tpu.memory_space<vmem>>, vector<16xf32>,
      %add3A_788 = arith.constant 1312 : i32
      %add3A_789 = vector.broadcast %add3A_788 : i32 to vector<16xi32>
      %add3A_790 = arith.addi %add3A_789, %iota3A : vector<16xi32>
      %gather3A_791 = tpu.vector_load_idx %arg11[%add3A_790, %broadcast_in_dim3A_3] : memref<1792x8xf32, #tpu.memory_space<vmem>>[vector<16xi32>, vector<16xi32>], vector<16xf32>,
      %swap3A_792 = arith.constant 1312 : index
      %swap3A_793 = tpu.vector_load %arg12[%swap3A_792] {strides = array<i32>} : memref<1792xf32, #tpu.memory_space<vmem>>, vector<16xf32>,
      tpu.vector_store %arg12[%swap3A_792], %gather3A_791 {strides = array<i32>} : memref<1792xf32, #tpu.memory_space<vmem>>, vector<16xf32>,
      %add3A_794 = arith.constant 1328 : i32
      %add3A_795 = vector.broadcast %add3A_794 : i32 to vector<16xi32>
      %add3A_796 = arith.addi %add3A_795, %iota3A : vector<16xi32>
      %gather3A_797 = tpu.vector_load_idx %arg11[%add3A_796, %broadcast_in_dim3A_3] : memref<1792x8xf32, #tpu.memory_space<vmem>>[vector<16xi32>, vector<16xi32>], vector<16xf32>,
      %swap3A_798 = arith.constant 1328 : index
      %swap3A_799 = tpu.vector_load %arg12[%swap3A_798] {strides = array<i32>} : memref<1792xf32, #tpu.memory_space<vmem>>, vector<16xf32>,
      tpu.vector_store %arg12[%swap3A_798], %gather3A_797 {strides = array<i32>} : memref<1792xf32, #tpu.memory_space<vmem>>, vector<16xf32>,
      %add3A_800 = arith.constant 1344 : i32
      %add3A_801 = vector.broadcast %add3A_800 : i32 to vector<16xi32>
      %add3A_802 = arith.addi %add3A_801, %iota3A : vector<16xi32>
      %gather3A_803 = tpu.vector_load_idx %arg11[%add3A_802, %broadcast_in_dim3A_3] : memref<1792x8xf32, #tpu.memory_space<vmem>>[vector<16xi32>, vector<16xi32>], vector<16xf32>,
      %swap3A_804 = arith.constant 1344 : index
      %swap3A_805 = tpu.vector_load %arg12[%swap3A_804] {strides = array<i32>} : memref<1792xf32, #tpu.memory_space<vmem>>, vector<16xf32>,
      tpu.vector_store %arg12[%swap3A_804], %gather3A_803 {strides = array<i32>} : memref<1792xf32, #tpu.memory_space<vmem>>, vector<16xf32>,
      %add3A_806 = arith.constant 1360 : i32
      %add3A_807 = vector.broadcast %add3A_806 : i32 to vector<16xi32>
      %add3A_808 = arith.addi %add3A_807, %iota3A : vector<16xi32>
      %gather3A_809 = tpu.vector_load_idx %arg11[%add3A_808, %broadcast_in_dim3A_3] : memref<1792x8xf32, #tpu.memory_space<vmem>>[vector<16xi32>, vector<16xi32>], vector<16xf32>,
      %swap3A_810 = arith.constant 1360 : index
      %swap3A_811 = tpu.vector_load %arg12[%swap3A_810] {strides = array<i32>} : memref<1792xf32, #tpu.memory_space<vmem>>, vector<16xf32>,
      tpu.vector_store %arg12[%swap3A_810], %gather3A_809 {strides = array<i32>} : memref<1792xf32, #tpu.memory_space<vmem>>, vector<16xf32>,
      %add3A_812 = arith.constant 1376 : i32
      %add3A_813 = vector.broadcast %add3A_812 : i32 to vector<16xi32>
      %add3A_814 = arith.addi %add3A_813, %iota3A : vector<16xi32>
      %gather3A_815 = tpu.vector_load_idx %arg11[%add3A_814, %broadcast_in_dim3A_3] : memref<1792x8xf32, #tpu.memory_space<vmem>>[vector<16xi32>, vector<16xi32>], vector<16xf32>,
      %swap3A_816 = arith.constant 1376 : index
      %swap3A_817 = tpu.vector_load %arg12[%swap3A_816] {strides = array<i32>} : memref<1792xf32, #tpu.memory_space<vmem>>, vector<16xf32>,
      tpu.vector_store %arg12[%swap3A_816], %gather3A_815 {strides = array<i32>} : memref<1792xf32, #tpu.memory_space<vmem>>, vector<16xf32>,
      %add3A_818 = arith.constant 1392 : i32
      %add3A_819 = vector.broadcast %add3A_818 : i32 to vector<16xi32>
      %add3A_820 = arith.addi %add3A_819, %iota3A : vector<16xi32>
      %gather3A_821 = tpu.vector_load_idx %arg11[%add3A_820, %broadcast_in_dim3A_3] : memref<1792x8xf32, #tpu.memory_space<vmem>>[vector<16xi32>, vector<16xi32>], vector<16xf32>,
      %swap3A_822 = arith.constant 1392 : index
      %swap3A_823 = tpu.vector_load %arg12[%swap3A_822] {strides = array<i32>} : memref<1792xf32, #tpu.memory_space<vmem>>, vector<16xf32>,
      tpu.vector_store %arg12[%swap3A_822], %gather3A_821 {strides = array<i32>} : memref<1792xf32, #tpu.memory_space<vmem>>, vector<16xf32>,
      %add3A_824 = arith.constant 1408 : i32
      %add3A_825 = vector.broadcast %add3A_824 : i32 to vector<16xi32>
      %add3A_826 = arith.addi %add3A_825, %iota3A : vector<16xi32>
      %gather3A_827 = tpu.vector_load_idx %arg11[%add3A_826, %broadcast_in_dim3A_3] : memref<1792x8xf32, #tpu.memory_space<vmem>>[vector<16xi32>, vector<16xi32>], vector<16xf32>,
      %swap3A_828 = arith.constant 1408 : index
      %swap3A_829 = tpu.vector_load %arg12[%swap3A_828] {strides = array<i32>} : memref<1792xf32, #tpu.memory_space<vmem>>, vector<16xf32>,
      tpu.vector_store %arg12[%swap3A_828], %gather3A_827 {strides = array<i32>} : memref<1792xf32, #tpu.memory_space<vmem>>, vector<16xf32>,
      %add3A_830 = arith.constant 1424 : i32
      %add3A_831 = vector.broadcast %add3A_830 : i32 to vector<16xi32>
      %add3A_832 = arith.addi %add3A_831, %iota3A : vector<16xi32>
      %gather3A_833 = tpu.vector_load_idx %arg11[%add3A_832, %broadcast_in_dim3A_3] : memref<1792x8xf32, #tpu.memory_space<vmem>>[vector<16xi32>, vector<16xi32>], vector<16xf32>,
      %swap3A_834 = arith.constant 1424 : index
      %swap3A_835 = tpu.vector_load %arg12[%swap3A_834] {strides = array<i32>} : memref<1792xf32, #tpu.memory_space<vmem>>, vector<16xf32>,
      tpu.vector_store %arg12[%swap3A_834], %gather3A_833 {strides = array<i32>} : memref<1792xf32, #tpu.memory_space<vmem>>, vector<16xf32>,
      %add3A_836 = arith.constant 1440 : i32
      %add3A_837 = vector.broadcast %add3A_836 : i32 to vector<16xi32>
      %add3A_838 = arith.addi %add3A_837, %iota3A : vector<16xi32>
      %gather3A_839 = tpu.vector_load_idx %arg11[%add3A_838, %broadcast_in_dim3A_3] : memref<1792x8xf32, #tpu.memory_space<vmem>>[vector<16xi32>, vector<16xi32>], vector<16xf32>,
      %swap3A_840 = arith.constant 1440 : index
      %swap3A_841 = tpu.vector_load %arg12[%swap3A_840] {strides = array<i32>} : memref<1792xf32, #tpu.memory_space<vmem>>, vector<16xf32>,
      tpu.vector_store %arg12[%swap3A_840], %gather3A_839 {strides = array<i32>} : memref<1792xf32, #tpu.memory_space<vmem>>, vector<16xf32>,
      %add3A_842 = arith.constant 1456 : i32
      %add3A_843 = vector.broadcast %add3A_842 : i32 to vector<16xi32>
      %add3A_844 = arith.addi %add3A_843, %iota3A : vector<16xi32>
      %gather3A_845 = tpu.vector_load_idx %arg11[%add3A_844, %broadcast_in_dim3A_3] : memref<1792x8xf32, #tpu.memory_space<vmem>>[vector<16xi32>, vector<16xi32>], vector<16xf32>,
      %swap3A_846 = arith.constant 1456 : index
      %swap3A_847 = tpu.vector_load %arg12[%swap3A_846] {strides = array<i32>} : memref<1792xf32, #tpu.memory_space<vmem>>, vector<16xf32>,
      tpu.vector_store %arg12[%swap3A_846], %gather3A_845 {strides = array<i32>} : memref<1792xf32, #tpu.memory_space<vmem>>, vector<16xf32>,
      %add3A_848 = arith.constant 1472 : i32
      %add3A_849 = vector.broadcast %add3A_848 : i32 to vector<16xi32>
      %add3A_850 = arith.addi %add3A_849, %iota3A : vector<16xi32>
      %gather3A_851 = tpu.vector_load_idx %arg11[%add3A_850, %broadcast_in_dim3A_3] : memref<1792x8xf32, #tpu.memory_space<vmem>>[vector<16xi32>, vector<16xi32>], vector<16xf32>,
      %swap3A_852 = arith.constant 1472 : index
      %swap3A_853 = tpu.vector_load %arg12[%swap3A_852] {strides = array<i32>} : memref<1792xf32, #tpu.memory_space<vmem>>, vector<16xf32>,
      tpu.vector_store %arg12[%swap3A_852], %gather3A_851 {strides = array<i32>} : memref<1792xf32, #tpu.memory_space<vmem>>, vector<16xf32>,
      %add3A_854 = arith.constant 1488 : i32
      %add3A_855 = vector.broadcast %add3A_854 : i32 to vector<16xi32>
      %add3A_856 = arith.addi %add3A_855, %iota3A : vector<16xi32>
      %gather3A_857 = tpu.vector_load_idx %arg11[%add3A_856, %broadcast_in_dim3A_3] : memref<1792x8xf32, #tpu.memory_space<vmem>>[vector<16xi32>, vector<16xi32>], vector<16xf32>,
      %swap3A_858 = arith.constant 1488 : index
      %swap3A_859 = tpu.vector_load %arg12[%swap3A_858] {strides = array<i32>} : memref<1792xf32, #tpu.memory_space<vmem>>, vector<16xf32>,
      tpu.vector_store %arg12[%swap3A_858], %gather3A_857 {strides = array<i32>} : memref<1792xf32, #tpu.memory_space<vmem>>, vector<16xf32>,
      %add3A_860 = arith.constant 1504 : i32
      %add3A_861 = vector.broadcast %add3A_860 : i32 to vector<16xi32>
      %add3A_862 = arith.addi %add3A_861, %iota3A : vector<16xi32>
      %gather3A_863 = tpu.vector_load_idx %arg11[%add3A_862, %broadcast_in_dim3A_3] : memref<1792x8xf32, #tpu.memory_space<vmem>>[vector<16xi32>, vector<16xi32>], vector<16xf32>,
      %swap3A_864 = arith.constant 1504 : index
      %swap3A_865 = tpu.vector_load %arg12[%swap3A_864] {strides = array<i32>} : memref<1792xf32, #tpu.memory_space<vmem>>, vector<16xf32>,
      tpu.vector_store %arg12[%swap3A_864], %gather3A_863 {strides = array<i32>} : memref<1792xf32, #tpu.memory_space<vmem>>, vector<16xf32>,
      %add3A_866 = arith.constant 1520 : i32
      %add3A_867 = vector.broadcast %add3A_866 : i32 to vector<16xi32>
      %add3A_868 = arith.addi %add3A_867, %iota3A : vector<16xi32>
      %gather3A_869 = tpu.vector_load_idx %arg11[%add3A_868, %broadcast_in_dim3A_3] : memref<1792x8xf32, #tpu.memory_space<vmem>>[vector<16xi32>, vector<16xi32>], vector<16xf32>,
      %swap3A_870 = arith.constant 1520 : index
      %swap3A_871 = tpu.vector_load %arg12[%swap3A_870] {strides = array<i32>} : memref<1792xf32, #tpu.memory_space<vmem>>, vector<16xf32>,
      tpu.vector_store %arg12[%swap3A_870], %gather3A_869 {strides = array<i32>} : memref<1792xf32, #tpu.memory_space<vmem>>, vector<16xf32>,
      %add3A_872 = arith.constant 1536 : i32
      %add3A_873 = vector.broadcast %add3A_872 : i32 to vector<16xi32>
      %add3A_874 = arith.addi %add3A_873, %iota3A : vector<16xi32>
      %gather3A_875 = tpu.vector_load_idx %arg11[%add3A_874, %broadcast_in_dim3A_3] : memref<1792x8xf32, #tpu.memory_space<vmem>>[vector<16xi32>, vector<16xi32>], vector<16xf32>,
      %swap3A_876 = arith.constant 1536 : index
      %swap3A_877 = tpu.vector_load %arg12[%swap3A_876] {strides = array<i32>} : memref<1792xf32, #tpu.memory_space<vmem>>, vector<16xf32>,
      tpu.vector_store %arg12[%swap3A_876], %gather3A_875 {strides = array<i32>} : memref<1792xf32, #tpu.memory_space<vmem>>, vector<16xf32>,
      %add3A_878 = arith.constant 1552 : i32
      %add3A_879 = vector.broadcast %add3A_878 : i32 to vector<16xi32>
      %add3A_880 = arith.addi %add3A_879, %iota3A : vector<16xi32>
      %gather3A_881 = tpu.vector_load_idx %arg11[%add3A_880, %broadcast_in_dim3A_3] : memref<1792x8xf32, #tpu.memory_space<vmem>>[vector<16xi32>, vector<16xi32>], vector<16xf32>,
      %swap3A_882 = arith.constant 1552 : index
      %swap3A_883 = tpu.vector_load %arg12[%swap3A_882] {strides = array<i32>} : memref<1792xf32, #tpu.memory_space<vmem>>, vector<16xf32>,
      tpu.vector_store %arg12[%swap3A_882], %gather3A_881 {strides = array<i32>} : memref<1792xf32, #tpu.memory_space<vmem>>, vector<16xf32>,
      %add3A_884 = arith.constant 1568 : i32
      %add3A_885 = vector.broadcast %add3A_884 : i32 to vector<16xi32>
      %add3A_886 = arith.addi %add3A_885, %iota3A : vector<16xi32>
      %gather3A_887 = tpu.vector_load_idx %arg11[%add3A_886, %broadcast_in_dim3A_3] : memref<1792x8xf32, #tpu.memory_space<vmem>>[vector<16xi32>, vector<16xi32>], vector<16xf32>,
      %swap3A_888 = arith.constant 1568 : index
      %swap3A_889 = tpu.vector_load %arg12[%swap3A_888] {strides = array<i32>} : memref<1792xf32, #tpu.memory_space<vmem>>, vector<16xf32>,
      tpu.vector_store %arg12[%swap3A_888], %gather3A_887 {strides = array<i32>} : memref<1792xf32, #tpu.memory_space<vmem>>, vector<16xf32>,
      %add3A_890 = arith.constant 1584 : i32
      %add3A_891 = vector.broadcast %add3A_890 : i32 to vector<16xi32>
      %add3A_892 = arith.addi %add3A_891, %iota3A : vector<16xi32>
      %gather3A_893 = tpu.vector_load_idx %arg11[%add3A_892, %broadcast_in_dim3A_3] : memref<1792x8xf32, #tpu.memory_space<vmem>>[vector<16xi32>, vector<16xi32>], vector<16xf32>,
      %swap3A_894 = arith.constant 1584 : index
      %swap3A_895 = tpu.vector_load %arg12[%swap3A_894] {strides = array<i32>} : memref<1792xf32, #tpu.memory_space<vmem>>, vector<16xf32>,
      tpu.vector_store %arg12[%swap3A_894], %gather3A_893 {strides = array<i32>} : memref<1792xf32, #tpu.memory_space<vmem>>, vector<16xf32>,
      %add3A_896 = arith.constant 1600 : i32
      %add3A_897 = vector.broadcast %add3A_896 : i32 to vector<16xi32>
      %add3A_898 = arith.addi %add3A_897, %iota3A : vector<16xi32>
      %gather3A_899 = tpu.vector_load_idx %arg11[%add3A_898, %broadcast_in_dim3A_3] : memref<1792x8xf32, #tpu.memory_space<vmem>>[vector<16xi32>, vector<16xi32>], vector<16xf32>,
      %swap3A_900 = arith.constant 1600 : index
      %swap3A_901 = tpu.vector_load %arg12[%swap3A_900] {strides = array<i32>} : memref<1792xf32, #tpu.memory_space<vmem>>, vector<16xf32>,
      tpu.vector_store %arg12[%swap3A_900], %gather3A_899 {strides = array<i32>} : memref<1792xf32, #tpu.memory_space<vmem>>, vector<16xf32>,
      %add3A_902 = arith.constant 1616 : i32
      %add3A_903 = vector.broadcast %add3A_902 : i32 to vector<16xi32>
      %add3A_904 = arith.addi %add3A_903, %iota3A : vector<16xi32>
      %gather3A_905 = tpu.vector_load_idx %arg11[%add3A_904, %broadcast_in_dim3A_3] : memref<1792x8xf32, #tpu.memory_space<vmem>>[vector<16xi32>, vector<16xi32>], vector<16xf32>,
      %swap3A_906 = arith.constant 1616 : index
      %swap3A_907 = tpu.vector_load %arg12[%swap3A_906] {strides = array<i32>} : memref<1792xf32, #tpu.memory_space<vmem>>, vector<16xf32>,
      tpu.vector_store %arg12[%swap3A_906], %gather3A_905 {strides = array<i32>} : memref<1792xf32, #tpu.memory_space<vmem>>, vector<16xf32>,
      %add3A_908 = arith.constant 1632 : i32
      %add3A_909 = vector.broadcast %add3A_908 : i32 to vector<16xi32>
      %add3A_910 = arith.addi %add3A_909, %iota3A : vector<16xi32>
      %gather3A_911 = tpu.vector_load_idx %arg11[%add3A_910, %broadcast_in_dim3A_3] : memref<1792x8xf32, #tpu.memory_space<vmem>>[vector<16xi32>, vector<16xi32>], vector<16xf32>,
      %swap3A_912 = arith.constant 1632 : index
      %swap3A_913 = tpu.vector_load %arg12[%swap3A_912] {strides = array<i32>} : memref<1792xf32, #tpu.memory_space<vmem>>, vector<16xf32>,
      tpu.vector_store %arg12[%swap3A_912], %gather3A_911 {strides = array<i32>} : memref<1792xf32, #tpu.memory_space<vmem>>, vector<16xf32>,
      %add3A_914 = arith.constant 1648 : i32
      %add3A_915 = vector.broadcast %add3A_914 : i32 to vector<16xi32>
      %add3A_916 = arith.addi %add3A_915, %iota3A : vector<16xi32>
      %gather3A_917 = tpu.vector_load_idx %arg11[%add3A_916, %broadcast_in_dim3A_3] : memref<1792x8xf32, #tpu.memory_space<vmem>>[vector<16xi32>, vector<16xi32>], vector<16xf32>,
      %swap3A_918 = arith.constant 1648 : index
      %swap3A_919 = tpu.vector_load %arg12[%swap3A_918] {strides = array<i32>} : memref<1792xf32, #tpu.memory_space<vmem>>, vector<16xf32>,
      tpu.vector_store %arg12[%swap3A_918], %gather3A_917 {strides = array<i32>} : memref<1792xf32, #tpu.memory_space<vmem>>, vector<16xf32>,
      %add3A_920 = arith.constant 1664 : i32
      %add3A_921 = vector.broadcast %add3A_920 : i32 to vector<16xi32>
      %add3A_922 = arith.addi %add3A_921, %iota3A : vector<16xi32>
      %gather3A_923 = tpu.vector_load_idx %arg11[%add3A_922, %broadcast_in_dim3A_3] : memref<1792x8xf32, #tpu.memory_space<vmem>>[vector<16xi32>, vector<16xi32>], vector<16xf32>,
      %swap3A_924 = arith.constant 1664 : index
      %swap3A_925 = tpu.vector_load %arg12[%swap3A_924] {strides = array<i32>} : memref<1792xf32, #tpu.memory_space<vmem>>, vector<16xf32>,
      tpu.vector_store %arg12[%swap3A_924], %gather3A_923 {strides = array<i32>} : memref<1792xf32, #tpu.memory_space<vmem>>, vector<16xf32>,
      %add3A_926 = arith.constant 1680 : i32
      %add3A_927 = vector.broadcast %add3A_926 : i32 to vector<16xi32>
      %add3A_928 = arith.addi %add3A_927, %iota3A : vector<16xi32>
      %gather3A_929 = tpu.vector_load_idx %arg11[%add3A_928, %broadcast_in_dim3A_3] : memref<1792x8xf32, #tpu.memory_space<vmem>>[vector<16xi32>, vector<16xi32>], vector<16xf32>,
      %swap3A_930 = arith.constant 1680 : index
      %swap3A_931 = tpu.vector_load %arg12[%swap3A_930] {strides = array<i32>} : memref<1792xf32, #tpu.memory_space<vmem>>, vector<16xf32>,
      tpu.vector_store %arg12[%swap3A_930], %gather3A_929 {strides = array<i32>} : memref<1792xf32, #tpu.memory_space<vmem>>, vector<16xf32>,
      %add3A_932 = arith.constant 1696 : i32
      %add3A_933 = vector.broadcast %add3A_932 : i32 to vector<16xi32>
      %add3A_934 = arith.addi %add3A_933, %iota3A : vector<16xi32>
      %gather3A_935 = tpu.vector_load_idx %arg11[%add3A_934, %broadcast_in_dim3A_3] : memref<1792x8xf32, #tpu.memory_space<vmem>>[vector<16xi32>, vector<16xi32>], vector<16xf32>,
      %swap3A_936 = arith.constant 1696 : index
      %swap3A_937 = tpu.vector_load %arg12[%swap3A_936] {strides = array<i32>} : memref<1792xf32, #tpu.memory_space<vmem>>, vector<16xf32>,
      tpu.vector_store %arg12[%swap3A_936], %gather3A_935 {strides = array<i32>} : memref<1792xf32, #tpu.memory_space<vmem>>, vector<16xf32>,
      %add3A_938 = arith.constant 1712 : i32
      %add3A_939 = vector.broadcast %add3A_938 : i32 to vector<16xi32>
      %add3A_940 = arith.addi %add3A_939, %iota3A : vector<16xi32>
      %gather3A_941 = tpu.vector_load_idx %arg11[%add3A_940, %broadcast_in_dim3A_3] : memref<1792x8xf32, #tpu.memory_space<vmem>>[vector<16xi32>, vector<16xi32>], vector<16xf32>,
      %swap3A_942 = arith.constant 1712 : index
      %swap3A_943 = tpu.vector_load %arg12[%swap3A_942] {strides = array<i32>} : memref<1792xf32, #tpu.memory_space<vmem>>, vector<16xf32>,
      tpu.vector_store %arg12[%swap3A_942], %gather3A_941 {strides = array<i32>} : memref<1792xf32, #tpu.memory_space<vmem>>, vector<16xf32>,
      %add3A_944 = arith.constant 1728 : i32
      %add3A_945 = vector.broadcast %add3A_944 : i32 to vector<16xi32>
      %add3A_946 = arith.addi %add3A_945, %iota3A : vector<16xi32>
      %gather3A_947 = tpu.vector_load_idx %arg11[%add3A_946, %broadcast_in_dim3A_3] : memref<1792x8xf32, #tpu.memory_space<vmem>>[vector<16xi32>, vector<16xi32>], vector<16xf32>,
      %swap3A_948 = arith.constant 1728 : index
      %swap3A_949 = tpu.vector_load %arg12[%swap3A_948] {strides = array<i32>} : memref<1792xf32, #tpu.memory_space<vmem>>, vector<16xf32>,
      tpu.vector_store %arg12[%swap3A_948], %gather3A_947 {strides = array<i32>} : memref<1792xf32, #tpu.memory_space<vmem>>, vector<16xf32>,
      %add3A_950 = arith.constant 1744 : i32
      %add3A_951 = vector.broadcast %add3A_950 : i32 to vector<16xi32>
      %add3A_952 = arith.addi %add3A_951, %iota3A : vector<16xi32>
      %gather3A_953 = tpu.vector_load_idx %arg11[%add3A_952, %broadcast_in_dim3A_3] : memref<1792x8xf32, #tpu.memory_space<vmem>>[vector<16xi32>, vector<16xi32>], vector<16xf32>,
      %swap3A_954 = arith.constant 1744 : index
      %swap3A_955 = tpu.vector_load %arg12[%swap3A_954] {strides = array<i32>} : memref<1792xf32, #tpu.memory_space<vmem>>, vector<16xf32>,
      tpu.vector_store %arg12[%swap3A_954], %gather3A_953 {strides = array<i32>} : memref<1792xf32, #tpu.memory_space<vmem>>, vector<16xf32>,
      %add3A_956 = arith.constant 1760 : i32
      %add3A_957 = vector.broadcast %add3A_956 : i32 to vector<16xi32>
      %add3A_958 = arith.addi %add3A_957, %iota3A : vector<16xi32>
      %gather3A_959 = tpu.vector_load_idx %arg11[%add3A_958, %broadcast_in_dim3A_3] : memref<1792x8xf32, #tpu.memory_space<vmem>>[vector<16xi32>, vector<16xi32>], vector<16xf32>,
      %swap3A_960 = arith.constant 1760 : index
      %swap3A_961 = tpu.vector_load %arg12[%swap3A_960] {strides = array<i32>} : memref<1792xf32, #tpu.memory_space<vmem>>, vector<16xf32>,
      tpu.vector_store %arg12[%swap3A_960], %gather3A_959 {strides = array<i32>} : memref<1792xf32, #tpu.memory_space<vmem>>, vector<16xf32>,
      %add3A_962 = arith.constant 1776 : i32
      %add3A_963 = vector.broadcast %add3A_962 : i32 to vector<16xi32>
      %add3A_964 = arith.addi %add3A_963, %iota3A : vector<16xi32>
      %gather3A_965 = tpu.vector_load_idx %arg11[%add3A_964, %broadcast_in_dim3A_3] : memref<1792x8xf32, #tpu.memory_space<vmem>>[vector<16xi32>, vector<16xi32>], vector<16xf32>,
      %swap3A_966 = arith.constant 1776 : index
      %swap3A_967 = tpu.vector_load %arg12[%swap3A_966] {strides = array<i32>} : memref<1792xf32, #tpu.memory_space<vmem>>, vector<16xf32>,
      tpu.vector_store %arg12[%swap3A_966], %gather3A_965 {strides = array<i32>} : memref<1792xf32, #tpu.memory_space<vmem>>, vector<16xf32>,
      %dma_start3A_968 = arith.constant 0 : i32
      %dma_start3A_969 = arith.constant 0 : i32
      %dma_start3A_970 = arith.constant 0 : i32
      %dma_start3A_971 = tpu.memref_slice %arg11[%dma_start3A_969, %dma_start3A_970] : memref<1792x8xf32, #tpu.memory_space<vmem>> -> memref<128x8xf32, #tpu.memory_space<vmem>>
      %dma_start3A_972 = arith.constant 0 : i32
      %dma_start3A_973 = tpu.memref_slice %arg10[%dma_start3A_968, %dma_start3A_972] : memref<14x128xi32, #tpu.memory_space<vmem>> -> memref<1x128xi32, #tpu.memory_space<vmem>>
      %dma_start3A_974 = tpu.memref_squeeze %dma_start3A_973 : memref<1x128xi32, #tpu.memory_space<vmem>> -> memref<128xi32, #tpu.memory_space<vmem>>
      %dma_start3A_975 = arith.constant 0 : i32
      %dma_start3A_976 = arith.constant 0 : i32
      %dma_start3A_977 = tpu.memref_slice %arg8[%dma_start3A_975, %dma_start3A_976] : memref<50016x8xf32, #tpu.memory_space<vmem_shared>> -> memref<50016x8xf32, #tpu.memory_space<vmem_shared>>
      tpu.enqueue_indirect_dma source(%dma_start3A_971 : memref<128x8xf32, #tpu.memory_space<vmem>>) target(%dma_start3A_977 : memref<50016x8xf32, #tpu.memory_space<vmem_shared>>) offsets(%dma_start3A_974 : memref<128xi32, #tpu.memory_space<vmem>>) semaphore(%arg14 : memref<!tpu.dma_semaphore, #tpu.memory_space<semaphore_mem>>) {add = true}
      %dma_start3A_978 = arith.constant 1 : i32
      %dma_start3A_979 = arith.constant 128 : i32
      %dma_start3A_980 = arith.constant 0 : i32
      %dma_start3A_981 = tpu.memref_slice %arg11[%dma_start3A_979, %dma_start3A_980] : memref<1792x8xf32, #tpu.memory_space<vmem>> -> memref<128x8xf32, #tpu.memory_space<vmem>>
      %dma_start3A_982 = arith.constant 0 : i32
      %dma_start3A_983 = tpu.memref_slice %arg10[%dma_start3A_978, %dma_start3A_982] : memref<14x128xi32, #tpu.memory_space<vmem>> -> memref<1x128xi32, #tpu.memory_space<vmem>>
      %dma_start3A_984 = tpu.memref_squeeze %dma_start3A_983 : memref<1x128xi32, #tpu.memory_space<vmem>> -> memref<128xi32, #tpu.memory_space<vmem>>
      %dma_start3A_985 = arith.constant 0 : i32
      %dma_start3A_986 = arith.constant 0 : i32
      %dma_start3A_987 = tpu.memref_slice %arg8[%dma_start3A_985, %dma_start3A_986] : memref<50016x8xf32, #tpu.memory_space<vmem_shared>> -> memref<50016x8xf32, #tpu.memory_space<vmem_shared>>
      tpu.enqueue_indirect_dma source(%dma_start3A_981 : memref<128x8xf32, #tpu.memory_space<vmem>>) target(%dma_start3A_987 : memref<50016x8xf32, #tpu.memory_space<vmem_shared>>) offsets(%dma_start3A_984 : memref<128xi32, #tpu.memory_space<vmem>>) semaphore(%arg14 : memref<!tpu.dma_semaphore, #tpu.memory_space<semaphore_mem>>) {add = true}
      %dma_start3A_988 = arith.constant 2 : i32
      %dma_start3A_989 = arith.constant 256 : i32
      %dma_start3A_990 = arith.constant 0 : i32
      %dma_start3A_991 = tpu.memref_slice %arg11[%dma_start3A_989, %dma_start3A_990] : memref<1792x8xf32, #tpu.memory_space<vmem>> -> memref<128x8xf32, #tpu.memory_space<vmem>>
      %dma_start3A_992 = arith.constant 0 : i32
      %dma_start3A_993 = tpu.memref_slice %arg10[%dma_start3A_988, %dma_start3A_992] : memref<14x128xi32, #tpu.memory_space<vmem>> -> memref<1x128xi32, #tpu.memory_space<vmem>>
      %dma_start3A_994 = tpu.memref_squeeze %dma_start3A_993 : memref<1x128xi32, #tpu.memory_space<vmem>> -> memref<128xi32, #tpu.memory_space<vmem>>
      %dma_start3A_995 = arith.constant 0 : i32
      %dma_start3A_996 = arith.constant 0 : i32
      %dma_start3A_997 = tpu.memref_slice %arg8[%dma_start3A_995, %dma_start3A_996] : memref<50016x8xf32, #tpu.memory_space<vmem_shared>> -> memref<50016x8xf32, #tpu.memory_space<vmem_shared>>
      tpu.enqueue_indirect_dma source(%dma_start3A_991 : memref<128x8xf32, #tpu.memory_space<vmem>>) target(%dma_start3A_997 : memref<50016x8xf32, #tpu.memory_space<vmem_shared>>) offsets(%dma_start3A_994 : memref<128xi32, #tpu.memory_space<vmem>>) semaphore(%arg14 : memref<!tpu.dma_semaphore, #tpu.memory_space<semaphore_mem>>) {add = true}
      %dma_start3A_998 = arith.constant 3 : i32
      %dma_start3A_999 = arith.constant 384 : i32
      %dma_start3A_1000 = arith.constant 0 : i32
      %dma_start3A_1001 = tpu.memref_slice %arg11[%dma_start3A_999, %dma_start3A_1000] : memref<1792x8xf32, #tpu.memory_space<vmem>> -> memref<128x8xf32, #tpu.memory_space<vmem>>
      %dma_start3A_1002 = arith.constant 0 : i32
      %dma_start3A_1003 = tpu.memref_slice %arg10[%dma_start3A_998, %dma_start3A_1002] : memref<14x128xi32, #tpu.memory_space<vmem>> -> memref<1x128xi32, #tpu.memory_space<vmem>>
      %dma_start3A_1004 = tpu.memref_squeeze %dma_start3A_1003 : memref<1x128xi32, #tpu.memory_space<vmem>> -> memref<128xi32, #tpu.memory_space<vmem>>
      %dma_start3A_1005 = arith.constant 0 : i32
      %dma_start3A_1006 = arith.constant 0 : i32
      %dma_start3A_1007 = tpu.memref_slice %arg8[%dma_start3A_1005, %dma_start3A_1006] : memref<50016x8xf32, #tpu.memory_space<vmem_shared>> -> memref<50016x8xf32, #tpu.memory_space<vmem_shared>>
      tpu.enqueue_indirect_dma source(%dma_start3A_1001 : memref<128x8xf32, #tpu.memory_space<vmem>>) target(%dma_start3A_1007 : memref<50016x8xf32, #tpu.memory_space<vmem_shared>>) offsets(%dma_start3A_1004 : memref<128xi32, #tpu.memory_space<vmem>>) semaphore(%arg14 : memref<!tpu.dma_semaphore, #tpu.memory_space<semaphore_mem>>) {add = true}
      %dma_start3A_1008 = arith.constant 4 : i32
      %dma_start3A_1009 = arith.constant 512 : i32
      %dma_start3A_1010 = arith.constant 0 : i32
      %dma_start3A_1011 = tpu.memref_slice %arg11[%dma_start3A_1009, %dma_start3A_1010] : memref<1792x8xf32, #tpu.memory_space<vmem>> -> memref<128x8xf32, #tpu.memory_space<vmem>>
      %dma_start3A_1012 = arith.constant 0 : i32
      %dma_start3A_1013 = tpu.memref_slice %arg10[%dma_start3A_1008, %dma_start3A_1012] : memref<14x128xi32, #tpu.memory_space<vmem>> -> memref<1x128xi32, #tpu.memory_space<vmem>>
      %dma_start3A_1014 = tpu.memref_squeeze %dma_start3A_1013 : memref<1x128xi32, #tpu.memory_space<vmem>> -> memref<128xi32, #tpu.memory_space<vmem>>
      %dma_start3A_1015 = arith.constant 0 : i32
      %dma_start3A_1016 = arith.constant 0 : i32
      %dma_start3A_1017 = tpu.memref_slice %arg8[%dma_start3A_1015, %dma_start3A_1016] : memref<50016x8xf32, #tpu.memory_space<vmem_shared>> -> memref<50016x8xf32, #tpu.memory_space<vmem_shared>>
      tpu.enqueue_indirect_dma source(%dma_start3A_1011 : memref<128x8xf32, #tpu.memory_space<vmem>>) target(%dma_start3A_1017 : memref<50016x8xf32, #tpu.memory_space<vmem_shared>>) offsets(%dma_start3A_1014 : memref<128xi32, #tpu.memory_space<vmem>>) semaphore(%arg14 : memref<!tpu.dma_semaphore, #tpu.memory_space<semaphore_mem>>) {add = true}
      %dma_start3A_1018 = arith.constant 5 : i32
      %dma_start3A_1019 = arith.constant 640 : i32
      %dma_start3A_1020 = arith.constant 0 : i32
      %dma_start3A_1021 = tpu.memref_slice %arg11[%dma_start3A_1019, %dma_start3A_1020] : memref<1792x8xf32, #tpu.memory_space<vmem>> -> memref<128x8xf32, #tpu.memory_space<vmem>>
      %dma_start3A_1022 = arith.constant 0 : i32
      %dma_start3A_1023 = tpu.memref_slice %arg10[%dma_start3A_1018, %dma_start3A_1022] : memref<14x128xi32, #tpu.memory_space<vmem>> -> memref<1x128xi32, #tpu.memory_space<vmem>>
      %dma_start3A_1024 = tpu.memref_squeeze %dma_start3A_1023 : memref<1x128xi32, #tpu.memory_space<vmem>> -> memref<128xi32, #tpu.memory_space<vmem>>
      %dma_start3A_1025 = arith.constant 0 : i32
      %dma_start3A_1026 = arith.constant 0 : i32
      %dma_start3A_1027 = tpu.memref_slice %arg8[%dma_start3A_1025, %dma_start3A_1026] : memref<50016x8xf32, #tpu.memory_space<vmem_shared>> -> memref<50016x8xf32, #tpu.memory_space<vmem_shared>>
      tpu.enqueue_indirect_dma source(%dma_start3A_1021 : memref<128x8xf32, #tpu.memory_space<vmem>>) target(%dma_start3A_1027 : memref<50016x8xf32, #tpu.memory_space<vmem_shared>>) offsets(%dma_start3A_1024 : memref<128xi32, #tpu.memory_space<vmem>>) semaphore(%arg14 : memref<!tpu.dma_semaphore, #tpu.memory_space<semaphore_mem>>) {add = true}
      %dma_start3A_1028 = arith.constant 6 : i32
      %dma_start3A_1029 = arith.constant 768 : i32
      %dma_start3A_1030 = arith.constant 0 : i32
      %dma_start3A_1031 = tpu.memref_slice %arg11[%dma_start3A_1029, %dma_start3A_1030] : memref<1792x8xf32, #tpu.memory_space<vmem>> -> memref<128x8xf32, #tpu.memory_space<vmem>>
      %dma_start3A_1032 = arith.constant 0 : i32
      %dma_start3A_1033 = tpu.memref_slice %arg10[%dma_start3A_1028, %dma_start3A_1032] : memref<14x128xi32, #tpu.memory_space<vmem>> -> memref<1x128xi32, #tpu.memory_space<vmem>>
      %dma_start3A_1034 = tpu.memref_squeeze %dma_start3A_1033 : memref<1x128xi32, #tpu.memory_space<vmem>> -> memref<128xi32, #tpu.memory_space<vmem>>
      %dma_start3A_1035 = arith.constant 0 : i32
      %dma_start3A_1036 = arith.constant 0 : i32
      %dma_start3A_1037 = tpu.memref_slice %arg8[%dma_start3A_1035, %dma_start3A_1036] : memref<50016x8xf32, #tpu.memory_space<vmem_shared>> -> memref<50016x8xf32, #tpu.memory_space<vmem_shared>>
      tpu.enqueue_indirect_dma source(%dma_start3A_1031 : memref<128x8xf32, #tpu.memory_space<vmem>>) target(%dma_start3A_1037 : memref<50016x8xf32, #tpu.memory_space<vmem_shared>>) offsets(%dma_start3A_1034 : memref<128xi32, #tpu.memory_space<vmem>>) semaphore(%arg14 : memref<!tpu.dma_semaphore, #tpu.memory_space<semaphore_mem>>) {add = true}
      %dma_start3A_1038 = arith.constant 7 : i32
      %dma_start3A_1039 = arith.constant 896 : i32
      %dma_start3A_1040 = arith.constant 0 : i32
      %dma_start3A_1041 = tpu.memref_slice %arg11[%dma_start3A_1039, %dma_start3A_1040] : memref<1792x8xf32, #tpu.memory_space<vmem>> -> memref<128x8xf32, #tpu.memory_space<vmem>>
      %dma_start3A_1042 = arith.constant 0 : i32
      %dma_start3A_1043 = tpu.memref_slice %arg10[%dma_start3A_1038, %dma_start3A_1042] : memref<14x128xi32, #tpu.memory_space<vmem>> -> memref<1x128xi32, #tpu.memory_space<vmem>>
      %dma_start3A_1044 = tpu.memref_squeeze %dma_start3A_1043 : memref<1x128xi32, #tpu.memory_space<vmem>> -> memref<128xi32, #tpu.memory_space<vmem>>
      %dma_start3A_1045 = arith.constant 0 : i32
      %dma_start3A_1046 = arith.constant 0 : i32
      %dma_start3A_1047 = tpu.memref_slice %arg8[%dma_start3A_1045, %dma_start3A_1046] : memref<50016x8xf32, #tpu.memory_space<vmem_shared>> -> memref<50016x8xf32, #tpu.memory_space<vmem_shared>>
      tpu.enqueue_indirect_dma source(%dma_start3A_1041 : memref<128x8xf32, #tpu.memory_space<vmem>>) target(%dma_start3A_1047 : memref<50016x8xf32, #tpu.memory_space<vmem_shared>>) offsets(%dma_start3A_1044 : memref<128xi32, #tpu.memory_space<vmem>>) semaphore(%arg14 : memref<!tpu.dma_semaphore, #tpu.memory_space<semaphore_mem>>) {add = true}
      %dma_start3A_1048 = arith.constant 8 : i32
      %dma_start3A_1049 = arith.constant 1024 : i32
      %dma_start3A_1050 = arith.constant 0 : i32
      %dma_start3A_1051 = tpu.memref_slice %arg11[%dma_start3A_1049, %dma_start3A_1050] : memref<1792x8xf32, #tpu.memory_space<vmem>> -> memref<128x8xf32, #tpu.memory_space<vmem>>
      %dma_start3A_1052 = arith.constant 0 : i32
      %dma_start3A_1053 = tpu.memref_slice %arg10[%dma_start3A_1048, %dma_start3A_1052] : memref<14x128xi32, #tpu.memory_space<vmem>> -> memref<1x128xi32, #tpu.memory_space<vmem>>
      %dma_start3A_1054 = tpu.memref_squeeze %dma_start3A_1053 : memref<1x128xi32, #tpu.memory_space<vmem>> -> memref<128xi32, #tpu.memory_space<vmem>>
      %dma_start3A_1055 = arith.constant 0 : i32
      %dma_start3A_1056 = arith.constant 0 : i32
      %dma_start3A_1057 = tpu.memref_slice %arg8[%dma_start3A_1055, %dma_start3A_1056] : memref<50016x8xf32, #tpu.memory_space<vmem_shared>> -> memref<50016x8xf32, #tpu.memory_space<vmem_shared>>
      tpu.enqueue_indirect_dma source(%dma_start3A_1051 : memref<128x8xf32, #tpu.memory_space<vmem>>) target(%dma_start3A_1057 : memref<50016x8xf32, #tpu.memory_space<vmem_shared>>) offsets(%dma_start3A_1054 : memref<128xi32, #tpu.memory_space<vmem>>) semaphore(%arg14 : memref<!tpu.dma_semaphore, #tpu.memory_space<semaphore_mem>>) {add = true}
      %dma_start3A_1058 = arith.constant 9 : i32
      %dma_start3A_1059 = arith.constant 1152 : i32
      %dma_start3A_1060 = arith.constant 0 : i32
      %dma_start3A_1061 = tpu.memref_slice %arg11[%dma_start3A_1059, %dma_start3A_1060] : memref<1792x8xf32, #tpu.memory_space<vmem>> -> memref<128x8xf32, #tpu.memory_space<vmem>>
      %dma_start3A_1062 = arith.constant 0 : i32
      %dma_start3A_1063 = tpu.memref_slice %arg10[%dma_start3A_1058, %dma_start3A_1062] : memref<14x128xi32, #tpu.memory_space<vmem>> -> memref<1x128xi32, #tpu.memory_space<vmem>>
      %dma_start3A_1064 = tpu.memref_squeeze %dma_start3A_1063 : memref<1x128xi32, #tpu.memory_space<vmem>> -> memref<128xi32, #tpu.memory_space<vmem>>
      %dma_start3A_1065 = arith.constant 0 : i32
      %dma_start3A_1066 = arith.constant 0 : i32
      %dma_start3A_1067 = tpu.memref_slice %arg8[%dma_start3A_1065, %dma_start3A_1066] : memref<50016x8xf32, #tpu.memory_space<vmem_shared>> -> memref<50016x8xf32, #tpu.memory_space<vmem_shared>>
      tpu.enqueue_indirect_dma source(%dma_start3A_1061 : memref<128x8xf32, #tpu.memory_space<vmem>>) target(%dma_start3A_1067 : memref<50016x8xf32, #tpu.memory_space<vmem_shared>>) offsets(%dma_start3A_1064 : memref<128xi32, #tpu.memory_space<vmem>>) semaphore(%arg14 : memref<!tpu.dma_semaphore, #tpu.memory_space<semaphore_mem>>) {add = true}
      %dma_start3A_1068 = arith.constant 10 : i32
      %dma_start3A_1069 = arith.constant 1280 : i32
      %dma_start3A_1070 = arith.constant 0 : i32
      %dma_start3A_1071 = tpu.memref_slice %arg11[%dma_start3A_1069, %dma_start3A_1070] : memref<1792x8xf32, #tpu.memory_space<vmem>> -> memref<128x8xf32, #tpu.memory_space<vmem>>
      %dma_start3A_1072 = arith.constant 0 : i32
      %dma_start3A_1073 = tpu.memref_slice %arg10[%dma_start3A_1068, %dma_start3A_1072] : memref<14x128xi32, #tpu.memory_space<vmem>> -> memref<1x128xi32, #tpu.memory_space<vmem>>
      %dma_start3A_1074 = tpu.memref_squeeze %dma_start3A_1073 : memref<1x128xi32, #tpu.memory_space<vmem>> -> memref<128xi32, #tpu.memory_space<vmem>>
      %dma_start3A_1075 = arith.constant 0 : i32
      %dma_start3A_1076 = arith.constant 0 : i32
      %dma_start3A_1077 = tpu.memref_slice %arg8[%dma_start3A_1075, %dma_start3A_1076] : memref<50016x8xf32, #tpu.memory_space<vmem_shared>> -> memref<50016x8xf32, #tpu.memory_space<vmem_shared>>
      tpu.enqueue_indirect_dma source(%dma_start3A_1071 : memref<128x8xf32, #tpu.memory_space<vmem>>) target(%dma_start3A_1077 : memref<50016x8xf32, #tpu.memory_space<vmem_shared>>) offsets(%dma_start3A_1074 : memref<128xi32, #tpu.memory_space<vmem>>) semaphore(%arg14 : memref<!tpu.dma_semaphore, #tpu.memory_space<semaphore_mem>>) {add = true}
      %dma_start3A_1078 = arith.constant 11 : i32
      %dma_start3A_1079 = arith.constant 1408 : i32
      %dma_start3A_1080 = arith.constant 0 : i32
      %dma_start3A_1081 = tpu.memref_slice %arg11[%dma_start3A_1079, %dma_start3A_1080] : memref<1792x8xf32, #tpu.memory_space<vmem>> -> memref<128x8xf32, #tpu.memory_space<vmem>>
      %dma_start3A_1082 = arith.constant 0 : i32
      %dma_start3A_1083 = tpu.memref_slice %arg10[%dma_start3A_1078, %dma_start3A_1082] : memref<14x128xi32, #tpu.memory_space<vmem>> -> memref<1x128xi32, #tpu.memory_space<vmem>>
      %dma_start3A_1084 = tpu.memref_squeeze %dma_start3A_1083 : memref<1x128xi32, #tpu.memory_space<vmem>> -> memref<128xi32, #tpu.memory_space<vmem>>
      %dma_start3A_1085 = arith.constant 0 : i32
      %dma_start3A_1086 = arith.constant 0 : i32
      %dma_start3A_1087 = tpu.memref_slice %arg8[%dma_start3A_1085, %dma_start3A_1086] : memref<50016x8xf32, #tpu.memory_space<vmem_shared>> -> memref<50016x8xf32, #tpu.memory_space<vmem_shared>>
      tpu.enqueue_indirect_dma source(%dma_start3A_1081 : memref<128x8xf32, #tpu.memory_space<vmem>>) target(%dma_start3A_1087 : memref<50016x8xf32, #tpu.memory_space<vmem_shared>>) offsets(%dma_start3A_1084 : memref<128xi32, #tpu.memory_space<vmem>>) semaphore(%arg14 : memref<!tpu.dma_semaphore, #tpu.memory_space<semaphore_mem>>) {add = true}
      %dma_start3A_1088 = arith.constant 12 : i32
      %dma_start3A_1089 = arith.constant 1536 : i32
      %dma_start3A_1090 = arith.constant 0 : i32
      %dma_start3A_1091 = tpu.memref_slice %arg11[%dma_start3A_1089, %dma_start3A_1090] : memref<1792x8xf32, #tpu.memory_space<vmem>> -> memref<128x8xf32, #tpu.memory_space<vmem>>
      %dma_start3A_1092 = arith.constant 0 : i32
      %dma_start3A_1093 = tpu.memref_slice %arg10[%dma_start3A_1088, %dma_start3A_1092] : memref<14x128xi32, #tpu.memory_space<vmem>> -> memref<1x128xi32, #tpu.memory_space<vmem>>
      %dma_start3A_1094 = tpu.memref_squeeze %dma_start3A_1093 : memref<1x128xi32, #tpu.memory_space<vmem>> -> memref<128xi32, #tpu.memory_space<vmem>>
      %dma_start3A_1095 = arith.constant 0 : i32
      %dma_start3A_1096 = arith.constant 0 : i32
      %dma_start3A_1097 = tpu.memref_slice %arg8[%dma_start3A_1095, %dma_start3A_1096] : memref<50016x8xf32, #tpu.memory_space<vmem_shared>> -> memref<50016x8xf32, #tpu.memory_space<vmem_shared>>
      tpu.enqueue_indirect_dma source(%dma_start3A_1091 : memref<128x8xf32, #tpu.memory_space<vmem>>) target(%dma_start3A_1097 : memref<50016x8xf32, #tpu.memory_space<vmem_shared>>) offsets(%dma_start3A_1094 : memref<128xi32, #tpu.memory_space<vmem>>) semaphore(%arg14 : memref<!tpu.dma_semaphore, #tpu.memory_space<semaphore_mem>>) {add = true}
      %dma_start3A_1098 = arith.constant 13 : i32
      %dma_start3A_1099 = arith.constant 1664 : i32
      %dma_start3A_1100 = arith.constant 0 : i32
      %dma_start3A_1101 = tpu.memref_slice %arg11[%dma_start3A_1099, %dma_start3A_1100] : memref<1792x8xf32, #tpu.memory_space<vmem>> -> memref<128x8xf32, #tpu.memory_space<vmem>>
      %dma_start3A_1102 = arith.constant 0 : i32
      %dma_start3A_1103 = tpu.memref_slice %arg10[%dma_start3A_1098, %dma_start3A_1102] : memref<14x128xi32, #tpu.memory_space<vmem>> -> memref<1x128xi32, #tpu.memory_space<vmem>>
      %dma_start3A_1104 = tpu.memref_squeeze %dma_start3A_1103 : memref<1x128xi32, #tpu.memory_space<vmem>> -> memref<128xi32, #tpu.memory_space<vmem>>
      %dma_start3A_1105 = arith.constant 0 : i32
      %dma_start3A_1106 = arith.constant 0 : i32
      %dma_start3A_1107 = tpu.memref_slice %arg8[%dma_start3A_1105, %dma_start3A_1106] : memref<50016x8xf32, #tpu.memory_space<vmem_shared>> -> memref<50016x8xf32, #tpu.memory_space<vmem_shared>>
      tpu.enqueue_indirect_dma source(%dma_start3A_1101 : memref<128x8xf32, #tpu.memory_space<vmem>>) target(%dma_start3A_1107 : memref<50016x8xf32, #tpu.memory_space<vmem_shared>>) offsets(%dma_start3A_1104 : memref<128xi32, #tpu.memory_space<vmem>>) semaphore(%arg14 : memref<!tpu.dma_semaphore, #tpu.memory_space<semaphore_mem>>) {add = true}
      %mul3A_1108 = arith.constant 1792 : i32
      %mul3A_1109 = arith.muli %add3A_17, %mul3A_1108 : i32
      "tpu.region"() ({
        %run_scoped3A = tpu.sem_alloc : memref<!tpu.dma_semaphore, #tpu.memory_space<semaphore_mem>>
        %dma_start3A_1250 = tpu.memref_slice %arg6[%mul3A_1109] : memref<802816xf32, #tpu.memory_space<hbm>> -> memref<1792xf32, #tpu.memory_space<hbm>>
        %dma_start3A_1251 = tpu.memref_slice %arg6[%mul3A_1109] : memref<802816xf32, #tpu.memory_space<hbm>> -> memref<1792xf32, #tpu.memory_space<hbm>>
        tpu.enqueue_dma source(%arg12 : memref<1792xf32, #tpu.memory_space<vmem>>) target(%dma_start3A_1251 : memref<1792xf32, #tpu.memory_space<hbm>>) target_semaphore(%run_scoped3A : memref<!tpu.dma_semaphore, #tpu.memory_space<semaphore_mem>>)
        %dma_wait3A_1252 = tpu.memref_slice %arg6[%mul3A_1109] : memref<802816xf32, #tpu.memory_space<hbm>> -> memref<1792xf32, #tpu.memory_space<hbm>>
        %dma_wait3A_1253 = tpu.memref_slice %arg6[%mul3A_1109] : memref<802816xf32, #tpu.memory_space<hbm>> -> memref<1792xf32, #tpu.memory_space<hbm>>
        tpu.wait_dma2 semaphore(%run_scoped3A : memref<!tpu.dma_semaphore, #tpu.memory_space<semaphore_mem>>) src(%arg12 : memref<1792xf32, #tpu.memory_space<vmem>>) dst(%dma_wait3A_1253 : memref<1792xf32, #tpu.memory_space<hbm>>)
        tpu.yield
      }) : () -> ()
      %dma_wait3A_1110 = arith.constant 0 : i32
      %dma_wait3A_1111 = arith.constant 0 : i32
      %dma_wait3A_1112 = arith.constant 0 : i32
      %dma_wait3A_1113 = tpu.memref_slice %arg11[%dma_wait3A_1111, %dma_wait3A_1112] : memref<1792x8xf32, #tpu.memory_space<vmem>> -> memref<128x8xf32, #tpu.memory_space<vmem>>
      %dma_wait3A_1114 = arith.constant 0 : i32
      %dma_wait3A_1115 = tpu.memref_slice %arg10[%dma_wait3A_1110, %dma_wait3A_1114] : memref<14x128xi32, #tpu.memory_space<vmem>> -> memref<1x128xi32, #tpu.memory_space<vmem>>
      %dma_wait3A_1116 = tpu.memref_squeeze %dma_wait3A_1115 : memref<1x128xi32, #tpu.memory_space<vmem>> -> memref<128xi32, #tpu.memory_space<vmem>>
      %dma_wait3A_1117 = arith.constant 0 : i32
      %dma_wait3A_1118 = arith.constant 0 : i32
      %dma_wait3A_1119 = tpu.memref_slice %arg8[%dma_wait3A_1117, %dma_wait3A_1118] : memref<50016x8xf32, #tpu.memory_space<vmem_shared>> -> memref<50016x8xf32, #tpu.memory_space<vmem_shared>>
      tpu.wait_indirect_dma semaphore(%arg14 : memref<!tpu.dma_semaphore, #tpu.memory_space<semaphore_mem>>) src(%dma_wait3A_1113 : memref<128x8xf32, #tpu.memory_space<vmem>>) dst(%dma_wait3A_1119 : memref<50016x8xf32, #tpu.memory_space<vmem_shared>>)
      %dma_wait3A_1120 = arith.constant 1 : i32
      %dma_wait3A_1121 = arith.constant 128 : i32
      %dma_wait3A_1122 = arith.constant 0 : i32
      %dma_wait3A_1123 = tpu.memref_slice %arg11[%dma_wait3A_1121, %dma_wait3A_1122] : memref<1792x8xf32, #tpu.memory_space<vmem>> -> memref<128x8xf32, #tpu.memory_space<vmem>>
      %dma_wait3A_1124 = arith.constant 0 : i32
      %dma_wait3A_1125 = tpu.memref_slice %arg10[%dma_wait3A_1120, %dma_wait3A_1124] : memref<14x128xi32, #tpu.memory_space<vmem>> -> memref<1x128xi32, #tpu.memory_space<vmem>>
      %dma_wait3A_1126 = tpu.memref_squeeze %dma_wait3A_1125 : memref<1x128xi32, #tpu.memory_space<vmem>> -> memref<128xi32, #tpu.memory_space<vmem>>
      %dma_wait3A_1127 = arith.constant 0 : i32
      %dma_wait3A_1128 = arith.constant 0 : i32
      %dma_wait3A_1129 = tpu.memref_slice %arg8[%dma_wait3A_1127, %dma_wait3A_1128] : memref<50016x8xf32, #tpu.memory_space<vmem_shared>> -> memref<50016x8xf32, #tpu.memory_space<vmem_shared>>
      tpu.wait_indirect_dma semaphore(%arg14 : memref<!tpu.dma_semaphore, #tpu.memory_space<semaphore_mem>>) src(%dma_wait3A_1123 : memref<128x8xf32, #tpu.memory_space<vmem>>) dst(%dma_wait3A_1129 : memref<50016x8xf32, #tpu.memory_space<vmem_shared>>)
      %dma_wait3A_1130 = arith.constant 2 : i32
      %dma_wait3A_1131 = arith.constant 256 : i32
      %dma_wait3A_1132 = arith.constant 0 : i32
      %dma_wait3A_1133 = tpu.memref_slice %arg11[%dma_wait3A_1131, %dma_wait3A_1132] : memref<1792x8xf32, #tpu.memory_space<vmem>> -> memref<128x8xf32, #tpu.memory_space<vmem>>
      %dma_wait3A_1134 = arith.constant 0 : i32
      %dma_wait3A_1135 = tpu.memref_slice %arg10[%dma_wait3A_1130, %dma_wait3A_1134] : memref<14x128xi32, #tpu.memory_space<vmem>> -> memref<1x128xi32, #tpu.memory_space<vmem>>
      %dma_wait3A_1136 = tpu.memref_squeeze %dma_wait3A_1135 : memref<1x128xi32, #tpu.memory_space<vmem>> -> memref<128xi32, #tpu.memory_space<vmem>>
      %dma_wait3A_1137 = arith.constant 0 : i32
      %dma_wait3A_1138 = arith.constant 0 : i32
      %dma_wait3A_1139 = tpu.memref_slice %arg8[%dma_wait3A_1137, %dma_wait3A_1138] : memref<50016x8xf32, #tpu.memory_space<vmem_shared>> -> memref<50016x8xf32, #tpu.memory_space<vmem_shared>>
      tpu.wait_indirect_dma semaphore(%arg14 : memref<!tpu.dma_semaphore, #tpu.memory_space<semaphore_mem>>) src(%dma_wait3A_1133 : memref<128x8xf32, #tpu.memory_space<vmem>>) dst(%dma_wait3A_1139 : memref<50016x8xf32, #tpu.memory_space<vmem_shared>>)
      %dma_wait3A_1140 = arith.constant 3 : i32
      %dma_wait3A_1141 = arith.constant 384 : i32
      %dma_wait3A_1142 = arith.constant 0 : i32
      %dma_wait3A_1143 = tpu.memref_slice %arg11[%dma_wait3A_1141, %dma_wait3A_1142] : memref<1792x8xf32, #tpu.memory_space<vmem>> -> memref<128x8xf32, #tpu.memory_space<vmem>>
      %dma_wait3A_1144 = arith.constant 0 : i32
      %dma_wait3A_1145 = tpu.memref_slice %arg10[%dma_wait3A_1140, %dma_wait3A_1144] : memref<14x128xi32, #tpu.memory_space<vmem>> -> memref<1x128xi32, #tpu.memory_space<vmem>>
      %dma_wait3A_1146 = tpu.memref_squeeze %dma_wait3A_1145 : memref<1x128xi32, #tpu.memory_space<vmem>> -> memref<128xi32, #tpu.memory_space<vmem>>
      %dma_wait3A_1147 = arith.constant 0 : i32
      %dma_wait3A_1148 = arith.constant 0 : i32
      %dma_wait3A_1149 = tpu.memref_slice %arg8[%dma_wait3A_1147, %dma_wait3A_1148] : memref<50016x8xf32, #tpu.memory_space<vmem_shared>> -> memref<50016x8xf32, #tpu.memory_space<vmem_shared>>
      tpu.wait_indirect_dma semaphore(%arg14 : memref<!tpu.dma_semaphore, #tpu.memory_space<semaphore_mem>>) src(%dma_wait3A_1143 : memref<128x8xf32, #tpu.memory_space<vmem>>) dst(%dma_wait3A_1149 : memref<50016x8xf32, #tpu.memory_space<vmem_shared>>)
      %dma_wait3A_1150 = arith.constant 4 : i32
      %dma_wait3A_1151 = arith.constant 512 : i32
      %dma_wait3A_1152 = arith.constant 0 : i32
      %dma_wait3A_1153 = tpu.memref_slice %arg11[%dma_wait3A_1151, %dma_wait3A_1152] : memref<1792x8xf32, #tpu.memory_space<vmem>> -> memref<128x8xf32, #tpu.memory_space<vmem>>
      %dma_wait3A_1154 = arith.constant 0 : i32
      %dma_wait3A_1155 = tpu.memref_slice %arg10[%dma_wait3A_1150, %dma_wait3A_1154] : memref<14x128xi32, #tpu.memory_space<vmem>> -> memref<1x128xi32, #tpu.memory_space<vmem>>
      %dma_wait3A_1156 = tpu.memref_squeeze %dma_wait3A_1155 : memref<1x128xi32, #tpu.memory_space<vmem>> -> memref<128xi32, #tpu.memory_space<vmem>>
      %dma_wait3A_1157 = arith.constant 0 : i32
      %dma_wait3A_1158 = arith.constant 0 : i32
      %dma_wait3A_1159 = tpu.memref_slice %arg8[%dma_wait3A_1157, %dma_wait3A_1158] : memref<50016x8xf32, #tpu.memory_space<vmem_shared>> -> memref<50016x8xf32, #tpu.memory_space<vmem_shared>>
      tpu.wait_indirect_dma semaphore(%arg14 : memref<!tpu.dma_semaphore, #tpu.memory_space<semaphore_mem>>) src(%dma_wait3A_1153 : memref<128x8xf32, #tpu.memory_space<vmem>>) dst(%dma_wait3A_1159 : memref<50016x8xf32, #tpu.memory_space<vmem_shared>>)
      %dma_wait3A_1160 = arith.constant 5 : i32
      %dma_wait3A_1161 = arith.constant 640 : i32
      %dma_wait3A_1162 = arith.constant 0 : i32
      %dma_wait3A_1163 = tpu.memref_slice %arg11[%dma_wait3A_1161, %dma_wait3A_1162] : memref<1792x8xf32, #tpu.memory_space<vmem>> -> memref<128x8xf32, #tpu.memory_space<vmem>>
      %dma_wait3A_1164 = arith.constant 0 : i32
      %dma_wait3A_1165 = tpu.memref_slice %arg10[%dma_wait3A_1160, %dma_wait3A_1164] : memref<14x128xi32, #tpu.memory_space<vmem>> -> memref<1x128xi32, #tpu.memory_space<vmem>>
      %dma_wait3A_1166 = tpu.memref_squeeze %dma_wait3A_1165 : memref<1x128xi32, #tpu.memory_space<vmem>> -> memref<128xi32, #tpu.memory_space<vmem>>
      %dma_wait3A_1167 = arith.constant 0 : i32
      %dma_wait3A_1168 = arith.constant 0 : i32
      %dma_wait3A_1169 = tpu.memref_slice %arg8[%dma_wait3A_1167, %dma_wait3A_1168] : memref<50016x8xf32, #tpu.memory_space<vmem_shared>> -> memref<50016x8xf32, #tpu.memory_space<vmem_shared>>
      tpu.wait_indirect_dma semaphore(%arg14 : memref<!tpu.dma_semaphore, #tpu.memory_space<semaphore_mem>>) src(%dma_wait3A_1163 : memref<128x8xf32, #tpu.memory_space<vmem>>) dst(%dma_wait3A_1169 : memref<50016x8xf32, #tpu.memory_space<vmem_shared>>)
      %dma_wait3A_1170 = arith.constant 6 : i32
      %dma_wait3A_1171 = arith.constant 768 : i32
      %dma_wait3A_1172 = arith.constant 0 : i32
      %dma_wait3A_1173 = tpu.memref_slice %arg11[%dma_wait3A_1171, %dma_wait3A_1172] : memref<1792x8xf32, #tpu.memory_space<vmem>> -> memref<128x8xf32, #tpu.memory_space<vmem>>
      %dma_wait3A_1174 = arith.constant 0 : i32
      %dma_wait3A_1175 = tpu.memref_slice %arg10[%dma_wait3A_1170, %dma_wait3A_1174] : memref<14x128xi32, #tpu.memory_space<vmem>> -> memref<1x128xi32, #tpu.memory_space<vmem>>
      %dma_wait3A_1176 = tpu.memref_squeeze %dma_wait3A_1175 : memref<1x128xi32, #tpu.memory_space<vmem>> -> memref<128xi32, #tpu.memory_space<vmem>>
      %dma_wait3A_1177 = arith.constant 0 : i32
      %dma_wait3A_1178 = arith.constant 0 : i32
      %dma_wait3A_1179 = tpu.memref_slice %arg8[%dma_wait3A_1177, %dma_wait3A_1178] : memref<50016x8xf32, #tpu.memory_space<vmem_shared>> -> memref<50016x8xf32, #tpu.memory_space<vmem_shared>>
      tpu.wait_indirect_dma semaphore(%arg14 : memref<!tpu.dma_semaphore, #tpu.memory_space<semaphore_mem>>) src(%dma_wait3A_1173 : memref<128x8xf32, #tpu.memory_space<vmem>>) dst(%dma_wait3A_1179 : memref<50016x8xf32, #tpu.memory_space<vmem_shared>>)
      %dma_wait3A_1180 = arith.constant 7 : i32
      %dma_wait3A_1181 = arith.constant 896 : i32
      %dma_wait3A_1182 = arith.constant 0 : i32
      %dma_wait3A_1183 = tpu.memref_slice %arg11[%dma_wait3A_1181, %dma_wait3A_1182] : memref<1792x8xf32, #tpu.memory_space<vmem>> -> memref<128x8xf32, #tpu.memory_space<vmem>>
      %dma_wait3A_1184 = arith.constant 0 : i32
      %dma_wait3A_1185 = tpu.memref_slice %arg10[%dma_wait3A_1180, %dma_wait3A_1184] : memref<14x128xi32, #tpu.memory_space<vmem>> -> memref<1x128xi32, #tpu.memory_space<vmem>>
      %dma_wait3A_1186 = tpu.memref_squeeze %dma_wait3A_1185 : memref<1x128xi32, #tpu.memory_space<vmem>> -> memref<128xi32, #tpu.memory_space<vmem>>
      %dma_wait3A_1187 = arith.constant 0 : i32
      %dma_wait3A_1188 = arith.constant 0 : i32
      %dma_wait3A_1189 = tpu.memref_slice %arg8[%dma_wait3A_1187, %dma_wait3A_1188] : memref<50016x8xf32, #tpu.memory_space<vmem_shared>> -> memref<50016x8xf32, #tpu.memory_space<vmem_shared>>
      tpu.wait_indirect_dma semaphore(%arg14 : memref<!tpu.dma_semaphore, #tpu.memory_space<semaphore_mem>>) src(%dma_wait3A_1183 : memref<128x8xf32, #tpu.memory_space<vmem>>) dst(%dma_wait3A_1189 : memref<50016x8xf32, #tpu.memory_space<vmem_shared>>)
      %dma_wait3A_1190 = arith.constant 8 : i32
      %dma_wait3A_1191 = arith.constant 1024 : i32
      %dma_wait3A_1192 = arith.constant 0 : i32
      %dma_wait3A_1193 = tpu.memref_slice %arg11[%dma_wait3A_1191, %dma_wait3A_1192] : memref<1792x8xf32, #tpu.memory_space<vmem>> -> memref<128x8xf32, #tpu.memory_space<vmem>>
      %dma_wait3A_1194 = arith.constant 0 : i32
      %dma_wait3A_1195 = tpu.memref_slice %arg10[%dma_wait3A_1190, %dma_wait3A_1194] : memref<14x128xi32, #tpu.memory_space<vmem>> -> memref<1x128xi32, #tpu.memory_space<vmem>>
      %dma_wait3A_1196 = tpu.memref_squeeze %dma_wait3A_1195 : memref<1x128xi32, #tpu.memory_space<vmem>> -> memref<128xi32, #tpu.memory_space<vmem>>
      %dma_wait3A_1197 = arith.constant 0 : i32
      %dma_wait3A_1198 = arith.constant 0 : i32
      %dma_wait3A_1199 = tpu.memref_slice %arg8[%dma_wait3A_1197, %dma_wait3A_1198] : memref<50016x8xf32, #tpu.memory_space<vmem_shared>> -> memref<50016x8xf32, #tpu.memory_space<vmem_shared>>
      tpu.wait_indirect_dma semaphore(%arg14 : memref<!tpu.dma_semaphore, #tpu.memory_space<semaphore_mem>>) src(%dma_wait3A_1193 : memref<128x8xf32, #tpu.memory_space<vmem>>) dst(%dma_wait3A_1199 : memref<50016x8xf32, #tpu.memory_space<vmem_shared>>)
      %dma_wait3A_1200 = arith.constant 9 : i32
      %dma_wait3A_1201 = arith.constant 1152 : i32
      %dma_wait3A_1202 = arith.constant 0 : i32
      %dma_wait3A_1203 = tpu.memref_slice %arg11[%dma_wait3A_1201, %dma_wait3A_1202] : memref<1792x8xf32, #tpu.memory_space<vmem>> -> memref<128x8xf32, #tpu.memory_space<vmem>>
      %dma_wait3A_1204 = arith.constant 0 : i32
      %dma_wait3A_1205 = tpu.memref_slice %arg10[%dma_wait3A_1200, %dma_wait3A_1204] : memref<14x128xi32, #tpu.memory_space<vmem>> -> memref<1x128xi32, #tpu.memory_space<vmem>>
      %dma_wait3A_1206 = tpu.memref_squeeze %dma_wait3A_1205 : memref<1x128xi32, #tpu.memory_space<vmem>> -> memref<128xi32, #tpu.memory_space<vmem>>
      %dma_wait3A_1207 = arith.constant 0 : i32
      %dma_wait3A_1208 = arith.constant 0 : i32
      %dma_wait3A_1209 = tpu.memref_slice %arg8[%dma_wait3A_1207, %dma_wait3A_1208] : memref<50016x8xf32, #tpu.memory_space<vmem_shared>> -> memref<50016x8xf32, #tpu.memory_space<vmem_shared>>
      tpu.wait_indirect_dma semaphore(%arg14 : memref<!tpu.dma_semaphore, #tpu.memory_space<semaphore_mem>>) src(%dma_wait3A_1203 : memref<128x8xf32, #tpu.memory_space<vmem>>) dst(%dma_wait3A_1209 : memref<50016x8xf32, #tpu.memory_space<vmem_shared>>)
      %dma_wait3A_1210 = arith.constant 10 : i32
      %dma_wait3A_1211 = arith.constant 1280 : i32
      %dma_wait3A_1212 = arith.constant 0 : i32
      %dma_wait3A_1213 = tpu.memref_slice %arg11[%dma_wait3A_1211, %dma_wait3A_1212] : memref<1792x8xf32, #tpu.memory_space<vmem>> -> memref<128x8xf32, #tpu.memory_space<vmem>>
      %dma_wait3A_1214 = arith.constant 0 : i32
      %dma_wait3A_1215 = tpu.memref_slice %arg10[%dma_wait3A_1210, %dma_wait3A_1214] : memref<14x128xi32, #tpu.memory_space<vmem>> -> memref<1x128xi32, #tpu.memory_space<vmem>>
      %dma_wait3A_1216 = tpu.memref_squeeze %dma_wait3A_1215 : memref<1x128xi32, #tpu.memory_space<vmem>> -> memref<128xi32, #tpu.memory_space<vmem>>
      %dma_wait3A_1217 = arith.constant 0 : i32
      %dma_wait3A_1218 = arith.constant 0 : i32
      %dma_wait3A_1219 = tpu.memref_slice %arg8[%dma_wait3A_1217, %dma_wait3A_1218] : memref<50016x8xf32, #tpu.memory_space<vmem_shared>> -> memref<50016x8xf32, #tpu.memory_space<vmem_shared>>
      tpu.wait_indirect_dma semaphore(%arg14 : memref<!tpu.dma_semaphore, #tpu.memory_space<semaphore_mem>>) src(%dma_wait3A_1213 : memref<128x8xf32, #tpu.memory_space<vmem>>) dst(%dma_wait3A_1219 : memref<50016x8xf32, #tpu.memory_space<vmem_shared>>)
      %dma_wait3A_1220 = arith.constant 11 : i32
      %dma_wait3A_1221 = arith.constant 1408 : i32
      %dma_wait3A_1222 = arith.constant 0 : i32
      %dma_wait3A_1223 = tpu.memref_slice %arg11[%dma_wait3A_1221, %dma_wait3A_1222] : memref<1792x8xf32, #tpu.memory_space<vmem>> -> memref<128x8xf32, #tpu.memory_space<vmem>>
      %dma_wait3A_1224 = arith.constant 0 : i32
      %dma_wait3A_1225 = tpu.memref_slice %arg10[%dma_wait3A_1220, %dma_wait3A_1224] : memref<14x128xi32, #tpu.memory_space<vmem>> -> memref<1x128xi32, #tpu.memory_space<vmem>>
      %dma_wait3A_1226 = tpu.memref_squeeze %dma_wait3A_1225 : memref<1x128xi32, #tpu.memory_space<vmem>> -> memref<128xi32, #tpu.memory_space<vmem>>
      %dma_wait3A_1227 = arith.constant 0 : i32
      %dma_wait3A_1228 = arith.constant 0 : i32
      %dma_wait3A_1229 = tpu.memref_slice %arg8[%dma_wait3A_1227, %dma_wait3A_1228] : memref<50016x8xf32, #tpu.memory_space<vmem_shared>> -> memref<50016x8xf32, #tpu.memory_space<vmem_shared>>
      tpu.wait_indirect_dma semaphore(%arg14 : memref<!tpu.dma_semaphore, #tpu.memory_space<semaphore_mem>>) src(%dma_wait3A_1223 : memref<128x8xf32, #tpu.memory_space<vmem>>) dst(%dma_wait3A_1229 : memref<50016x8xf32, #tpu.memory_space<vmem_shared>>)
      %dma_wait3A_1230 = arith.constant 12 : i32
      %dma_wait3A_1231 = arith.constant 1536 : i32
      %dma_wait3A_1232 = arith.constant 0 : i32
      %dma_wait3A_1233 = tpu.memref_slice %arg11[%dma_wait3A_1231, %dma_wait3A_1232] : memref<1792x8xf32, #tpu.memory_space<vmem>> -> memref<128x8xf32, #tpu.memory_space<vmem>>
      %dma_wait3A_1234 = arith.constant 0 : i32
      %dma_wait3A_1235 = tpu.memref_slice %arg10[%dma_wait3A_1230, %dma_wait3A_1234] : memref<14x128xi32, #tpu.memory_space<vmem>> -> memref<1x128xi32, #tpu.memory_space<vmem>>
      %dma_wait3A_1236 = tpu.memref_squeeze %dma_wait3A_1235 : memref<1x128xi32, #tpu.memory_space<vmem>> -> memref<128xi32, #tpu.memory_space<vmem>>
      %dma_wait3A_1237 = arith.constant 0 : i32
      %dma_wait3A_1238 = arith.constant 0 : i32
      %dma_wait3A_1239 = tpu.memref_slice %arg8[%dma_wait3A_1237, %dma_wait3A_1238] : memref<50016x8xf32, #tpu.memory_space<vmem_shared>> -> memref<50016x8xf32, #tpu.memory_space<vmem_shared>>
      tpu.wait_indirect_dma semaphore(%arg14 : memref<!tpu.dma_semaphore, #tpu.memory_space<semaphore_mem>>) src(%dma_wait3A_1233 : memref<128x8xf32, #tpu.memory_space<vmem>>) dst(%dma_wait3A_1239 : memref<50016x8xf32, #tpu.memory_space<vmem_shared>>)
      %dma_wait3A_1240 = arith.constant 13 : i32
      %dma_wait3A_1241 = arith.constant 1664 : i32
      %dma_wait3A_1242 = arith.constant 0 : i32
      %dma_wait3A_1243 = tpu.memref_slice %arg11[%dma_wait3A_1241, %dma_wait3A_1242] : memref<1792x8xf32, #tpu.memory_space<vmem>> -> memref<128x8xf32, #tpu.memory_space<vmem>>
      %dma_wait3A_1244 = arith.constant 0 : i32
      %dma_wait3A_1245 = tpu.memref_slice %arg10[%dma_wait3A_1240, %dma_wait3A_1244] : memref<14x128xi32, #tpu.memory_space<vmem>> -> memref<1x128xi32, #tpu.memory_space<vmem>>
      %dma_wait3A_1246 = tpu.memref_squeeze %dma_wait3A_1245 : memref<1x128xi32, #tpu.memory_space<vmem>> -> memref<128xi32, #tpu.memory_space<vmem>>
      %dma_wait3A_1247 = arith.constant 0 : i32
      %dma_wait3A_1248 = arith.constant 0 : i32
      %dma_wait3A_1249 = tpu.memref_slice %arg8[%dma_wait3A_1247, %dma_wait3A_1248] : memref<50016x8xf32, #tpu.memory_space<vmem_shared>> -> memref<50016x8xf32, #tpu.memory_space<vmem_shared>>
      tpu.wait_indirect_dma semaphore(%arg14 : memref<!tpu.dma_semaphore, #tpu.memory_space<semaphore_mem>>) src(%dma_wait3A_1243 : memref<128x8xf32, #tpu.memory_space<vmem>>) dst(%dma_wait3A_1249 : memref<50016x8xf32, #tpu.memory_space<vmem_shared>>)
    }
    %scan3A_8 = arith.constant 14 : i32
    %barrier3A_9 = arith.constant 0 : index
    tpu.barrier barrier_id(%barrier3A_9)
    %mul3A_10 = arith.constant 3126 : i32
    %mul3A_11 = arith.muli %arg1, %mul3A_10 : i32
    %mul3A_12 = arith.constant 3126 : i32
    %mul3A_13 = arith.muli %arg1, %mul3A_12 : i32
    "tpu.region"() ({
      %run_scoped3A = tpu.sem_alloc : memref<!tpu.dma_semaphore, #tpu.memory_space<semaphore_mem>>
      %dma_start3A = arith.constant 0 : i32
      %dma_start3A_14 = arith.constant 0 : i32
      %dma_start3A_15 = tpu.memref_slice %arg7[%arg0, %dma_start3A, %dma_start3A_14] : memref<2x50016x8xf32, #tpu.memory_space<hbm>> -> memref<1x50016x8xf32, #tpu.memory_space<hbm>>
      %dma_start3A_16 = tpu.memref_squeeze %dma_start3A_15 : memref<1x50016x8xf32, #tpu.memory_space<hbm>> -> memref<50016x8xf32, #tpu.memory_space<hbm>>
      %dma_start3A_17 = arith.constant 0 : i32
      %dma_start3A_18 = tpu.memref_slice %dma_start3A_16[%mul3A_13, %dma_start3A_17] : memref<50016x8xf32, #tpu.memory_space<hbm>> -> memref<3126x8xf32, #tpu.memory_space<hbm>>
      %dma_start3A_19 = arith.constant 0 : i32
      %dma_start3A_20 = tpu.memref_slice %arg8[%mul3A_11, %dma_start3A_19] : memref<50016x8xf32, #tpu.memory_space<vmem_shared>> -> memref<3126x8xf32, #tpu.memory_space<vmem_shared>>
      tpu.enqueue_dma source(%dma_start3A_20 : memref<3126x8xf32, #tpu.memory_space<vmem_shared>>) target(%dma_start3A_18 : memref<3126x8xf32, #tpu.memory_space<hbm>>) target_semaphore(%run_scoped3A : memref<!tpu.dma_semaphore, #tpu.memory_space<semaphore_mem>>)
      %dma_wait3A = arith.constant 0 : i32
      %dma_wait3A_21 = arith.constant 0 : i32
      %dma_wait3A_22 = tpu.memref_slice %arg7[%arg0, %dma_wait3A, %dma_wait3A_21] : memref<2x50016x8xf32, #tpu.memory_space<hbm>> -> memref<1x50016x8xf32, #tpu.memory_space<hbm>>
      %dma_wait3A_23 = tpu.memref_squeeze %dma_wait3A_22 : memref<1x50016x8xf32, #tpu.memory_space<hbm>> -> memref<50016x8xf32, #tpu.memory_space<hbm>>
      %dma_wait3A_24 = arith.constant 0 : i32
      %dma_wait3A_25 = tpu.memref_slice %dma_wait3A_23[%mul3A_13, %dma_wait3A_24] : memref<50016x8xf32, #tpu.memory_space<hbm>> -> memref<3126x8xf32, #tpu.memory_space<hbm>>
      %dma_wait3A_26 = arith.constant 0 : i32
      %dma_wait3A_27 = tpu.memref_slice %arg8[%mul3A_11, %dma_wait3A_26] : memref<50016x8xf32, #tpu.memory_space<vmem_shared>> -> memref<3126x8xf32, #tpu.memory_space<vmem_shared>>
      tpu.wait_dma2 semaphore(%run_scoped3A : memref<!tpu.dma_semaphore, #tpu.memory_space<semaphore_mem>>) src(%dma_wait3A_27 : memref<3126x8xf32, #tpu.memory_space<vmem_shared>>) dst(%dma_wait3A_25 : memref<3126x8xf32, #tpu.memory_space<hbm>>)
      tpu.yield
    }) : () -> ()
    return
  }
}

module attributes {stable_mosaic.version = 14 : i64} {
  func.func @_edge_body(%arg0: i32, %arg1: memref<2048x16xf32, #tpu.memory_space<vmem>>, %arg2: memref<2048x16xf32, #tpu.memory_space<vmem>>, %arg3: memref<2048x16xf32, #tpu.memory_space<vmem>>, %arg4: memref<2048x16xf32, #tpu.memory_space<vmem>>, %arg5: memref<2048x4xf32, #tpu.memory_space<vmem>>, %arg6: memref<16x64xf32, #tpu.memory_space<vmem>>, %arg7: memref<1x64xf32, #tpu.memory_space<vmem>>, %arg8: memref<2x2048x128xf32, #tpu.memory_space<vmem>>) attributes {dimension_semantics = [#tpu.dimension_semantics<arbitrary>], iteration_bounds = array<i64: 98>, scalar_prefetch = 0 : i64, scratch_operands = 0 : i64, tpu.core_type = #tpu.core_type<tc>, window_params = [{transform_indices = @transform_0, window_bounds = array<i64: 2048, 16>}, {transform_indices = @transform_1, window_bounds = array<i64: 2048, 16>}, {transform_indices = @transform_2, window_bounds = array<i64: 2048, 16>}, {transform_indices = @transform_3, window_bounds = array<i64: 2048, 16>}, {transform_indices = @transform_4, window_bounds = array<i64: 2048, 4>}, {pipeline_mode = #tpu.pipeline_mode<synchronous>, transform_indices = @transform_5, window_bounds = array<i64: 16, 64>}, {pipeline_mode = #tpu.pipeline_mode<synchronous>, transform_indices = @transform_6, window_bounds = array<i64: 1, 64>}, {transform_indices = @transform_7, window_bounds = array<i64: 2, 2048, 128>}]} {
    %get3A = arith.constant 0 : index
    %get3A_0 = arith.constant 0 : index
    %get3A_1 = vector.load %arg1[%get3A, %get3A_0] : memref<2048x16xf32, #tpu.memory_space<vmem>>, vector<2048x16xf32>
    %get3A_2 = arith.constant 0 : index
    %get3A_3 = arith.constant 0 : index
    %get3A_4 = vector.load %arg6[%get3A_2, %get3A_3] : memref<16x64xf32, #tpu.memory_space<vmem>>, vector<16x64xf32>
    %dot_general3A = arith.constant dense<0.000000e+00> : vector<2048x64xf32>
    %dot_general3A_5 = tpu.matmul %get3A_1, %get3A_4, %dot_general3A {dimension_numbers = #tpu.dot_dimension_numbers<[1], [0], [0], [1], [0, 0, 1, 1], [], []>, transpose_lhs_hint = false} : vector<2048x16xf32>, vector<16x64xf32>, vector<2048x64xf32> -> vector<2048x64xf32>
    %get3A_6 = arith.constant 0 : index
    %get3A_7 = arith.constant 0 : index
    %get3A_8 = vector.load %arg7[%get3A_6, %get3A_7] : memref<1x64xf32, #tpu.memory_space<vmem>>, vector<1x64xf32>
    %add3A = vector.broadcast %get3A_8 : vector<1x64xf32> to vector<2048x64xf32>
    %add3A_9 = arith.addf %dot_general3A_5, %add3A : vector<2048x64xf32>
    %max3A = arith.constant 0.000000e+00 : f32
    %max3A_10 = vector.broadcast %max3A : f32 to vector<2048x64xf32>
    %max3A_11 = arith.maximumf %add3A_9, %max3A_10 : vector<2048x64xf32>
    %get3A_12 = arith.constant 0 : index
    %get3A_13 = arith.constant 0 : index
    %get3A_14 = vector.load %arg5[%get3A_12, %get3A_13] : memref<2048x4xf32, #tpu.memory_space<vmem>>, vector<2048x1xf32>
    %mul3A = vector.broadcast %get3A_14 : vector<2048x1xf32> to vector<2048x64xf32>
    %mul3A_15 = arith.mulf %mul3A, %max3A_11 : vector<2048x64xf32>
    %slice3A = vector.extract_strided_slice %mul3A_15 {offsets = [0, 0], sizes = [2048, 32], strides = [1, 1]} : vector<2048x64xf32> to vector<2048x32xf32>
    %slice3A_16 = vector.extract_strided_slice %mul3A_15 {offsets = [0, 32], sizes = [2048, 32], strides = [1, 1]} : vector<2048x64xf32> to vector<2048x32xf32>
    %get3A_17 = arith.constant 0 : index
    %get3A_18 = arith.constant 0 : index
    %get3A_19 = vector.load %arg2[%get3A_17, %get3A_18] : memref<2048x16xf32, #tpu.memory_space<vmem>>, vector<2048x16xf32>
    %get3A_20 = arith.constant 0 : index
    %get3A_21 = arith.constant 0 : index
    %get3A_22 = vector.load %arg6[%get3A_20, %get3A_21] : memref<16x64xf32, #tpu.memory_space<vmem>>, vector<16x64xf32>
    %dot_general3A_23 = arith.constant dense<0.000000e+00> : vector<2048x64xf32>
    %dot_general3A_24 = tpu.matmul %get3A_19, %get3A_22, %dot_general3A_23 {dimension_numbers = #tpu.dot_dimension_numbers<[1], [0], [0], [1], [0, 0, 1, 1], [], []>, transpose_lhs_hint = false} : vector<2048x16xf32>, vector<16x64xf32>, vector<2048x64xf32> -> vector<2048x64xf32>
    %get3A_25 = arith.constant 0 : index
    %get3A_26 = arith.constant 0 : index
    %get3A_27 = vector.load %arg7[%get3A_25, %get3A_26] : memref<1x64xf32, #tpu.memory_space<vmem>>, vector<1x64xf32>
    %add3A_28 = vector.broadcast %get3A_27 : vector<1x64xf32> to vector<2048x64xf32>
    %add3A_29 = arith.addf %dot_general3A_24, %add3A_28 : vector<2048x64xf32>
    %max3A_30 = arith.constant 0.000000e+00 : f32
    %max3A_31 = vector.broadcast %max3A_30 : f32 to vector<2048x64xf32>
    %max3A_32 = arith.maximumf %add3A_29, %max3A_31 : vector<2048x64xf32>
    %get3A_33 = arith.constant 0 : index
    %get3A_34 = arith.constant 1 : index
    %get3A_35 = vector.load %arg5[%get3A_33, %get3A_34] : memref<2048x4xf32, #tpu.memory_space<vmem>>, vector<2048x1xf32>
    %mul3A_36 = vector.broadcast %get3A_35 : vector<2048x1xf32> to vector<2048x64xf32>
    %mul3A_37 = arith.mulf %mul3A_36, %max3A_32 : vector<2048x64xf32>
    %slice3A_38 = vector.extract_strided_slice %mul3A_37 {offsets = [0, 0], sizes = [2048, 32], strides = [1, 1]} : vector<2048x64xf32> to vector<2048x32xf32>
    %slice3A_39 = vector.extract_strided_slice %mul3A_37 {offsets = [0, 32], sizes = [2048, 32], strides = [1, 1]} : vector<2048x64xf32> to vector<2048x32xf32>
    %get3A_40 = arith.constant 0 : index
    %get3A_41 = arith.constant 0 : index
    %get3A_42 = vector.load %arg3[%get3A_40, %get3A_41] : memref<2048x16xf32, #tpu.memory_space<vmem>>, vector<2048x16xf32>
    %get3A_43 = arith.constant 0 : index
    %get3A_44 = arith.constant 0 : index
    %get3A_45 = vector.load %arg6[%get3A_43, %get3A_44] : memref<16x64xf32, #tpu.memory_space<vmem>>, vector<16x64xf32>
    %dot_general3A_46 = arith.constant dense<0.000000e+00> : vector<2048x64xf32>
    %dot_general3A_47 = tpu.matmul %get3A_42, %get3A_45, %dot_general3A_46 {dimension_numbers = #tpu.dot_dimension_numbers<[1], [0], [0], [1], [0, 0, 1, 1], [], []>, transpose_lhs_hint = false} : vector<2048x16xf32>, vector<16x64xf32>, vector<2048x64xf32> -> vector<2048x64xf32>
    %get3A_48 = arith.constant 0 : index
    %get3A_49 = arith.constant 0 : index
    %get3A_50 = vector.load %arg7[%get3A_48, %get3A_49] : memref<1x64xf32, #tpu.memory_space<vmem>>, vector<1x64xf32>
    %add3A_51 = vector.broadcast %get3A_50 : vector<1x64xf32> to vector<2048x64xf32>
    %add3A_52 = arith.addf %dot_general3A_47, %add3A_51 : vector<2048x64xf32>
    %max3A_53 = arith.constant 0.000000e+00 : f32
    %max3A_54 = vector.broadcast %max3A_53 : f32 to vector<2048x64xf32>
    %max3A_55 = arith.maximumf %add3A_52, %max3A_54 : vector<2048x64xf32>
    %get3A_56 = arith.constant 0 : index
    %get3A_57 = arith.constant 2 : index
    %get3A_58 = vector.load %arg5[%get3A_56, %get3A_57] : memref<2048x4xf32, #tpu.memory_space<vmem>>, vector<2048x1xf32>
    %mul3A_59 = vector.broadcast %get3A_58 : vector<2048x1xf32> to vector<2048x64xf32>
    %mul3A_60 = arith.mulf %mul3A_59, %max3A_55 : vector<2048x64xf32>
    %slice3A_61 = vector.extract_strided_slice %mul3A_60 {offsets = [0, 0], sizes = [2048, 32], strides = [1, 1]} : vector<2048x64xf32> to vector<2048x32xf32>
    %slice3A_62 = vector.extract_strided_slice %mul3A_60 {offsets = [0, 32], sizes = [2048, 32], strides = [1, 1]} : vector<2048x64xf32> to vector<2048x32xf32>
    %get3A_63 = arith.constant 0 : index
    %get3A_64 = arith.constant 0 : index
    %get3A_65 = vector.load %arg4[%get3A_63, %get3A_64] : memref<2048x16xf32, #tpu.memory_space<vmem>>, vector<2048x16xf32>
    %get3A_66 = arith.constant 0 : index
    %get3A_67 = arith.constant 0 : index
    %get3A_68 = vector.load %arg6[%get3A_66, %get3A_67] : memref<16x64xf32, #tpu.memory_space<vmem>>, vector<16x64xf32>
    %dot_general3A_69 = arith.constant dense<0.000000e+00> : vector<2048x64xf32>
    %dot_general3A_70 = tpu.matmul %get3A_65, %get3A_68, %dot_general3A_69 {dimension_numbers = #tpu.dot_dimension_numbers<[1], [0], [0], [1], [0, 0, 1, 1], [], []>, transpose_lhs_hint = false} : vector<2048x16xf32>, vector<16x64xf32>, vector<2048x64xf32> -> vector<2048x64xf32>
    %get3A_71 = arith.constant 0 : index
    %get3A_72 = arith.constant 0 : index
    %get3A_73 = vector.load %arg7[%get3A_71, %get3A_72] : memref<1x64xf32, #tpu.memory_space<vmem>>, vector<1x64xf32>
    %add3A_74 = vector.broadcast %get3A_73 : vector<1x64xf32> to vector<2048x64xf32>
    %add3A_75 = arith.addf %dot_general3A_70, %add3A_74 : vector<2048x64xf32>
    %max3A_76 = arith.constant 0.000000e+00 : f32
    %max3A_77 = vector.broadcast %max3A_76 : f32 to vector<2048x64xf32>
    %max3A_78 = arith.maximumf %add3A_75, %max3A_77 : vector<2048x64xf32>
    %get3A_79 = arith.constant 0 : index
    %get3A_80 = arith.constant 3 : index
    %get3A_81 = vector.load %arg5[%get3A_79, %get3A_80] : memref<2048x4xf32, #tpu.memory_space<vmem>>, vector<2048x1xf32>
    %mul3A_82 = vector.broadcast %get3A_81 : vector<2048x1xf32> to vector<2048x64xf32>
    %mul3A_83 = arith.mulf %mul3A_82, %max3A_78 : vector<2048x64xf32>
    %slice3A_84 = vector.extract_strided_slice %mul3A_83 {offsets = [0, 0], sizes = [2048, 32], strides = [1, 1]} : vector<2048x64xf32> to vector<2048x32xf32>
    %slice3A_85 = vector.extract_strided_slice %mul3A_83 {offsets = [0, 32], sizes = [2048, 32], strides = [1, 1]} : vector<2048x64xf32> to vector<2048x32xf32>
    %concatenate3A = tpu.concatenate %slice3A, %slice3A_38, %slice3A_61, %slice3A_84 in 1 : vector<2048x32xf32>, vector<2048x32xf32>, vector<2048x32xf32>, vector<2048x32xf32> -> vector<2048x128xf32>
    %swap3A = arith.constant 0 : index
    %swap3A_86 = arith.constant 0 : index
    %swap3A_87 = arith.constant 0 : index
    %swap3A_88 = vector.load %arg8[%swap3A, %swap3A_86, %swap3A_87] : memref<2x2048x128xf32, #tpu.memory_space<vmem>>, vector<1x2048x128xf32>
    %swap3A_89 = vector.shape_cast %swap3A_88 : vector<1x2048x128xf32> to vector<2048x128xf32>
    %swap3A_90 = vector.shape_cast %concatenate3A : vector<2048x128xf32> to vector<1x2048x128xf32>
    tpu.vector_store %arg8[%swap3A, %swap3A_86, %swap3A_87], %swap3A_90 {strides = array<i32>} : memref<2x2048x128xf32, #tpu.memory_space<vmem>>, vector<1x2048x128xf32>,
    %concatenate3A_91 = tpu.concatenate %slice3A_16, %slice3A_39, %slice3A_62, %slice3A_85 in 1 : vector<2048x32xf32>, vector<2048x32xf32>, vector<2048x32xf32>, vector<2048x32xf32> -> vector<2048x128xf32>
    %swap3A_92 = arith.constant 1 : index
    %swap3A_93 = arith.constant 0 : index
    %swap3A_94 = arith.constant 0 : index
    %swap3A_95 = vector.load %arg8[%swap3A_92, %swap3A_93, %swap3A_94] : memref<2x2048x128xf32, #tpu.memory_space<vmem>>, vector<1x2048x128xf32>
    %swap3A_96 = vector.shape_cast %swap3A_95 : vector<1x2048x128xf32> to vector<2048x128xf32>
    %swap3A_97 = vector.shape_cast %concatenate3A_91 : vector<2048x128xf32> to vector<1x2048x128xf32>
    tpu.vector_store %arg8[%swap3A_92, %swap3A_93, %swap3A_94], %swap3A_97 {strides = array<i32>} : memref<2x2048x128xf32, #tpu.memory_space<vmem>>, vector<1x2048x128xf32>,
    return
  }
  func.func @transform_0(%arg0: i32) -> (i32, i32) {
    %add3A = arith.constant 0 : i32
    %add3A_0 = arith.addi %add3A, %arg0 : i32
    %c0_i32 = arith.constant 0 : i32
    %c0_i32_1 = arith.constant 0 : i32
    return %add3A_0, %c0_i32 : i32, i32
  }
  func.func @transform_1(%arg0: i32) -> (i32, i32) {
    %add3A = arith.constant 98 : i32
    %add3A_0 = arith.addi %add3A, %arg0 : i32
    %c0_i32 = arith.constant 0 : i32
    %c0_i32_1 = arith.constant 0 : i32
    return %add3A_0, %c0_i32 : i32, i32
  }
  func.func @transform_2(%arg0: i32) -> (i32, i32) {
    %add3A = arith.constant 196 : i32
    %add3A_0 = arith.addi %add3A, %arg0 : i32
    %c0_i32 = arith.constant 0 : i32
    %c0_i32_1 = arith.constant 0 : i32
    return %add3A_0, %c0_i32 : i32, i32
  }
  func.func @transform_3(%arg0: i32) -> (i32, i32) {
    %add3A = arith.constant 294 : i32
    %add3A_0 = arith.addi %add3A, %arg0 : i32
    %c0_i32 = arith.constant 0 : i32
    %c0_i32_1 = arith.constant 0 : i32
    return %add3A_0, %c0_i32 : i32, i32
  }
  func.func @transform_4(%arg0: i32) -> (i32, i32) {
    %c0_i32 = arith.constant 0 : i32
    %c0_i32_0 = arith.constant 0 : i32
    return %arg0, %c0_i32 : i32, i32
  }
  func.func @transform_5(%arg0: i32) -> (i32, i32) {
    %c0_i32 = arith.constant 0 : i32
    %c0_i32_0 = arith.constant 0 : i32
    %c0_i32_1 = arith.constant 0 : i32
    return %c0_i32, %c0_i32_0 : i32, i32
  }
  func.func @transform_6(%arg0: i32) -> (i32, i32) {
    %c0_i32 = arith.constant 0 : i32
    %c0_i32_0 = arith.constant 0 : i32
    %c0_i32_1 = arith.constant 0 : i32
    return %c0_i32, %c0_i32_0 : i32, i32
  }
  func.func @transform_7(%arg0: i32) -> (i32, i32, i32) {
    %c0_i32 = arith.constant 0 : i32
    %c0_i32_0 = arith.constant 0 : i32
    %c0_i32_1 = arith.constant 0 : i32
    return %c0_i32, %arg0, %c0_i32_0 : i32, i32, i32
  }
}

module attributes {stable_mosaic.version = 14 : i64} {
  func.func @_d1_body(%arg0: i32, %arg1: memref<2000x32xf32, #tpu.memory_space<vmem>>, %arg2: memref<2000x32xf32, #tpu.memory_space<vmem>>, %arg3: memref<2000x8xf32, #tpu.memory_space<vmem>>, %arg4: memref<2000x8xf32, #tpu.memory_space<vmem>>, %arg5: memref<2000x1xf32, #tpu.memory_space<vmem>>, %arg6: memref<64x64xf32, #tpu.memory_space<vmem>>, %arg7: memref<1x64xf32, #tpu.memory_space<vmem>>, %arg8: memref<1x64xf32, #tpu.memory_space<vmem>>, %arg9: memref<1x64xf32, #tpu.memory_space<vmem>>, %arg10: memref<2000x64xf32, #tpu.memory_space<vmem>>, %arg11: memref<1x64xf32, #tpu.memory_space<vmem>>, %arg12: memref<1x64xf32, #tpu.memory_space<vmem>>) attributes {dimension_semantics = [#tpu.dimension_semantics<arbitrary>], iteration_bounds = array<i64: 25>, scalar_prefetch = 0 : i64, scratch_operands = 0 : i64, tpu.core_type = #tpu.core_type<tc>, window_params = [{transform_indices = @transform_0, window_bounds = array<i64: 2000, 32>}, {transform_indices = @transform_1, window_bounds = array<i64: 2000, 32>}, {transform_indices = @transform_2, window_bounds = array<i64: 2000, 8>}, {transform_indices = @transform_3, window_bounds = array<i64: 2000, 8>}, {transform_indices = @transform_4, window_bounds = array<i64: 2000, 1>}, {pipeline_mode = #tpu.pipeline_mode<synchronous>, transform_indices = @transform_5, window_bounds = array<i64: 64, 64>}, {pipeline_mode = #tpu.pipeline_mode<synchronous>, transform_indices = @transform_6, window_bounds = array<i64: 1, 64>}, {pipeline_mode = #tpu.pipeline_mode<synchronous>, transform_indices = @transform_7, window_bounds = array<i64: 1, 64>}, {pipeline_mode = #tpu.pipeline_mode<synchronous>, transform_indices = @transform_8, window_bounds = array<i64: 1, 64>}, {transform_indices = @transform_9, window_bounds = array<i64: 2000, 64>}, {pipeline_mode = #tpu.pipeline_mode<synchronous>, transform_indices = @transform_10, window_bounds = array<i64: 1, 64>}, {pipeline_mode = #tpu.pipeline_mode<synchronous>, transform_indices = @transform_11, window_bounds = array<i64: 1, 64>}]} {
    %get3A = arith.constant 0 : index
    %get3A_0 = arith.constant 0 : index
    %get3A_1 = vector.load %arg1[%get3A, %get3A_0] : memref<2000x32xf32, #tpu.memory_space<vmem>>, vector<2000x32xf32>
    %get3A_2 = arith.constant 0 : index
    %get3A_3 = arith.constant 0 : index
    %get3A_4 = vector.load %arg2[%get3A_2, %get3A_3] : memref<2000x32xf32, #tpu.memory_space<vmem>>, vector<2000x32xf32>
    %concatenate3A = tpu.concatenate %get3A_1, %get3A_4 in 1 : vector<2000x32xf32>, vector<2000x32xf32> -> vector<2000x64xf32>
    %get3A_5 = arith.constant 0 : index
    %get3A_6 = arith.constant 0 : index
    %get3A_7 = vector.load %arg3[%get3A_5, %get3A_6] : memref<2000x8xf32, #tpu.memory_space<vmem>>, vector<2000x8xf32>
    %get3A_8 = arith.constant 0 : index
    %get3A_9 = arith.constant 0 : index
    %get3A_10 = vector.load %arg4[%get3A_8, %get3A_9] : memref<2000x8xf32, #tpu.memory_space<vmem>>, vector<2000x8xf32>
    %add3A = arith.addf %get3A_7, %get3A_10 : vector<2000x8xf32>
    %slice3A = vector.extract_strided_slice %add3A {offsets = [0, 0], sizes = [2000, 1], strides = [1, 1]} : vector<2000x8xf32> to vector<2000x1xf32>
    %slice3A_11 = vector.extract_strided_slice %add3A {offsets = [0, 1], sizes = [2000, 1], strides = [1, 1]} : vector<2000x8xf32> to vector<2000x1xf32>
    %get3A_12 = arith.constant 0 : index
    %get3A_13 = arith.constant 0 : index
    %get3A_14 = vector.load %arg6[%get3A_12, %get3A_13] : memref<64x64xf32, #tpu.memory_space<vmem>>, vector<64x64xf32>
    %dot_general3A = arith.constant dense<0.000000e+00> : vector<2000x64xf32>
    %dot_general3A_15 = tpu.matmul %concatenate3A, %get3A_14, %dot_general3A {dimension_numbers = #tpu.dot_dimension_numbers<[1], [0], [0], [1], [0, 0, 1, 1], [], []>, transpose_lhs_hint = false} : vector<2000x64xf32>, vector<64x64xf32>, vector<2000x64xf32> -> vector<2000x64xf32>
    %get3A_16 = arith.constant 0 : index
    %get3A_17 = arith.constant 0 : index
    %get3A_18 = vector.load %arg7[%get3A_16, %get3A_17] : memref<1x64xf32, #tpu.memory_space<vmem>>, vector<1x64xf32>
    %mul3A = vector.broadcast %slice3A : vector<2000x1xf32> to vector<2000x64xf32>
    %mul3A_19 = vector.broadcast %get3A_18 : vector<1x64xf32> to vector<2000x64xf32>
    %mul3A_20 = arith.mulf %mul3A, %mul3A_19 : vector<2000x64xf32>
    %add3A_21 = arith.addf %dot_general3A_15, %mul3A_20 : vector<2000x64xf32>
    %max3A = arith.constant 1.000000e+00 : f32
    %max3A_22 = vector.broadcast %max3A : f32 to vector<2000x1xf32>
    %max3A_23 = arith.maximumf %slice3A_11, %max3A_22 : vector<2000x1xf32>
    %div3A = vector.broadcast %max3A_23 : vector<2000x1xf32> to vector<2000x64xf32>
    %div3A_24 = arith.divf %add3A_21, %div3A : vector<2000x64xf32>
    %get3A_25 = arith.constant 0 : index
    %get3A_26 = arith.constant 0 : index
    %get3A_27 = vector.load %arg5[%get3A_25, %get3A_26] : memref<2000x1xf32, #tpu.memory_space<vmem>>, vector<2000x1xf32>
    %get3A_28 = arith.constant 0 : index
    %get3A_29 = arith.constant 0 : index
    %get3A_30 = vector.load %arg8[%get3A_28, %get3A_29] : memref<1x64xf32, #tpu.memory_space<vmem>>, vector<1x64xf32>
    %mul3A_31 = vector.broadcast %get3A_27 : vector<2000x1xf32> to vector<2000x64xf32>
    %mul3A_32 = vector.broadcast %get3A_30 : vector<1x64xf32> to vector<2000x64xf32>
    %mul3A_33 = arith.mulf %mul3A_31, %mul3A_32 : vector<2000x64xf32>
    %add3A_34 = arith.addf %div3A_24, %mul3A_33 : vector<2000x64xf32>
    %get3A_35 = arith.constant 0 : index
    %get3A_36 = arith.constant 0 : index
    %get3A_37 = vector.load %arg9[%get3A_35, %get3A_36] : memref<1x64xf32, #tpu.memory_space<vmem>>, vector<1x64xf32>
    %add3A_38 = vector.broadcast %get3A_37 : vector<1x64xf32> to vector<2000x64xf32>
    %add3A_39 = arith.addf %add3A_34, %add3A_38 : vector<2000x64xf32>
    %swap3A = arith.constant 0 : index
    %swap3A_40 = arith.constant 0 : index
    %swap3A_41 = vector.load %arg10[%swap3A, %swap3A_40] : memref<2000x64xf32, #tpu.memory_space<vmem>>, vector<2000x64xf32>
    tpu.vector_store %arg10[%swap3A, %swap3A_40], %add3A_39 {strides = array<i32>} : memref<2000x64xf32, #tpu.memory_space<vmem>>, vector<2000x64xf32>,
    %eq3A = arith.constant 0 : i32
    %eq3A_42 = arith.cmpi eq, %arg0, %eq3A : i32
    %convert_element_type3A = arith.extui %eq3A_42 : i1 to i32
    %cond3A = arith.constant 0 : i32
    %cond3A_43 = arith.cmpi ne, %convert_element_type3A, %cond3A : i32
    scf.if %cond3A_43 {
      %broadcast_in_dim3A_63 = arith.constant 0.000000e+00 : f32
      %broadcast_in_dim3A_64 = vector.broadcast %broadcast_in_dim3A_63 : f32 to vector<1x64xf32>
      %swap3A_65 = arith.constant 0 : index
      %swap3A_66 = arith.constant 0 : index
      %swap3A_67 = vector.load %arg11[%swap3A_65, %swap3A_66] : memref<1x64xf32, #tpu.memory_space<vmem>>, vector<1x64xf32>
      tpu.vector_store %arg11[%swap3A_65, %swap3A_66], %broadcast_in_dim3A_64 {strides = array<i32>} : memref<1x64xf32, #tpu.memory_space<vmem>>, vector<1x64xf32>,
      %broadcast_in_dim3A_68 = arith.constant 0.000000e+00 : f32
      %broadcast_in_dim3A_69 = vector.broadcast %broadcast_in_dim3A_68 : f32 to vector<1x64xf32>
      %swap3A_70 = arith.constant 0 : index
      %swap3A_71 = arith.constant 0 : index
      %swap3A_72 = vector.load %arg12[%swap3A_70, %swap3A_71] : memref<1x64xf32, #tpu.memory_space<vmem>>, vector<1x64xf32>
      tpu.vector_store %arg12[%swap3A_70, %swap3A_71], %broadcast_in_dim3A_69 {strides = array<i32>} : memref<1x64xf32, #tpu.memory_space<vmem>>, vector<1x64xf32>,
    } else {
    }
    %get3A_44 = arith.constant 0 : index
    %get3A_45 = arith.constant 0 : index
    %get3A_46 = vector.load %arg11[%get3A_44, %get3A_45] : memref<1x64xf32, #tpu.memory_space<vmem>>, vector<1x64xf32>
    %reduce_sum3A = arith.constant dense<0.000000e+00> : vector<64xf32>
    %reduce_sum3A_47 = vector.multi_reduction <add>, %add3A_39, %reduce_sum3A [0] : vector<2000x64xf32> to vector<64xf32>
    %broadcast_in_dim3A = vector.shape_cast %reduce_sum3A_47 : vector<64xf32> to vector<1x64xf32>
    %add3A_48 = arith.addf %get3A_46, %broadcast_in_dim3A : vector<1x64xf32>
    %swap3A_49 = arith.constant 0 : index
    %swap3A_50 = arith.constant 0 : index
    %swap3A_51 = vector.load %arg11[%swap3A_49, %swap3A_50] : memref<1x64xf32, #tpu.memory_space<vmem>>, vector<1x64xf32>
    tpu.vector_store %arg11[%swap3A_49, %swap3A_50], %add3A_48 {strides = array<i32>} : memref<1x64xf32, #tpu.memory_space<vmem>>, vector<1x64xf32>,
    %get3A_52 = arith.constant 0 : index
    %get3A_53 = arith.constant 0 : index
    %get3A_54 = vector.load %arg12[%get3A_52, %get3A_53] : memref<1x64xf32, #tpu.memory_space<vmem>>, vector<1x64xf32>
    %mul3A_55 = arith.mulf %add3A_39, %add3A_39 : vector<2000x64xf32>
    %reduce_sum3A_56 = arith.constant dense<0.000000e+00> : vector<64xf32>
    %reduce_sum3A_57 = vector.multi_reduction <add>, %mul3A_55, %reduce_sum3A_56 [0] : vector<2000x64xf32> to vector<64xf32>
    %broadcast_in_dim3A_58 = vector.shape_cast %reduce_sum3A_57 : vector<64xf32> to vector<1x64xf32>
    %add3A_59 = arith.addf %get3A_54, %broadcast_in_dim3A_58 : vector<1x64xf32>
    %swap3A_60 = arith.constant 0 : index
    %swap3A_61 = arith.constant 0 : index
    %swap3A_62 = vector.load %arg12[%swap3A_60, %swap3A_61] : memref<1x64xf32, #tpu.memory_space<vmem>>, vector<1x64xf32>
    tpu.vector_store %arg12[%swap3A_60, %swap3A_61], %add3A_59 {strides = array<i32>} : memref<1x64xf32, #tpu.memory_space<vmem>>, vector<1x64xf32>,
    return
  }
  func.func @transform_0(%arg0: i32) -> (i32, i32) {
    %c0_i32 = arith.constant 0 : i32
    %c0_i32_0 = arith.constant 0 : i32
    return %arg0, %c0_i32 : i32, i32
  }
  func.func @transform_1(%arg0: i32) -> (i32, i32) {
    %c0_i32 = arith.constant 0 : i32
    %c0_i32_0 = arith.constant 0 : i32
    return %arg0, %c0_i32 : i32, i32
  }
  func.func @transform_2(%arg0: i32) -> (i32, i32) {
    %c0_i32 = arith.constant 0 : i32
    %c0_i32_0 = arith.constant 0 : i32
    return %arg0, %c0_i32 : i32, i32
  }
  func.func @transform_3(%arg0: i32) -> (i32, i32) {
    %c0_i32 = arith.constant 0 : i32
    %c0_i32_0 = arith.constant 0 : i32
    return %arg0, %c0_i32 : i32, i32
  }
  func.func @transform_4(%arg0: i32) -> (i32, i32) {
    %c0_i32 = arith.constant 0 : i32
    %c0_i32_0 = arith.constant 0 : i32
    return %arg0, %c0_i32 : i32, i32
  }
  func.func @transform_5(%arg0: i32) -> (i32, i32) {
    %c0_i32 = arith.constant 0 : i32
    %c0_i32_0 = arith.constant 0 : i32
    %c0_i32_1 = arith.constant 0 : i32
    return %c0_i32, %c0_i32_0 : i32, i32
  }
  func.func @transform_6(%arg0: i32) -> (i32, i32) {
    %c0_i32 = arith.constant 0 : i32
    %c0_i32_0 = arith.constant 0 : i32
    %c0_i32_1 = arith.constant 0 : i32
    return %c0_i32, %c0_i32_0 : i32, i32
  }
  func.func @transform_7(%arg0: i32) -> (i32, i32) {
    %c0_i32 = arith.constant 0 : i32
    %c0_i32_0 = arith.constant 0 : i32
    %c0_i32_1 = arith.constant 0 : i32
    return %c0_i32, %c0_i32_0 : i32, i32
  }
  func.func @transform_8(%arg0: i32) -> (i32, i32) {
    %c0_i32 = arith.constant 0 : i32
    %c0_i32_0 = arith.constant 0 : i32
    %c0_i32_1 = arith.constant 0 : i32
    return %c0_i32, %c0_i32_0 : i32, i32
  }
  func.func @transform_9(%arg0: i32) -> (i32, i32) {
    %c0_i32 = arith.constant 0 : i32
    %c0_i32_0 = arith.constant 0 : i32
    return %arg0, %c0_i32 : i32, i32
  }
  func.func @transform_10(%arg0: i32) -> (i32, i32) {
    %c0_i32 = arith.constant 0 : i32
    %c0_i32_0 = arith.constant 0 : i32
    %c0_i32_1 = arith.constant 0 : i32
    return %c0_i32, %c0_i32_0 : i32, i32
  }
  func.func @transform_11(%arg0: i32) -> (i32, i32) {
    %c0_i32 = arith.constant 0 : i32
    %c0_i32_0 = arith.constant 0 : i32
    %c0_i32_1 = arith.constant 0 : i32
    return %c0_i32, %c0_i32_0 : i32, i32
  }
}

module attributes {stable_mosaic.version = 14 : i64} {
  func.func @_d1b_body(%arg0: i32, %arg1: memref<2000x64xf32, #tpu.memory_space<vmem>>, %arg2: memref<1x64xf32, #tpu.memory_space<vmem>>, %arg3: memref<1x64xf32, #tpu.memory_space<vmem>>) attributes {dimension_semantics = [#tpu.dimension_semantics<arbitrary>], iteration_bounds = array<i64: 25>, scalar_prefetch = 0 : i64, scratch_operands = 0 : i64, tpu.core_type = #tpu.core_type<tc>, window_params = [{transform_indices = @transform_0, window_bounds = array<i64: 2000, 64>}, {pipeline_mode = #tpu.pipeline_mode<synchronous>, transform_indices = @transform_1, window_bounds = array<i64: 1, 64>}, {pipeline_mode = #tpu.pipeline_mode<synchronous>, transform_indices = @transform_2, window_bounds = array<i64: 1, 64>}]} {
    %get3A = arith.constant 0 : index
    %get3A_0 = arith.constant 0 : index
    %get3A_1 = vector.load %arg2[%get3A, %get3A_0] : memref<1x64xf32, #tpu.memory_space<vmem>>, vector<1x64xf32>
    %mul3A = arith.constant 2.000000e-05 : f32
    %mul3A_2 = vector.broadcast %mul3A : f32 to vector<1x64xf32>
    %mul3A_3 = arith.mulf %get3A_1, %mul3A_2 : vector<1x64xf32>
    %get3A_4 = arith.constant 0 : index
    %get3A_5 = arith.constant 0 : index
    %get3A_6 = vector.load %arg1[%get3A_4, %get3A_5] : memref<2000x64xf32, #tpu.memory_space<vmem>>, vector<2000x64xf32>
    %sub3A = vector.broadcast %mul3A_3 : vector<1x64xf32> to vector<2000x64xf32>
    %sub3A_7 = arith.subf %get3A_6, %sub3A : vector<2000x64xf32>
    %eq3A = arith.constant 0 : i32
    %eq3A_8 = arith.cmpi eq, %arg0, %eq3A : i32
    %convert_element_type3A = arith.extui %eq3A_8 : i1 to i32
    %cond3A = arith.constant 0 : i32
    %cond3A_9 = arith.cmpi ne, %convert_element_type3A, %cond3A : i32
    scf.if %cond3A_9 {
      %broadcast_in_dim3A_17 = arith.constant 0.000000e+00 : f32
      %broadcast_in_dim3A_18 = vector.broadcast %broadcast_in_dim3A_17 : f32 to vector<1x64xf32>
      %swap3A_19 = arith.constant 0 : index
      %swap3A_20 = arith.constant 0 : index
      %swap3A_21 = vector.load %arg3[%swap3A_19, %swap3A_20] : memref<1x64xf32, #tpu.memory_space<vmem>>, vector<1x64xf32>
      tpu.vector_store %arg3[%swap3A_19, %swap3A_20], %broadcast_in_dim3A_18 {strides = array<i32>} : memref<1x64xf32, #tpu.memory_space<vmem>>, vector<1x64xf32>,
    } else {
    }
    %get3A_10 = arith.constant 0 : index
    %get3A_11 = arith.constant 0 : index
    %get3A_12 = vector.load %arg3[%get3A_10, %get3A_11] : memref<1x64xf32, #tpu.memory_space<vmem>>, vector<1x64xf32>
    %mul3A_13 = arith.mulf %sub3A_7, %sub3A_7 : vector<2000x64xf32>
    %reduce_sum3A = arith.constant dense<0.000000e+00> : vector<64xf32>
    %reduce_sum3A_14 = vector.multi_reduction <add>, %mul3A_13, %reduce_sum3A [0] : vector<2000x64xf32> to vector<64xf32>
    %broadcast_in_dim3A = vector.shape_cast %reduce_sum3A_14 : vector<64xf32> to vector<1x64xf32>
    %add3A = arith.addf %get3A_12, %broadcast_in_dim3A : vector<1x64xf32>
    %swap3A = arith.constant 0 : index
    %swap3A_15 = arith.constant 0 : index
    %swap3A_16 = vector.load %arg3[%swap3A, %swap3A_15] : memref<1x64xf32, #tpu.memory_space<vmem>>, vector<1x64xf32>
    tpu.vector_store %arg3[%swap3A, %swap3A_15], %add3A {strides = array<i32>} : memref<1x64xf32, #tpu.memory_space<vmem>>, vector<1x64xf32>,
    return
  }
  func.func @transform_0(%arg0: i32) -> (i32, i32) {
    %c0_i32 = arith.constant 0 : i32
    %c0_i32_0 = arith.constant 0 : i32
    return %arg0, %c0_i32 : i32, i32
  }
  func.func @transform_1(%arg0: i32) -> (i32, i32) {
    %c0_i32 = arith.constant 0 : i32
    %c0_i32_0 = arith.constant 0 : i32
    %c0_i32_1 = arith.constant 0 : i32
    return %c0_i32, %c0_i32_0 : i32, i32
  }
  func.func @transform_2(%arg0: i32) -> (i32, i32) {
    %c0_i32 = arith.constant 0 : i32
    %c0_i32_0 = arith.constant 0 : i32
    %c0_i32_1 = arith.constant 0 : i32
    return %c0_i32, %c0_i32_0 : i32, i32
  }
}

module attributes {stable_mosaic.version = 14 : i64} {
  func.func @_d2_body(%arg0: i32, %arg1: memref<2000x64xf32, #tpu.memory_space<vmem>>, %arg2: memref<1x64xf32, #tpu.memory_space<vmem>>, %arg3: memref<1x64xf32, #tpu.memory_space<vmem>>, %arg4: memref<1x64xf32, #tpu.memory_space<vmem>>, %arg5: memref<1x64xf32, #tpu.memory_space<vmem>>, %arg6: memref<64x32xf32, #tpu.memory_space<vmem>>, %arg7: memref<1x32xf32, #tpu.memory_space<vmem>>, %arg8: memref<32x1xf32, #tpu.memory_space<vmem>>, %arg9: memref<1x1xf32, #tpu.memory_space<vmem>>, %arg10: memref<2000x1xf32, #tpu.memory_space<vmem>>) attributes {dimension_semantics = [#tpu.dimension_semantics<arbitrary>], iteration_bounds = array<i64: 25>, scalar_prefetch = 0 : i64, scratch_operands = 0 : i64, tpu.core_type = #tpu.core_type<tc>, window_params = [{transform_indices = @transform_0, window_bounds = array<i64: 2000, 64>}, {pipeline_mode = #tpu.pipeline_mode<synchronous>, transform_indices = @transform_1, window_bounds = array<i64: 1, 64>}, {pipeline_mode = #tpu.pipeline_mode<synchronous>, transform_indices = @transform_2, window_bounds = array<i64: 1, 64>}, {pipeline_mode = #tpu.pipeline_mode<synchronous>, transform_indices = @transform_3, window_bounds = array<i64: 1, 64>}, {pipeline_mode = #tpu.pipeline_mode<synchronous>, transform_indices = @transform_4, window_bounds = array<i64: 1, 64>}, {pipeline_mode = #tpu.pipeline_mode<synchronous>, transform_indices = @transform_5, window_bounds = array<i64: 64, 32>}, {pipeline_mode = #tpu.pipeline_mode<synchronous>, transform_indices = @transform_6, window_bounds = array<i64: 1, 32>}, {pipeline_mode = #tpu.pipeline_mode<synchronous>, transform_indices = @transform_7, window_bounds = array<i64: 32, 1>}, {pipeline_mode = #tpu.pipeline_mode<synchronous>, transform_indices = @transform_8, window_bounds = array<i64: 1, 1>}, {transform_indices = @transform_9, window_bounds = array<i64: 2000, 1>}]} {
    %get3A = arith.constant 0 : index
    %get3A_0 = arith.constant 0 : index
    %get3A_1 = vector.load %arg2[%get3A, %get3A_0] : memref<1x64xf32, #tpu.memory_space<vmem>>, vector<1x64xf32>
    %mul3A = arith.constant 2.000000e-05 : f32
    %mul3A_2 = vector.broadcast %mul3A : f32 to vector<1x64xf32>
    %mul3A_3 = arith.mulf %get3A_1, %mul3A_2 : vector<1x64xf32>
    %get3A_4 = arith.constant 0 : index
    %get3A_5 = arith.constant 0 : index
    %get3A_6 = vector.load %arg3[%get3A_4, %get3A_5] : memref<1x64xf32, #tpu.memory_space<vmem>>, vector<1x64xf32>
    %mul3A_7 = arith.constant 2.000000e-05 : f32
    %mul3A_8 = vector.broadcast %mul3A_7 : f32 to vector<1x64xf32>
    %mul3A_9 = arith.mulf %get3A_6, %mul3A_8 : vector<1x64xf32>
    %add3A = arith.constant 9.99999974E-6 : f32
    %add3A_10 = vector.broadcast %add3A : f32 to vector<1x64xf32>
    %add3A_11 = arith.addf %mul3A_9, %add3A_10 : vector<1x64xf32>
    %rsqrt3A = math.rsqrt %add3A_11 : vector<1x64xf32>
    %get3A_12 = arith.constant 0 : index
    %get3A_13 = arith.constant 0 : index
    %get3A_14 = vector.load %arg1[%get3A_12, %get3A_13] : memref<2000x64xf32, #tpu.memory_space<vmem>>, vector<2000x64xf32>
    %sub3A = vector.broadcast %mul3A_3 : vector<1x64xf32> to vector<2000x64xf32>
    %sub3A_15 = arith.subf %get3A_14, %sub3A : vector<2000x64xf32>
    %get3A_16 = arith.constant 0 : index
    %get3A_17 = arith.constant 0 : index
    %get3A_18 = vector.load %arg4[%get3A_16, %get3A_17] : memref<1x64xf32, #tpu.memory_space<vmem>>, vector<1x64xf32>
    %mul3A_19 = arith.mulf %rsqrt3A, %get3A_18 : vector<1x64xf32>
    %mul3A_20 = vector.broadcast %mul3A_19 : vector<1x64xf32> to vector<2000x64xf32>
    %mul3A_21 = arith.mulf %sub3A_15, %mul3A_20 : vector<2000x64xf32>
    %get3A_22 = arith.constant 0 : index
    %get3A_23 = arith.constant 0 : index
    %get3A_24 = vector.load %arg5[%get3A_22, %get3A_23] : memref<1x64xf32, #tpu.memory_space<vmem>>, vector<1x64xf32>
    %add3A_25 = vector.broadcast %get3A_24 : vector<1x64xf32> to vector<2000x64xf32>
    %add3A_26 = arith.addf %mul3A_21, %add3A_25 : vector<2000x64xf32>
    %max3A = arith.constant 0.000000e+00 : f32
    %max3A_27 = vector.broadcast %max3A : f32 to vector<2000x64xf32>
    %max3A_28 = arith.maximumf %add3A_26, %max3A_27 : vector<2000x64xf32>
    %get3A_29 = arith.constant 0 : index
    %get3A_30 = arith.constant 0 : index
    %get3A_31 = vector.load %arg6[%get3A_29, %get3A_30] : memref<64x32xf32, #tpu.memory_space<vmem>>, vector<64x32xf32>
    %dot_general3A = arith.constant dense<0.000000e+00> : vector<2000x32xf32>
    %dot_general3A_32 = tpu.matmul %max3A_28, %get3A_31, %dot_general3A {dimension_numbers = #tpu.dot_dimension_numbers<[1], [0], [0], [1], [0, 0, 1, 1], [], []>, transpose_lhs_hint = false} : vector<2000x64xf32>, vector<64x32xf32>, vector<2000x32xf32> -> vector<2000x32xf32>
    %get3A_33 = arith.constant 0 : index
    %get3A_34 = arith.constant 0 : index
    %get3A_35 = vector.load %arg7[%get3A_33, %get3A_34] : memref<1x32xf32, #tpu.memory_space<vmem>>, vector<1x32xf32>
    %add3A_36 = vector.broadcast %get3A_35 : vector<1x32xf32> to vector<2000x32xf32>
    %add3A_37 = arith.addf %dot_general3A_32, %add3A_36 : vector<2000x32xf32>
    %logistic3A = arith.negf %add3A_37 : vector<2000x32xf32>
    %logistic3A_38 = math.exp %logistic3A : vector<2000x32xf32>
    %logistic3A_39 = arith.constant 1.000000e+00 : f32
    %logistic3A_40 = vector.broadcast %logistic3A_39 : f32 to vector<2000x32xf32>
    %logistic3A_41 = arith.addf %logistic3A_40, %logistic3A_38 : vector<2000x32xf32>
    %logistic3A_42 = arith.divf %logistic3A_40, %logistic3A_41 : vector<2000x32xf32>
    %get3A_43 = arith.constant 0 : index
    %get3A_44 = arith.constant 0 : index
    %get3A_45 = vector.load %arg8[%get3A_43, %get3A_44] : memref<32x1xf32, #tpu.memory_space<vmem>>, vector<32x1xf32>
    %dot_general3A_46 = arith.constant dense<0.000000e+00> : vector<2000x1xf32>
    %dot_general3A_47 = tpu.matmul %logistic3A_42, %get3A_45, %dot_general3A_46 {dimension_numbers = #tpu.dot_dimension_numbers<[1], [0], [0], [1], [0, 0, 1, 1], [], []>, transpose_lhs_hint = false} : vector<2000x32xf32>, vector<32x1xf32>, vector<2000x1xf32> -> vector<2000x1xf32>
    %get3A_48 = arith.constant 0 : index
    %get3A_49 = arith.constant 0 : index
    %get3A_50 = vector.load %arg9[%get3A_48, %get3A_49] : memref<1x1xf32, #tpu.memory_space<vmem>>, vector<1x1xf32>
    %add3A_51 = vector.broadcast %get3A_50 : vector<1x1xf32> to vector<2000x1xf32>
    %add3A_52 = arith.addf %dot_general3A_47, %add3A_51 : vector<2000x1xf32>
    %swap3A = arith.constant 0 : index
    %swap3A_53 = arith.constant 0 : index
    %swap3A_54 = vector.load %arg10[%swap3A, %swap3A_53] : memref<2000x1xf32, #tpu.memory_space<vmem>>, vector<2000x1xf32>
    tpu.vector_store %arg10[%swap3A, %swap3A_53], %add3A_52 {strides = array<i32>} : memref<2000x1xf32, #tpu.memory_space<vmem>>, vector<2000x1xf32>,
    return
  }
  func.func @transform_0(%arg0: i32) -> (i32, i32) {
    %c0_i32 = arith.constant 0 : i32
    %c0_i32_0 = arith.constant 0 : i32
    return %arg0, %c0_i32 : i32, i32
  }
  func.func @transform_1(%arg0: i32) -> (i32, i32) {
    %c0_i32 = arith.constant 0 : i32
    %c0_i32_0 = arith.constant 0 : i32
    %c0_i32_1 = arith.constant 0 : i32
    return %c0_i32, %c0_i32_0 : i32, i32
  }
  func.func @transform_2(%arg0: i32) -> (i32, i32) {
    %c0_i32 = arith.constant 0 : i32
    %c0_i32_0 = arith.constant 0 : i32
    %c0_i32_1 = arith.constant 0 : i32
    return %c0_i32, %c0_i32_0 : i32, i32
  }
  func.func @transform_3(%arg0: i32) -> (i32, i32) {
    %c0_i32 = arith.constant 0 : i32
    %c0_i32_0 = arith.constant 0 : i32
    %c0_i32_1 = arith.constant 0 : i32
    return %c0_i32, %c0_i32_0 : i32, i32
  }
  func.func @transform_4(%arg0: i32) -> (i32, i32) {
    %c0_i32 = arith.constant 0 : i32
    %c0_i32_0 = arith.constant 0 : i32
    %c0_i32_1 = arith.constant 0 : i32
    return %c0_i32, %c0_i32_0 : i32, i32
  }
  func.func @transform_5(%arg0: i32) -> (i32, i32) {
    %c0_i32 = arith.constant 0 : i32
    %c0_i32_0 = arith.constant 0 : i32
    %c0_i32_1 = arith.constant 0 : i32
    return %c0_i32, %c0_i32_0 : i32, i32
  }
  func.func @transform_6(%arg0: i32) -> (i32, i32) {
    %c0_i32 = arith.constant 0 : i32
    %c0_i32_0 = arith.constant 0 : i32
    %c0_i32_1 = arith.constant 0 : i32
    return %c0_i32, %c0_i32_0 : i32, i32
  }
  func.func @transform_7(%arg0: i32) -> (i32, i32) {
    %c0_i32 = arith.constant 0 : i32
    %c0_i32_0 = arith.constant 0 : i32
    %c0_i32_1 = arith.constant 0 : i32
    return %c0_i32, %c0_i32_0 : i32, i32
  }
  func.func @transform_8(%arg0: i32) -> (i32, i32) {
    %c0_i32 = arith.constant 0 : i32
    %c0_i32_0 = arith.constant 0 : i32
    %c0_i32_1 = arith.constant 0 : i32
    return %c0_i32, %c0_i32_0 : i32, i32
  }
  func.func @transform_9(%arg0: i32) -> (i32, i32) {
    %c0_i32 = arith.constant 0 : i32
    %c0_i32_0 = arith.constant 0 : i32
    return %arg0, %c0_i32 : i32, i32
  }
}

</mosaic_0001>

<sc_bundles>
// kernel: kernel.11.cloned.1.call-start
scs
__scs_entry_jumppad:
0x0: {  	(pc) =	sbr.rel $0x88, $3  }
0x1: {  	(tag) =	ssettag $0x0;
	lr =	simm.s32 $0x1  }
0x2: {  	[smem:$0x3F92] =	sst lr;
	_ =	strace $0xD0000000  }
0x3: {  	_ = 	snop  }
0x4: {  	_ = 	snop  }
0x5: {  	_ = 	snop  }
0x6: {  	_ = 	snop  }
0x7: {  	_ = 	snop  }
__scs_overlays_trampoline_lowered:
0x8: {  	[smem:$0x3FA1] =	sst s0  }
0x9: {  	[smem:$0x3FA2] =	sst s1  }
0xa: {  	[smem:$0x3FA3] =	sst s2  }
0xb: {  	[smem:$0x3FA4] =	sst s3  }
0xc: {  	[smem:$0x3FA5] =	sst s4  }
0xd: {  	[smem:$0x3FA6] =	sst s5  }
0xe: {  	[smem:$0x3FA7] =	sst s6  }
0xf: {  	[smem:$0x3FA8] =	sst s7  }
0x10: {  	[smem:$0x3FA9] =	sst s8  }
0x11: {  	[smem:$0x3FAA] =	sst s9;
	s0 =	simm.s32 @!p0 $0x0  }
0x12: {  	s1 =	sld [smem:$0x3F90];
	s0 =	simm.s32 @p0 $0x1  }
0x13: {  	[smem:$0x3FAB] =	sst s0;
	s0 =	simm.s32 @!p1 $0x0  }
0x14: {  	s2 =	sld [smem:$0x3F8F];
	s0 =	simm.s32 @p1 $0x1  }
0x15: {  	[smem:$0x3FAC] =	sst s0;
	s0 =	simm.s32 @!p2 $0x0  }
0x16: {  	s3 =	sld [smem:$0x3FDB];
	s0 =	simm.s32 @p2 $0x1  }
0x17: {  	s4 =	simm.s32 $0x1BF5;
	[smem:$0x3FAE] =	sst s0  }
0x18: {  	s0 =	sld [smem:$0x3F91];
	_ =	swait.ge [sflag:s4], $0x0  }
0x19: {  	s7 =	sld [smem:$0x3F92]  }
0x1a: {  	s8 =	sadd.s32 $0xFFFFE003, lr  }
0x1b: {  	s9 =	sadd.s32 $0xFFFFFEF7, lr;
	s5 =	simm.s32 $0xFFFFFFFF;
	p2 =	slt.u32 s8, $0xFFFFF086  }
0x1c: {  	p1 =	slt.u32 s9, $0xF7A;
	s5 =	simm.s32 @!p2 $0x0  }
0x1d: {  	s5 =	simm.s32 @p1 $0x1;
	p0 =	seq.s32 s7, s2  }
0x1e: {  	s7 =	smul.u32 @!p0 $0xF7A, s2;
	p2 =	seq.s32 @!p0 s5, $0x0  }
0x1f: {  	s9 =	smul.u32 $0xF7A, s1;
	s8 =	simm.s32 @!p0 $0x1BF5;
	p2 =	por !p2, p0  }
0x20: {  	[sflag:s8] =	ssyncset.s32 @!p0 $0xFFFFF086;
	s6 =	sadd.s32 @!p0 s3, s7;
	s7 =	simm.s32 @!p0 $0x108  }
0x21: {  	s3 =	sadd.s32 s3, s9;
	s6 =	sadd.s32 @!p0 $0x88, s6;
	s7 =	simm.s32 @p2 $0x1082  }
0x22: {  	[simem:s7], [sflag:s8] =	dma.local @!p0 [hbm:s6], $0xF7A  }
0x23: {  	s9 =	sor.u32 $0xD0000000, s2;
	s6 =	simm.s32 $0x108;
	_ =	swait.ge @!p0 [sflag:s8], $0x0  }
0x24: {  	s3 =	sadd.s32 $0x88, s3;
	s6 =	simm.s32 @!p1 $0x1082;
	[sflag:s4] =	ssyncset.s32 $0xFFFFF086  }
0x25: {  	[simem:s6], [sflag:s4] =	dma.local [hbm:s3], $0xF7A  }
0x26: {  	[smem:$0x3F92] =	sst s1;
	(tag) =	ssettag s2;
	_ =	strace s9  }
0x27: {  	s1 =	sld [smem:$0x3FA2]  }
0x28: {  	s2 =	sld [smem:$0x3FA3]  }
0x29: {  	s4 =	sld [smem:$0x3FA5]  }
0x2a: {  	p0 =	seq.s32 s5, $0x0;
	s5 =	sld [smem:$0x3FA6]  }
0x2b: {  	s6 =	sld [smem:$0x3FA7]  }
0x2c: {  	s7 =	sld [smem:$0x3FA8]  }
0x2d: {  	s3 =	simm.s32 $0x108;
	s8 =	sld [smem:$0x3FA9]  }
0x2e: {  	s3 =	simm.s32 @!p0 $0x1082;
	s9 =	sld [smem:$0x3FAA]  }
0x2f: {  	lr =	sadd.s32 s0, s3;
	s0 =	sld [smem:$0x3FA1]  }
0x30: {  	s3 =	sld [smem:$0x3FA4]  }
0x31: {  	[smem:$0x3FAD] =	sst s10  }
0x32: {  	s10 =	sld [smem:$0x3FAB];
	_ =	sdelay $0x3  }
0x33: {  	p0 =	seq.s32 s10, $0x1;
	s10 =	sld [smem:$0x3FAD];
	_ =	sdelay $0x3  }
0x34: {  	[smem:$0x3FAD] =	sst s10  }
0x35: {  	s10 =	sld [smem:$0x3FAC];
	_ =	sdelay $0x3  }
0x36: {  	p1 =	seq.s32 s10, $0x1;
	s10 =	sld [smem:$0x3FAD];
	_ =	sdelay $0x3  }
0x37: {  	[smem:$0x3FAD] =	sst s10  }
0x38: {  	s10 =	sld [smem:$0x3FAE]  }
0x39: {  	_ = 	snop;
	(pc) =	sbr.ind lr, $3  }
0x3a: {  	_ = 	snop  }
0x3b: {  	_ = 	snop  }
0x3c: {  	p2 =	seq.s32 s10, $0x1;
	s10 =	sld [smem:$0x3FAD]  }
0x3d: {  	_ =	shalt  }
0x3e: {  	_ =	shalt  }
0x3f: {  	_ =	shalt  }
0x40: {  	_ =	shalt  }
0x41: {  	_ =	shalt  }
0x42: {  	_ =	shalt  }
0x43: {  	_ =	shalt  }
0x44: {  	_ =	shalt  }
0x45: {  	_ =	shalt  }
0x46: {  	_ =	shalt  }
0x47: {  	_ =	shalt  }
0x48: {  	_ =	shalt  }
0x49: {  	_ =	shalt  }
0x4a: {  	_ =	shalt  }
0x4b: {  	_ =	shalt  }
0x4c: {  	_ =	shalt  }
0x4d: {  	_ =	shalt  }
0x4e: {  	_ =	shalt  }
0x4f: {  	_ =	shalt  }
0x50: {  	_ =	shalt  }
0x51: {  	_ =	shalt  }
0x52: {  	_ =	shalt  }
0x53: {  	_ =	shalt  }
0x54: {  	_ =	shalt  }
0x55: {  	_ =	shalt  }
0x56: {  	_ =	shalt  }
0x57: {  	_ =	shalt  }
0x58: {  	_ =	shalt  }
0x59: {  	_ =	shalt  }
0x5a: {  	_ =	shalt  }
0x5b: {  	_ =	shalt  }
0x5c: {  	_ =	shalt  }
0x5d: {  	_ =	shalt  }
0x5e: {  	_ =	shalt  }
0x5f: {  	_ =	shalt  }
0x60: {  	_ =	shalt  }
0x61: {  	_ =	shalt  }
0x62: {  	_ =	shalt  }
0x63: {  	_ =	shalt  }
0x64: {  	_ =	shalt  }
0x65: {  	_ =	shalt  }
0x66: {  	_ =	shalt  }
0x67: {  	_ =	shalt  }
0x68: {  	_ =	shalt  }
0x69: {  	_ =	shalt  }
0x6a: {  	_ =	shalt  }
0x6b: {  	_ =	shalt  }
0x6c: {  	_ =	shalt  }
0x6d: {  	_ =	shalt  }
0x6e: {  	_ =	shalt  }
0x6f: {  	_ =	shalt  }
0x70: {  	_ =	shalt  }
0x71: {  	_ =	shalt  }
0x72: {  	_ =	shalt  }
0x73: {  	_ =	shalt  }
0x74: {  	_ =	shalt  }
0x75: {  	_ =	shalt  }
0x76: {  	_ =	shalt  }
0x77: {  	_ =	shalt  }
0x78: {  	_ =	shalt  }
0x79: {  	_ =	shalt  }
0x7a: {  	_ =	shalt  }
0x7b: {  	_ =	shalt  }
0x7c: {  	_ =	shalt  }
0x7d: {  	_ =	shalt  }
0x7e: {  	_ =	shalt  }
0x7f: {  	_ =	shalt  }
0x80: {  	_ =	shalt  }
0x81: {  	_ =	shalt  }
0x82: {  	_ =	shalt  }
0x83: {  	_ =	shalt  }
0x84: {  	_ =	shalt  }
0x85: {  	_ =	shalt  }
0x86: {  	_ =	shalt  }
0x87: {  	_ =	shalt  }
.Lfunc_end0:
.L_simem_size_0:
called_computation.1_lowered:
.L_overlay_start_0:
0x88: {  	s2 =	sld [smem:$0x3FD9]  }
0x89: {  	s3 =	sld [smem:$0x3FFE];
	_ =	sdelay $0x1  }
0x8a: {  	s1 =	srdreg.scid  }
0x8b: {  	s0 =	sand.u32 $0x1, s1  }
0x8c: {  	s16 =	sshll.u32 s0, $0xA;
	s2 =	sadd.s32 s3, s2  }
0x8d: {  	s2 =	sadd.s32 s2, s16  }
0x8e: {  	[smem:$0x3FB9] =	sst s2  }
0x8f: {  	_ = 	snop  }
0x90: {  	(tm) =	ssettm $0x1  }
0x91: {  	s17 =	sld [smem:$0x3FFB];
	_ =	sdelay $0x3  }
0x92: {  	_ =	strace s17  }
0x93: {  	s2 =	sld [smem:$0x3FFC];
	_ =	sdelay $0x3  }
0x94: {  	_ =	strace s2  }
0x95: {  	s2 =	sld [smem:$0x3FFD];
	_ =	sdelay $0x3  }
0x96: {  	_ =	strace s2  }
0x97: {  	_ =	strace $0x8FFFFFFF  }
0x98: {  	s18 =	sld [smem:$0x3FDB];
	_ =	sdelay $0x1  }
0x99: {  	s19 =	simm.s32 $_scs_section_size  }
0x9a: {  	s4 =	simm.s32 $_size__tile_overlayer_lowered;
	s5 =	simm.s32 $_tile_overlayer_lowered  }
0x9b: {  	s22 =	simm.s32 $0x1BFF;
	s21 =	sshll.u32 s5, $0x1;
	s2 =	sadd.s32 s19, s18  }
0x9c: {  	s6 =	simm.s32 $0x0;
	s20 =	sshll.u32 s4, $0x1;
	s4 =	sadd.s32 s21, s2  }
0x9d: {  	[timem:s6], [sflag:s22] =	dma.local [hbm:s4], s20  }
0x9e: {  	_ =	swait.ge [sflag:s22], s20  }
0x9f: {  	s3 =	ssub.s32 $0x0, s20;
	[sflag:s22] =	ssyncset.done $0x0  }
0xa0: {  	[sflag:s22] =	ssyncadd.s32 s3;
	_ =	sdelay $0x1  }
0xa1: {  	s23 =	simm.s32 $0x1B8B  }
0xa2: {  	_ =	swait.ge [sflag:s23], $0x1  }
0xa3: {  	[sflag:s23] =	ssyncset.done $0x0  }
0xa4: {  	s25 =	simm.s32 $0x1B8E;
	s24 =	sld [smem:$0x3FFE];
	[sflag:s23] =	ssyncadd.s32 $0xFFFFFFFF  }
0xa5: {  	s26 =	simm.s32 $execute0_lowered;
	[smem:$0x3FD2] =	sst s25  }
0xa6: {  	s4 =	sshll.u32 s26, $0x1;
	_ =	strace $0x80000049;
	[dreg:$0x1] =	wrdreg $0xFFFFFFFF  }
0xa7: {  	s28 =	simm.s32 $_size_execute0_lowered;
	s2 =	sadd.s32 s2, s4;
	[dreg:$0x0] =	wrdreg $0x0  }
0xa8: {  	s4 =	sshll.u32 s28, $0x1;
	[dreg:$0x2] =	wrdreg s2  }
0xa9: {  	[dreg:$0x3] =	wrdreg s4  }
0xaa: {  	[dreg:$0x4] =	wrdreg $0xC0  }
0xab: {  	_ =	task [dreg:s6], $0x5FFFF  }
0xac: {  	[dreg:$0x1] =	wrdreg $0xFFFFFFFF  }
0xad: {  	[dreg:$0x0] =	wrdreg $0x60  }
0xae: {  	[dreg:$0x2] =	wrdreg s24  }
0xaf: {  	[dreg:$0x3] =	wrdreg $0x0  }
0xb0: {  	[dreg:$0x4] =	wrdreg $0x9  }
0xb1: {  	_ =	task.clear_ibuf [dreg:s6], $0x5FFFF;
	_ =	strace $0x90000049  }
0xb2: {  	s29 =	simm.s32 $0x9;
	_ =	strace $0x8000004B  }
0xb3: {  	_ =	swait.ge [sflag:s29], $0x1  }
0xb4: {  	[sflag:s29] =	ssyncadd.s32 $0xFFFFFFFF  }
0xb5: {  	_ =	strace $0x9000004B  }
0xb6: {  	_ =	sfence  }
0xb7: {  	s30 =	sld [smem:$0x0];
	_ =	sdelay $0x2  }
0xb8: {  	s31 =	sshll.u32 s1, $0xD;
	s1 =	sshrl.u32 s1, $0x2  }
0xb9: {  	s3 =	sand.u32 $0x4000, s31;
	s1 =	sadd.s32 s1, s30  }
0xba: {  	s0 =	sor.u32 s3, s0;
	s1 =	sshll.u32 s1, $0x11  }
0xbb: {  	s0 =	sor.u32 s1, s0  }
0xbc: {  	s0 =	sadd.s32 $0x8F2B, s0  }
0xbd: {  	[sflag:s0] =	ssyncadd.remote.s32 $0x1  }
0xbe: {  	_ =	sfence.sel $0xFFFF  }
0xbf: {  	[dreg:$0x0] =	wrdreg $0xFFFFFFFF;
	(pc) =	sbr.abs _section_cstart, $3  }
0xc0: {  	[dreg:$0x1] =	wrdreg $0xFFFFFFFF  }
0xc1: {  	_ =	task.clear_ibuf [dreg:s6], $0x2FFFF;
	_ =	strace $0x9FFFFFFF  }
0xc2: {  	(tm) =	ssettm $0x7FFFFFFF  }
0xc3: {  	_ =	shalt  }
tec
execute0_lowered:
.L_overlay_start_1:
0x0: {  	(tag) =	ssettag $0x1  }
0x1: {  	s5 =	rddreg [dreg:$0x0]  }
0x2: {  	s1 =	rddreg [dreg:$0x1]  }
0x3: {  	s2 =	srdreg.scid;
	s0 =	rddreg [dreg:$0x2];
	s3 =	simm.s32 $0x0  }
0x4: {  	s14 =	simm.s32 $0x1C740;
	s15 =	simm.s32 $0x196C0;
	s6 =	sand.u32 $0x1, s2  }
0x5: {  	s16 =	simm.s32 $0x1C7C0;
	s2 =	stileid.u32;
	s4 =	smul.u32 $0x310000, s6  }
0x6: {  	s17 =	simm.s32 $0x1A6C0;
	s18 =	simm.s32 $0x1C840;
	s7 =	smul.u32 $0x1880, s2  }
0x7: {  	s19 =	simm.s32 $0x1B6C0;
	[smem:$0x7FF] =	sst s3;
	s9 =	smul.u32 $0x30D80, s6  }
0x8: {  	s20 =	simm.s32 $0x1;
	_ =	strace $0x8000004A;
	s10 =	smul.u32 $0x186C0, s2  }
0x9: {  	s6 =	ssub.s32 $0x2, s6;
	s11 =	sshll.u32 s2, $0x6;
	s13 =	smul.u32 $0x31000, s2  }
0xa: {  	s30 =	sshrl.u32 s6, $0x1;
	s8 =	sadd.s32 s4, s5;
	s7 =	sadd.s32 s7, s5  }
0xb: {  	s4 =	sadd.s32 $0x2A00, s5;
	s9 =	sadd.s32 s9, s5;
	s6 =	ssub.s32 s6, s30  }
0xc: {  	s12 =	sadd.s32 s10, s1;
	s5 =	sor.u32 $0x1C02, s11;
	s22 =	sshrl.u32 s10, $0x3  }
0xd: {  	s11 =	simm.s32 $0x186C0;
	s31 =	sadd.s32 $0x399600, s8;
	s21 =	sadd.s32 $0x70E00, s9  }
0xe: {  	s6 =	smax.u32 s6, $0x1;
	s7 =	sadd.s32 $0x380E00, s7;
	s8 =	sshrl.u32 s12, $0x3  }
0xf: {  	s9 =	simm.s32 $0x2;
	s12 =	simm.s32 $0x1C6C0;
	s10 =	sadd.s32 s31, s13  }
0x10: {  	s13 =	simm.s32 $0x80;
	s21 =	sadd.s32 s22, s21;
	s22 =	simm.s32 $0x0  }
.LBB2_1:
0x11: {  	[spmem:s8], [sflag:s5] =	dma.local [hbm:s4], $0x30D8  }
0x12: {  	_ =	swait.ge [sflag:s9], $0x30D8  }
0x13: {  	[sflag:s9] =	ssyncset.done $0x0  }
0x14: {  	[sflag:s9] =	ssyncadd.s32 $0xFFFFCF28  }
0x15: {  	[bflag:$0x0] =	sbarrier.arrive $0xFFFF  }
0x16: {  	[tilespmem:s11], [sflag:$0x2] =	stream.linear.gather [hbm4b:s10+s3], $0x4000, $0x38;
	[tilespmem:$0x1C8C0] =	vst v63  }
0x17: {  	_ =	swait.ge [sflag:s9], $0x4000  }
0x18: {  	[sflag:s9] =	ssyncset.done $0x0  }
0x19: {  	s23 =	sadd.s32 $0x0, s7;
	[sflag:s9] =	ssyncadd.s32 $0xFFFFC000  }
0x1a: {  	[tilespmem:s12], [sflag:$0x2] =	stream.linear.gather [hbm4b:s23+s3], $0x200, $0x38;
	[tilespmem:$0x1C8C0] =	vst v63  }
0x1b: {  	_ =	swait.ge [sflag:s9], $0x200  }
0x1c: {  	[sflag:s9] =	ssyncset.done $0x0  }
0x1d: {  	[sflag:s9] =	ssyncadd.s32 $0xFFFFFE00  }
0x1e: {  	[spmem:s1] =	stream.indirect.scatter.add.f32 [tilespmem:s11], [sflag:$0x1], $0x20, s12, s13, $0xb8;
	[tilespmem:$0x1C8C0] =	vst v63  }
0x1f: {  	_ = 	snop  }
0x20: {  	[spmem:s1] =	stream.indirect.scatter.add.f32 [tilespmem:s15], [sflag:$0x1], $0x20, s14, s13, $0xb8;
	[tilespmem:$0x1C8C0] =	vst v63  }
0x21: {  	_ = 	snop  }
0x22: {  	[spmem:s1] =	stream.indirect.scatter.add.f32 [tilespmem:s17], [sflag:$0x1], $0x20, s16, s13, $0xb8;
	[tilespmem:$0x1C8C0] =	vst v63  }
0x23: {  	_ = 	snop  }
0x24: {  	[spmem:s1] =	stream.indirect.scatter.add.f32 [tilespmem:s19], [sflag:$0x1], $0x20, s18, s13, $0xb8;
	[tilespmem:$0x1C8C0] =	vst v63  }
0x25: {  	_ =	swait.ge [sflag:s20], $0x1000  }
0x26: {  	[sflag:s20] =	ssyncset.done $0x0  }
0x27: {  	[sflag:s20] =	ssyncadd.s32 $0xFFFFF000  }
0x28: {  	_ =	swait.ge [sflag:s20], $0x1000  }
0x29: {  	[sflag:s20] =	ssyncset.done $0x0  }
0x2a: {  	[sflag:s20] =	ssyncadd.s32 $0xFFFFF000  }
0x2b: {  	_ =	swait.ge [sflag:s20], $0x1000  }
0x2c: {  	[sflag:s20] =	ssyncset.done $0x0  }
0x2d: {  	[sflag:s20] =	ssyncadd.s32 $0xFFFFF000  }
0x2e: {  	_ =	swait.ge [sflag:s20], $0x1000  }
0x2f: {  	s24 =	smov.u32 s10;
	s23 =	simm.s32 $0x40;
	[sflag:s20] =	ssyncset.done $0x0  }
.LBB2_2:
0x30: {  	p0 =	sne.s32 s23, $0x1840;
	[sflag:s20] =	ssyncadd.s32 $0xFFFFF000;
	s24 =	sadd.s32 $0x800, s24  }
0x31: {  	[tilespmem:s11], [sflag:$0x2] =	stream.linear.gather [hbm4b:s24+s3], $0x4000, $0x38;
	[tilespmem:$0x1C8C0] =	vst v63  }
0x32: {  	s25 =	smov.u32 s23;
	s23 =	sadd.s32 $0x40, s23;
	_ =	swait.ge [sflag:s9], $0x4000  }
0x33: {  	[sflag:s9] =	ssyncset.done $0x0  }
0x34: {  	s25 =	sadd.s32 s25, s7;
	[sflag:s9] =	ssyncadd.s32 $0xFFFFC000  }
0x35: {  	[tilespmem:s12], [sflag:$0x2] =	stream.linear.gather [hbm4b:s25+s3], $0x200, $0x38;
	[tilespmem:$0x1C8C0] =	vst v63  }
0x36: {  	_ =	swait.ge [sflag:s9], $0x200  }
0x37: {  	[sflag:s9] =	ssyncset.done $0x0  }
0x38: {  	[sflag:s9] =	ssyncadd.s32 $0xFFFFFE00  }
0x39: {  	[spmem:s1] =	stream.indirect.scatter.add.f32 [tilespmem:s11], [sflag:$0x1], $0x20, s12, s13, $0xb8;
	[tilespmem:$0x1C8C0] =	vst v63  }
0x3a: {  	_ = 	snop  }
0x3b: {  	[spmem:s1] =	stream.indirect.scatter.add.f32 [tilespmem:s15], [sflag:$0x1], $0x20, s14, s13, $0xb8;
	[tilespmem:$0x1C8C0] =	vst v63  }
0x3c: {  	_ = 	snop  }
0x3d: {  	[spmem:s1] =	stream.indirect.scatter.add.f32 [tilespmem:s17], [sflag:$0x1], $0x20, s16, s13, $0xb8;
	[tilespmem:$0x1C8C0] =	vst v63  }
0x3e: {  	_ = 	snop  }
0x3f: {  	[spmem:s1] =	stream.indirect.scatter.add.f32 [tilespmem:s19], [sflag:$0x1], $0x20, s18, s13, $0xb8;
	[tilespmem:$0x1C8C0] =	vst v63  }
0x40: {  	_ =	swait.ge [sflag:s20], $0x1000  }
0x41: {  	[sflag:s20] =	ssyncset.done $0x0  }
0x42: {  	[sflag:s20] =	ssyncadd.s32 $0xFFFFF000  }
0x43: {  	_ =	swait.ge [sflag:s20], $0x1000  }
0x44: {  	[sflag:s20] =	ssyncset.done $0x0  }
0x45: {  	[sflag:s20] =	ssyncadd.s32 $0xFFFFF000  }
.Ltmp0:
0x46: {  	_ =	swait.ge [sflag:s20], $0x1000;
	(pc) =	sbr.rel @p0 .LBB2_2-.Ltmp0, $4  }
0x47: {  	[sflag:s20] =	ssyncset.done $0x0  }
0x48: {  	[sflag:s20] =	ssyncadd.s32 $0xFFFFF000  }
0x49: {  	_ =	swait.ge [sflag:s20], $0x1000  }
0x4a: {  	[sflag:s20] =	ssyncset.done $0x0  }
0x4b: {  	s22 =	sadd.s32 $0x1, s22  }
0x4c: {  	[sflag:s20] =	ssyncadd.s32 $0xFFFFF000;
	p0 =	sne.s32 s22, s6  }
.Ltmp1:
0x4d: {  	[bflag:$0x0] =	sbarrier.arrive $0xFFFF;
	(pc) =	sbr.rel @p0 .LBB2_1-.Ltmp1, $4  }
0x4e: {  	[hbm:s21], [sflag:s5] =	dma.local [spmem:s8], $0x30D8  }
0x4f: {  	_ =	swait.ge [sflag:s9], $0x30D8  }
0x50: {  	[sflag:s9] =	ssyncset.done $0x0  }
0x51: {  	[sflag:s9] =	ssyncadd.s32 $0xFFFFCF28  }
0x52: {  	_ =	sfence.sel $0x180000  }
0x53: {  	[bflag:$0x0] =	sbarrier.arrive $0xFFFF  }
0x54: {  	p0 =	sne.s32 s2, $0x0;
	_ =	strace $0x9000004A  }
0x55: {  	s0 =	sadd.s32 @!p0 $0x100000, s0;
	[bflag:$0x2] =	sbarrier.arrive $0xFFFF  }
0x56: {  	[sflag:s0] =	ssyncadd.tile.s32 @!p0 $0x1;
	_ =	shalt  }
.Lfunc_end2:
_tile_overlayer_lowered:
.L_overlay_start_2:
0x57: {  	(tag) =	ssettag $0x2  }
0x58: {  	s0 =	rddreg [dreg:$0x0];
	s2 =	stileid.u32  }
0x59: {  	s1 =	rddreg [dreg:$0x1];
	p0 =	sne.s32 s2, $0x0  }
0x5a: {  	s3 =	rddreg [dreg:$0x2];
	[bflag:$0x3] =	sbarrier.arrive $0xFFFF;
	s2 =	simm.s32 @!p0 $0x1C02  }
0x5b: {  	[timem:s3], [sflag:s2] =	dma.local @!p0 [hbm:s0], s1  }
0x5c: {  	s0 =	simm.s32 @!p0 $0x2  }
0x5d: {  	_ =	swait.ge @!p0 [sflag:s0], s1  }
0x5e: {  	s1 =	ssub.s32 @!p0 $0x0, s1;
	[sflag:s0] =	ssyncset.done @!p0 $0x0  }
0x5f: {  	[sflag:s0] =	ssyncadd.s32 @!p0 s1  }
0x60: {  	[bflag:$0x3] =	sbarrier.arrive $0xFFFF  }
0x61: {  	_ =	shalt  }

// kernel: kernel.8.cloned.1.call-start
scs
__scs_entry_jumppad:
0x0: {  	(pc) =	sbr.rel $0x88, $3  }
0x1: {  	(tag) =	ssettag $0x0;
	lr =	simm.s32 $0x1  }
0x2: {  	[smem:$0x3F92] =	sst lr;
	_ =	strace $0xD0000000  }
0x3: {  	_ = 	snop  }
0x4: {  	_ = 	snop  }
0x5: {  	_ = 	snop  }
0x6: {  	_ = 	snop  }
0x7: {  	_ = 	snop  }
__scs_overlays_trampoline_lowered:
0x8: {  	[smem:$0x3FA1] =	sst s0  }
0x9: {  	[smem:$0x3FA2] =	sst s1  }
0xa: {  	[smem:$0x3FA3] =	sst s2  }
0xb: {  	[smem:$0x3FA4] =	sst s3  }
0xc: {  	[smem:$0x3FA5] =	sst s4  }
0xd: {  	[smem:$0x3FA6] =	sst s5  }
0xe: {  	[smem:$0x3FA7] =	sst s6  }
0xf: {  	[smem:$0x3FA8] =	sst s7  }
0x10: {  	[smem:$0x3FA9] =	sst s8  }
0x11: {  	[smem:$0x3FAA] =	sst s9;
	s0 =	simm.s32 @!p0 $0x0  }
0x12: {  	s1 =	sld [smem:$0x3F90];
	s0 =	simm.s32 @p0 $0x1  }
0x13: {  	[smem:$0x3FAB] =	sst s0;
	s0 =	simm.s32 @!p1 $0x0  }
0x14: {  	s2 =	sld [smem:$0x3F8F];
	s0 =	simm.s32 @p1 $0x1  }
0x15: {  	[smem:$0x3FAC] =	sst s0;
	s0 =	simm.s32 @!p2 $0x0  }
0x16: {  	s3 =	sld [smem:$0x3FDB];
	s0 =	simm.s32 @p2 $0x1  }
0x17: {  	s4 =	simm.s32 $0x1BF5;
	[smem:$0x3FAE] =	sst s0  }
0x18: {  	s0 =	sld [smem:$0x3F91];
	_ =	swait.ge [sflag:s4], $0x0  }
0x19: {  	s7 =	sld [smem:$0x3F92]  }
0x1a: {  	s8 =	sadd.s32 $0xFFFFE003, lr  }
0x1b: {  	s9 =	sadd.s32 $0xFFFFFEF7, lr;
	s5 =	simm.s32 $0xFFFFFFFF;
	p2 =	slt.u32 s8, $0xFFFFF086  }
0x1c: {  	p1 =	slt.u32 s9, $0xF7A;
	s5 =	simm.s32 @!p2 $0x0  }
0x1d: {  	s5 =	simm.s32 @p1 $0x1;
	p0 =	seq.s32 s7, s2  }
0x1e: {  	s7 =	smul.u32 @!p0 $0xF7A, s2;
	p2 =	seq.s32 @!p0 s5, $0x0  }
0x1f: {  	s9 =	smul.u32 $0xF7A, s1;
	s8 =	simm.s32 @!p0 $0x1BF5;
	p2 =	por !p2, p0  }
0x20: {  	[sflag:s8] =	ssyncset.s32 @!p0 $0xFFFFF086;
	s6 =	sadd.s32 @!p0 s3, s7;
	s7 =	simm.s32 @!p0 $0x108  }
0x21: {  	s3 =	sadd.s32 s3, s9;
	s6 =	sadd.s32 @!p0 $0x88, s6;
	s7 =	simm.s32 @p2 $0x1082  }
0x22: {  	[simem:s7], [sflag:s8] =	dma.local @!p0 [hbm:s6], $0xF7A  }
0x23: {  	s9 =	sor.u32 $0xD0000000, s2;
	s6 =	simm.s32 $0x108;
	_ =	swait.ge @!p0 [sflag:s8], $0x0  }
0x24: {  	s3 =	sadd.s32 $0x88, s3;
	s6 =	simm.s32 @!p1 $0x1082;
	[sflag:s4] =	ssyncset.s32 $0xFFFFF086  }
0x25: {  	[simem:s6], [sflag:s4] =	dma.local [hbm:s3], $0xF7A  }
0x26: {  	[smem:$0x3F92] =	sst s1;
	(tag) =	ssettag s2;
	_ =	strace s9  }
0x27: {  	s1 =	sld [smem:$0x3FA2]  }
0x28: {  	s2 =	sld [smem:$0x3FA3]  }
0x29: {  	s4 =	sld [smem:$0x3FA5]  }
0x2a: {  	p0 =	seq.s32 s5, $0x0;
	s5 =	sld [smem:$0x3FA6]  }
0x2b: {  	s6 =	sld [smem:$0x3FA7]  }
0x2c: {  	s7 =	sld [smem:$0x3FA8]  }
0x2d: {  	s3 =	simm.s32 $0x108;
	s8 =	sld [smem:$0x3FA9]  }
0x2e: {  	s3 =	simm.s32 @!p0 $0x1082;
	s9 =	sld [smem:$0x3FAA]  }
0x2f: {  	lr =	sadd.s32 s0, s3;
	s0 =	sld [smem:$0x3FA1]  }
0x30: {  	s3 =	sld [smem:$0x3FA4]  }
0x31: {  	[smem:$0x3FAD] =	sst s10  }
0x32: {  	s10 =	sld [smem:$0x3FAB];
	_ =	sdelay $0x3  }
0x33: {  	p0 =	seq.s32 s10, $0x1;
	s10 =	sld [smem:$0x3FAD];
	_ =	sdelay $0x3  }
0x34: {  	[smem:$0x3FAD] =	sst s10  }
0x35: {  	s10 =	sld [smem:$0x3FAC];
	_ =	sdelay $0x3  }
0x36: {  	p1 =	seq.s32 s10, $0x1;
	s10 =	sld [smem:$0x3FAD];
	_ =	sdelay $0x3  }
0x37: {  	[smem:$0x3FAD] =	sst s10  }
0x38: {  	s10 =	sld [smem:$0x3FAE]  }
0x39: {  	_ = 	snop;
	(pc) =	sbr.ind lr, $3  }
0x3a: {  	_ = 	snop  }
0x3b: {  	_ = 	snop  }
0x3c: {  	p2 =	seq.s32 s10, $0x1;
	s10 =	sld [smem:$0x3FAD]  }
0x3d: {  	_ =	shalt  }
0x3e: {  	_ =	shalt  }
0x3f: {  	_ =	shalt  }
0x40: {  	_ =	shalt  }
0x41: {  	_ =	shalt  }
0x42: {  	_ =	shalt  }
0x43: {  	_ =	shalt  }
0x44: {  	_ =	shalt  }
0x45: {  	_ =	shalt  }
0x46: {  	_ =	shalt  }
0x47: {  	_ =	shalt  }
0x48: {  	_ =	shalt  }
0x49: {  	_ =	shalt  }
0x4a: {  	_ =	shalt  }
0x4b: {  	_ =	shalt  }
0x4c: {  	_ =	shalt  }
0x4d: {  	_ =	shalt  }
0x4e: {  	_ =	shalt  }
0x4f: {  	_ =	shalt  }
0x50: {  	_ =	shalt  }
0x51: {  	_ =	shalt  }
0x52: {  	_ =	shalt  }
0x53: {  	_ =	shalt  }
0x54: {  	_ =	shalt  }
0x55: {  	_ =	shalt  }
0x56: {  	_ =	shalt  }
0x57: {  	_ =	shalt  }
0x58: {  	_ =	shalt  }
0x59: {  	_ =	shalt  }
0x5a: {  	_ =	shalt  }
0x5b: {  	_ =	shalt  }
0x5c: {  	_ =	shalt  }
0x5d: {  	_ =	shalt  }
0x5e: {  	_ =	shalt  }
0x5f: {  	_ =	shalt  }
0x60: {  	_ =	shalt  }
0x61: {  	_ =	shalt  }
0x62: {  	_ =	shalt  }
0x63: {  	_ =	shalt  }
0x64: {  	_ =	shalt  }
0x65: {  	_ =	shalt  }
0x66: {  	_ =	shalt  }
0x67: {  	_ =	shalt  }
0x68: {  	_ =	shalt  }
0x69: {  	_ =	shalt  }
0x6a: {  	_ =	shalt  }
0x6b: {  	_ =	shalt  }
0x6c: {  	_ =	shalt  }
0x6d: {  	_ =	shalt  }
0x6e: {  	_ =	shalt  }
0x6f: {  	_ =	shalt  }
0x70: {  	_ =	shalt  }
0x71: {  	_ =	shalt  }
0x72: {  	_ =	shalt  }
0x73: {  	_ =	shalt  }
0x74: {  	_ =	shalt  }
0x75: {  	_ =	shalt  }
0x76: {  	_ =	shalt  }
0x77: {  	_ =	shalt  }
0x78: {  	_ =	shalt  }
0x79: {  	_ =	shalt  }
0x7a: {  	_ =	shalt  }
0x7b: {  	_ =	shalt  }
0x7c: {  	_ =	shalt  }
0x7d: {  	_ =	shalt  }
0x7e: {  	_ =	shalt  }
0x7f: {  	_ =	shalt  }
0x80: {  	_ =	shalt  }
0x81: {  	_ =	shalt  }
0x82: {  	_ =	shalt  }
0x83: {  	_ =	shalt  }
0x84: {  	_ =	shalt  }
0x85: {  	_ =	shalt  }
0x86: {  	_ =	shalt  }
0x87: {  	_ =	shalt  }
.Lfunc_end0:
.L_simem_size_0:
called_computation_lowered:
.L_overlay_start_0:
0x88: {  	s2 =	sld [smem:$0x3FD9]  }
0x89: {  	s3 =	sld [smem:$0x3FFE];
	_ =	sdelay $0x1  }
0x8a: {  	s1 =	srdreg.scid  }
0x8b: {  	s0 =	sand.u32 $0x1, s1  }
0x8c: {  	s17 =	sshll.u32 s0, $0xA;
	s2 =	sadd.s32 s3, s2  }
0x8d: {  	s2 =	sadd.s32 s2, s17  }
0x8e: {  	[smem:$0x3FB9] =	sst s2  }
0x8f: {  	_ = 	snop  }
0x90: {  	s2 =	sld [smem:$0x3FD0];
	(tm) =	ssettm $0x1  }
0x91: {  	s18 =	sld [smem:$0x3FFB];
	_ =	sdelay $0x3  }
0x92: {  	_ =	strace s18  }
0x93: {  	s3 =	sld [smem:$0x3FFC];
	_ =	sdelay $0x3  }
0x94: {  	_ =	strace s3  }
0x95: {  	s3 =	sld [smem:$0x3FFD];
	_ =	sdelay $0x3  }
0x96: {  	_ =	strace s3  }
0x97: {  	_ =	strace $0x8FFFFFFF  }
0x98: {  	s19 =	sld [smem:$0x3FDB];
	_ =	sdelay $0x1  }
0x99: {  	s4 =	simm.s32 $_scs_section_size  }
0x9a: {  	s5 =	simm.s32 $_size__tile_overlayer_lowered;
	s6 =	simm.s32 $_tile_overlayer_lowered  }
0x9b: {  	s22 =	simm.s32 $0x1BFF;
	s21 =	sshll.u32 s6, $0x1;
	s3 =	sadd.s32 s4, s19  }
0x9c: {  	s7 =	simm.s32 $0x0;
	s20 =	sshll.u32 s5, $0x1;
	s5 =	sadd.s32 s21, s3  }
0x9d: {  	[timem:s7], [sflag:s22] =	dma.local [hbm:s5], s20  }
0x9e: {  	_ =	swait.ge [sflag:s22], s20  }
0x9f: {  	s4 =	ssub.s32 $0x0, s20;
	[sflag:s22] =	ssyncset.done $0x0  }
0xa0: {  	[sflag:s22] =	ssyncadd.s32 s4;
	_ =	sdelay $0x1  }
0xa1: {  	s23 =	simm.s32 $0x1B8B  }
0xa2: {  	_ =	swait.ge [sflag:s23], $0x1  }
0xa3: {  	[sflag:s23] =	ssyncset.done $0x0  }
0xa4: {  	s25 =	simm.s32 $0x1B8E;
	s24 =	sld [smem:$0x3FFE];
	[sflag:s23] =	ssyncadd.s32 $0xFFFFFFFF  }
0xa5: {  	s26 =	simm.s32 $execute0_lowered;
	[smem:$0x3FD2] =	sst s25  }
0xa6: {  	s5 =	sshll.u32 s26, $0x1;
	_ =	strace $0x80000046;
	[dreg:$0x1] =	wrdreg $0xFFFFFFFF  }
0xa7: {  	s28 =	simm.s32 $_size_execute0_lowered;
	s3 =	sadd.s32 s3, s5;
	[dreg:$0x0] =	wrdreg $0x0  }
0xa8: {  	s5 =	sshll.u32 s28, $0x1;
	[dreg:$0x2] =	wrdreg s3  }
0xa9: {  	[dreg:$0x3] =	wrdreg s5  }
0xaa: {  	[dreg:$0x4] =	wrdreg $0xC0  }
0xab: {  	_ =	task [dreg:s7], $0x5FFFF  }
0xac: {  	[dreg:$0x1] =	wrdreg $0xFFFFFFFF  }
0xad: {  	[dreg:$0x0] =	wrdreg $0x60  }
0xae: {  	[dreg:$0x2] =	wrdreg s24  }
0xaf: {  	[dreg:$0x3] =	wrdreg s2  }
0xb0: {  	[dreg:$0x4] =	wrdreg $0x0  }
0xb1: {  	[dreg:$0x5] =	wrdreg $0x9  }
0xb2: {  	_ =	task.clear_ibuf [dreg:s7], $0x6FFFF;
	_ =	strace $0x90000046  }
0xb3: {  	s29 =	simm.s32 $0x9;
	_ =	strace $0x80000048  }
0xb4: {  	_ =	swait.ge [sflag:s29], $0x1  }
0xb5: {  	[sflag:s29] =	ssyncadd.s32 $0xFFFFFFFF  }
0xb6: {  	_ =	strace $0x90000048  }
0xb7: {  	_ =	sfence  }
0xb8: {  	s30 =	sld [smem:$0x0];
	_ =	sdelay $0x2  }
0xb9: {  	s31 =	sshll.u32 s1, $0xD;
	s1 =	sshrl.u32 s1, $0x2  }
0xba: {  	s3 =	sand.u32 $0x4000, s31;
	s1 =	sadd.s32 s1, s30  }
0xbb: {  	s0 =	sor.u32 s3, s0;
	s1 =	sshll.u32 s1, $0x11  }
0xbc: {  	s0 =	sor.u32 s1, s0  }
0xbd: {  	s0 =	sadd.s32 $0x8F2B, s0  }
0xbe: {  	[sflag:s0] =	ssyncadd.remote.s32 $0x1  }
0xbf: {  	_ =	sfence.sel $0xFFFF  }
0xc0: {  	[dreg:$0x0] =	wrdreg $0xFFFFFFFF;
	(pc) =	sbr.abs _section_cstart, $3  }
0xc1: {  	[dreg:$0x1] =	wrdreg $0xFFFFFFFF  }
0xc2: {  	_ =	task.clear_ibuf [dreg:s7], $0x2FFFF;
	_ =	strace $0x9FFFFFFF  }
0xc3: {  	(tm) =	ssettm $0x7FFFFFFF  }
tec
execute0_lowered:
.L_overlay_start_1:
0x0: {  	(tag) =	ssettag $0x1  }
0x1: {  	s0 =	rddreg [dreg:$0x0];
	s9 =	stileid.u32  }
0x2: {  	s1 =	srdreg.scid;
	s3 =	rddreg [dreg:$0x2]  }
0x3: {  	s4 =	simm.s32 $0x0;
	s15 =	simm.s32 $0x6230;
	s17 =	simm.s32 $0x62B0  }
0x4: {  	s18 =	simm.s32 $0x6330;
	s20 =	simm.s32 $0x63B0;
	[smem:$0x7FF] =	sst s4  }
0x5: {  	s22 =	simm.s32 $0x6430;
	_ =	strace $0x80000047;
	[dreg:$0x7] =	wrdreg s15  }
0x6: {  	s23 =	simm.s32 $0x64B0;
	s25 =	simm.s32 $0x6530;
	[dreg:$0x8] =	wrdreg s17  }
0x7: {  	s26 =	simm.s32 $0x65B0;
	s10 =	simm.s32 $0x6630;
	[dreg:$0x9] =	wrdreg s18  }
0x8: {  	s11 =	simm.s32 $0x66B0;
	s12 =	simm.s32 $0x6730;
	[dreg:$0xa] =	wrdreg s20  }
0x9: {  	s28 =	simm.s32 $0xA3B0;
	s29 =	simm.s32 $0x1;
	[dreg:$0xb] =	wrdreg s22  }
0xa: {  	s30 =	simm.s32 $0x6EB0;
	s2 =	smul.u32 $0x1880, s9;
	[dreg:$0xc] =	wrdreg s23  }
0xb: {  	s1 =	sand.u32 $0x1, s1;
	s16 =	smul.u32 $0x61B0, s9;
	[dreg:$0xd] =	wrdreg s25  }
0xc: {  	s31 =	simm.s32 $0x6F30;
	s5 =	smul.u32 $0xC40, s1;
	[dreg:$0xe] =	wrdreg s26  }
0xd: {  	s21 =	sshll.u32 s9, $0x6;
	s6 =	smul.u32 $0xC360, s1;
	[dreg:$0xf] =	wrdreg s10  }
0xe: {  	v0 =	vlaneseq.u32;
	s1 =	ssub.s32 $0x2, s1;
	s24 =	sor.u32 $0x1C03, s21;
	[dreg:$0x10] =	wrdreg s11  }
0xf: {  	v0 =	vmul.u32 $0x8, v0;
	s10 =	simm.s32 $0x61B0;
	[dreg:$0x11] =	wrdreg s12;
	s11 =	simm.s32 $0x68B0  }
0x10: {  	s12 =	simm.s32 $0x80;
	s15 =	simm.s32 $0x6930;
	s17 =	simm.s32 $0x6A30  }
0x11: {  	s18 =	simm.s32 $0x6AB0;
	s20 =	simm.s32 $0x6BB0;
	v2 =	vor.u32 $0x80, v0;
	v3 =	vor.u32 $0x100, v0;
	v4 =	vor.u32 $0x180, v0;
	[dreg:$0x14] =	wrdreg s15  }
0x12: {  	s21 =	simm.s32 $0x6C30;
	s22 =	simm.s32 $0x6CB0;
	v5 =	vor.u32 $0x200, v0;
	v6 =	vor.u32 $0x280, v0;
	v7 =	vor.u32 $0x300, v0;
	[dreg:$0x16] =	wrdreg s17  }
0x13: {  	s23 =	simm.s32 $0x6D30;
	s25 =	simm.s32 $0x6DB0;
	v8 =	vor.u32 $0x380, v0;
	v9 =	vor.u32 $0x400, v0;
	v10 =	vor.u32 $0x480, v0;
	[dreg:$0x17] =	wrdreg s18  }
0x14: {  	s26 =	simm.s32 $0x6E30;
	s2 =	sadd.s32 s2, s0;
	v11 =	vor.u32 $0x500, v0;
	v12 =	vor.u32 $0x580, v0;
	v13 =	vor.u32 $0x600, v0;
	[dreg:$0x19] =	wrdreg s20  }
0x15: {  	s14 =	sshrl.u32 s1, $0x1;
	s19 =	sadd.s32 s16, s3;
	v14 =	vor.u32 $0x680, v0;
	v15 =	vor.u32 $0x700, v0;
	v16 =	vor.u32 $0x780, v0;
	[dreg:$0x1a] =	wrdreg s21  }
0x16: {  	v17 =	vor.u32 $0x800, v0;
	v18 =	vor.u32 $0x880, v0;
	v19 =	vor.u32 $0x900, v0;
	s15 =	simm.s32 $0x77B0;
	s17 =	simm.s32 $0x7FB0;
	[dreg:$0x1b] =	wrdreg s22  }
0x17: {  	v20 =	vor.u32 $0x980, v0;
	v21 =	vor.u32 $0xA00, v0;
	v22 =	vor.u32 $0xA80, v0;
	s18 =	simm.s32 $0x83B0;
	s20 =	simm.s32 $0x8BB0;
	[dreg:$0x1c] =	wrdreg s23  }
0x18: {  	v23 =	vor.u32 $0xB00, v0;
	v24 =	vor.u32 $0xB80, v0;
	v25 =	vor.u32 $0xC00, v0;
	s21 =	simm.s32 $0x8FB0;
	s22 =	simm.s32 $0x93B0;
	[dreg:$0x1d] =	wrdreg s25  }
0x19: {  	v26 =	vor.u32 $0xC80, v0;
	v27 =	vor.u32 $0xD00, v0;
	v28 =	vor.u32 $0xD80, v0;
	[dreg:$0x1e] =	wrdreg s26;
	s23 =	simm.s32 $0x97B0;
	s25 =	simm.s32 $0x9BB0  }
0x1a: {  	v29 =	vor.u32 $0xE00, v0;
	v30 =	vor.u32 $0xE80, v0;
	v31 =	vor.u32 $0xF00, v0;
	s26 =	simm.s32 $0x9FB0;
	[smem:$0x7FD] =	sst s24;
	s2 =	sadd.s32 s5, s2  }
0x1b: {  	v32 =	vor.u32 $0xF80, v0;
	v33 =	vor.u32 $0x1000, v0;
	v34 =	vor.u32 $0x1080, v0;
	s5 =	sadd.s32 $0x2A00, s0;
	s8 =	ssub.s32 s1, s14;
	s14 =	simm.s32 $0x6830  }
0x1c: {  	v35 =	vor.u32 $0x1100, v0;
	v36 =	vor.u32 $0x1180, v0;
	v37 =	vor.u32 $0x1200, v0;
	s1 =	sshrl.u32 s16, $0x3;
	s16 =	simm.s32 $0x69B0;
	[dreg:$0x13] =	wrdreg s14  }
0x1d: {  	v38 =	vor.u32 $0x1280, v0;
	v39 =	vor.u32 $0x1300, v0;
	v40 =	vor.u32 $0x1380, v0;
	s0 =	sadd.s32 s6, s0;
	s7 =	sadd.s32 $0x3FE00, s2;
	[dreg:$0x15] =	wrdreg s16  }
0x1e: {  	v41 =	vor.u32 $0x1400, v0;
	v42 =	vor.u32 $0x1480, v0;
	v43 =	vor.u32 $0x1500, v0;
	s13 =	sadd.s32 $0xEE00, s2;
	s2 =	sadd.s32 $0x27600, s2;
	[dreg:$0x4] =	wrdreg s7  }
0x1f: {  	v44 =	vor.u32 $0x1580, v0;
	v45 =	vor.u32 $0x1600, v0;
	v46 =	vor.u32 $0x1680, v0;
	s0 =	sadd.s32 $0x58600, s0;
	s9 =	smax.u32 s8, $0x1;
	[dreg:$0x5] =	wrdreg s13  }
0x20: {  	v47 =	vor.u32 $0x1700, v0;
	v48 =	vor.u32 $0x1780, v0;
	v49 =	vor.u32 $0x1800, v0;
	s14 =	simm.s32 $0x73B0;
	s16 =	simm.s32 $0x7BB0;
	[dreg:$0x6] =	wrdreg s2  }
0x21: {  	v50 =	vor.u32 $0x1880, v0;
	v51 =	vor.u32 $0x1900, v0;
	v52 =	vor.u32 $0x1980, v0;
	[dreg:$0x1f] =	wrdreg s9;
	s2 =	sshrl.u32 s19, $0x3;
	s9 =	simm.s32 $0x3  }
0x22: {  	v53 =	vor.u32 $0x1A00, v0;
	v54 =	vor.u32 $0x1A80, v0;
	v55 =	vor.u32 $0x1B00, v0;
	s13 =	simm.s32 $0x67B0;
	s19 =	simm.s32 $0x6B30;
	s0 =	sadd.s32 s1, s0  }
0x23: {  	v56 =	vor.u32 $0x1B80, v0;
	v57 =	vor.u32 $0x1C00, v0;
	v1 =	vor.u32 $0x1F80, v0;
	s1 =	simm.s32 $0xA7B0;
	s7 =	smov.u32 s2;
	[dreg:$0x12] =	wrdreg s13  }
0x24: {  	v58 =	vor.u32 $0x1C80, v0;
	v59 =	vor.u32 $0x1D00, v0;
	v63 =	vor.u32 $0x1F00, v0;
	[tilespmem:$0x1FFE0] =	vst v1;
	s13 =	simm.s32 $0x6FB0;
	[dreg:$0x18] =	wrdreg s19;
	s19 =	simm.s32 $0x87B0  }
0x25: {  	v60 =	vor.u32 $0x1D80, v0;
	v61 =	vor.u32 $0x1E00, v0;
	v62 =	vor.u32 $0x1E80, v0;
	[tilespmem:$0x1FFF0] =	vst v63;
	[smem:$0x7FC] =	sst s0;
	s0 =	simm.s32 $0x2;
	s2 =	simm.s32 $0x0  }
.LBB2_1:
0x26: {  	s6 =	rddreg [dreg:$0x1]  }
0x27: {  	[spmem:s7], [sflag:s24] =	dma.local [hbm:s6], $0xC36  }
0x28: {  	_ =	swait.ge [sflag:s9], $0xC36  }
0x29: {  	[sflag:s9] =	ssyncset.done $0x0  }
0x2a: {  	[sflag:s9] =	ssyncadd.s32 $0xFFFFF3CA  }
0x2b: {  	s8 =	smov.u32 s7;
	s7 =	simm.s32 $0x0;
	[bflag:$0x0] =	sbarrier.arrive $0xFFFF  }
.LBB2_2:
0x2c: {  	s24 =	rddreg [dreg:$0x5]  }
0x2d: {  	s24 =	sadd.s32 s7, s24  }
0x2e: {  	[tilespmem:s10], [sflag:$0x3] =	stream.linear.gather [hbm4b:s24+s4], $0x700, $0x38;
	[tilespmem:$0xAEB0] =	vst v63  }
0x2f: {  	_ =	swait.ge [sflag:s9], $0x700  }
0x30: {  	s6 =	rddreg [dreg:$0x6];
	[sflag:s9] =	ssyncset.done $0x0  }
0x31: {  	[sflag:s9] =	ssyncadd.s32 $0xFFFFF900;
	s24 =	sadd.s32 s7, s6  }
0x32: {  	[tilespmem:s11], [sflag:$0x3] =	stream.linear.gather [hbm4b:s24+s4], $0x700, $0x38;
	[tilespmem:$0xAEB0] =	vst v63  }
0x33: {  	_ =	swait.ge [sflag:s9], $0x700  }
0x34: {  	[sflag:s9] =	ssyncset.done $0x0  }
0x35: {  	[sflag:s9] =	ssyncadd.s32 $0xFFFFF900  }
0x36: {  	[tilespmem:s13], [sflag:$0x1] =	stream.indirect.gather [hbm4b:s5+s12], $0x8, s10, s12, $0xb8;
	[tilespmem:$0xAEB0] =	vst v63  }
0x37: {  	s24 =	rddreg [dreg:$0x7]  }
0x38: {  	[tilespmem:s14], [sflag:$0x1] =	stream.indirect.gather [hbm4b:s5+s12], $0x8, s24, s12, $0xb8;
	[tilespmem:$0xAEB0] =	vst v63  }
0x39: {  	s6 =	rddreg [dreg:$0x8]  }
0x3a: {  	[tilespmem:s15], [sflag:$0x1] =	stream.indirect.gather [hbm4b:s5+s12], $0x8, s6, s12, $0xb8;
	[tilespmem:$0xAEB0] =	vst v63  }
0x3b: {  	s24 =	rddreg [dreg:$0x9]  }
0x3c: {  	[tilespmem:s16], [sflag:$0x1] =	stream.indirect.gather [hbm4b:s5+s12], $0x8, s24, s12, $0xb8;
	[tilespmem:$0xAEB0] =	vst v63  }
0x3d: {  	s6 =	rddreg [dreg:$0xa]  }
0x3e: {  	[tilespmem:s17], [sflag:$0x1] =	stream.indirect.gather [hbm4b:s5+s12], $0x8, s6, s12, $0xb8;
	[tilespmem:$0xAEB0] =	vst v63  }
0x3f: {  	s24 =	rddreg [dreg:$0xb]  }
0x40: {  	[tilespmem:s18], [sflag:$0x1] =	stream.indirect.gather [hbm4b:s5+s12], $0x8, s24, s12, $0xb8;
	[tilespmem:$0xAEB0] =	vst v63  }
0x41: {  	s6 =	rddreg [dreg:$0xc]  }
0x42: {  	[tilespmem:s19], [sflag:$0x1] =	stream.indirect.gather [hbm4b:s5+s12], $0x8, s6, s12, $0xb8;
	[tilespmem:$0xAEB0] =	vst v63  }
0x43: {  	s24 =	rddreg [dreg:$0xd]  }
0x44: {  	[tilespmem:s20], [sflag:$0x1] =	stream.indirect.gather [hbm4b:s5+s12], $0x8, s24, s12, $0xb8;
	[tilespmem:$0xAEB0] =	vst v63  }
0x45: {  	s6 =	rddreg [dreg:$0xe]  }
0x46: {  	[tilespmem:s21], [sflag:$0x1] =	stream.indirect.gather [hbm4b:s5+s12], $0x8, s6, s12, $0xb8;
	[tilespmem:$0xAEB0] =	vst v63  }
0x47: {  	s24 =	rddreg [dreg:$0xf]  }
0x48: {  	[tilespmem:s22], [sflag:$0x1] =	stream.indirect.gather [hbm4b:s5+s12], $0x8, s24, s12, $0xb8;
	[tilespmem:$0xAEB0] =	vst v63  }
0x49: {  	s6 =	rddreg [dreg:$0x10]  }
0x4a: {  	[tilespmem:s23], [sflag:$0x1] =	stream.indirect.gather [hbm4b:s5+s12], $0x8, s6, s12, $0xb8;
	[tilespmem:$0xAEB0] =	vst v63  }
0x4b: {  	s24 =	rddreg [dreg:$0x11]  }
0x4c: {  	[tilespmem:s25], [sflag:$0x1] =	stream.indirect.gather [hbm4b:s5+s12], $0x8, s24, s12, $0xb8;
	[tilespmem:$0xAEB0] =	vst v63  }
0x4d: {  	s6 =	rddreg [dreg:$0x12]  }
0x4e: {  	[tilespmem:s26], [sflag:$0x1] =	stream.indirect.gather [hbm4b:s5+s12], $0x8, s6, s12, $0xb8;
	[tilespmem:$0xAEB0] =	vst v63  }
0x4f: {  	s24 =	rddreg [dreg:$0x13]  }
0x50: {  	[tilespmem:s28], [sflag:$0x1] =	stream.indirect.gather [hbm4b:s5+s12], $0x8, s24, s12, $0xb8;
	[tilespmem:$0xAEB0] =	vst v63  }
0x51: {  	_ =	swait.ge [sflag:s29], $0x400  }
0x52: {  	[sflag:s29] =	ssyncset.done $0x0  }
0x53: {  	[sflag:s29] =	ssyncadd.s32 $0xFFFFFC00  }
0x54: {  	_ =	swait.ge [sflag:s29], $0x400  }
0x55: {  	[sflag:s29] =	ssyncset.done $0x0  }
0x56: {  	[sflag:s29] =	ssyncadd.s32 $0xFFFFFC00  }
0x57: {  	_ =	swait.ge [sflag:s29], $0x400  }
0x58: {  	[sflag:s29] =	ssyncset.done $0x0  }
0x59: {  	[sflag:s29] =	ssyncadd.s32 $0xFFFFFC00  }
0x5a: {  	_ =	swait.ge [sflag:s29], $0x400  }
0x5b: {  	[sflag:s29] =	ssyncset.done $0x0  }
0x5c: {  	[sflag:s29] =	ssyncadd.s32 $0xFFFFFC00  }
0x5d: {  	_ =	swait.ge [sflag:s29], $0x400  }
0x5e: {  	[sflag:s29] =	ssyncset.done $0x0  }
0x5f: {  	[sflag:s29] =	ssyncadd.s32 $0xFFFFFC00  }
0x60: {  	_ =	swait.ge [sflag:s29], $0x400  }
0x61: {  	[sflag:s29] =	ssyncset.done $0x0  }
0x62: {  	[sflag:s29] =	ssyncadd.s32 $0xFFFFFC00  }
0x63: {  	_ =	swait.ge [sflag:s29], $0x400  }
0x64: {  	[sflag:s29] =	ssyncset.done $0x0  }
0x65: {  	[sflag:s29] =	ssyncadd.s32 $0xFFFFFC00  }
0x66: {  	_ =	swait.ge [sflag:s29], $0x400  }
0x67: {  	[sflag:s29] =	ssyncset.done $0x0  }
0x68: {  	[sflag:s29] =	ssyncadd.s32 $0xFFFFFC00  }
0x69: {  	_ =	swait.ge [sflag:s29], $0x400  }
0x6a: {  	[sflag:s29] =	ssyncset.done $0x0  }
0x6b: {  	[sflag:s29] =	ssyncadd.s32 $0xFFFFFC00  }
0x6c: {  	_ =	swait.ge [sflag:s29], $0x400  }
0x6d: {  	[sflag:s29] =	ssyncset.done $0x0  }
0x6e: {  	[sflag:s29] =	ssyncadd.s32 $0xFFFFFC00  }
0x6f: {  	_ =	swait.ge [sflag:s29], $0x400  }
0x70: {  	[sflag:s29] =	ssyncset.done $0x0  }
0x71: {  	[sflag:s29] =	ssyncadd.s32 $0xFFFFFC00  }
0x72: {  	_ =	swait.ge [sflag:s29], $0x400  }
0x73: {  	[sflag:s29] =	ssyncset.done $0x0  }
0x74: {  	[sflag:s29] =	ssyncadd.s32 $0xFFFFFC00  }
0x75: {  	_ =	swait.ge [sflag:s29], $0x400  }
0x76: {  	[sflag:s29] =	ssyncset.done $0x0  }
0x77: {  	[sflag:s29] =	ssyncadd.s32 $0xFFFFFC00  }
0x78: {  	_ =	swait.ge [sflag:s29], $0x400  }
0x79: {  	[sflag:s29] =	ssyncset.done $0x0  }
0x7a: {  	[sflag:s29] =	ssyncadd.s32 $0xFFFFFC00  }
0x7b: {  	v1 =	vld.idx.msk [tilespmem:v0+s13+$0x0], $0xffff;
	_ =	sdelay $0x4  }
0x7c: {  	[tilespmem:$0xA7B0] =	vst v1  }
0x7d: {  	v1 =	vld.idx.msk [tilespmem:v2+s13+$0x0], $0xffff;
	_ =	sdelay $0x4  }
0x7e: {  	[tilespmem:$0xA7C0] =	vst v1  }
0x7f: {  	v1 =	vld.idx.msk [tilespmem:v3+s13+$0x0], $0xffff;
	_ =	sdelay $0x4  }
0x80: {  	[tilespmem:$0xA7D0] =	vst v1  }
0x81: {  	v1 =	vld.idx.msk [tilespmem:v4+s13+$0x0], $0xffff;
	_ =	sdelay $0x4  }
0x82: {  	[tilespmem:$0xA7E0] =	vst v1  }
0x83: {  	v1 =	vld.idx.msk [tilespmem:v5+s13+$0x0], $0xffff;
	_ =	sdelay $0x4  }
0x84: {  	[tilespmem:$0xA7F0] =	vst v1  }
0x85: {  	v1 =	vld.idx.msk [tilespmem:v6+s13+$0x0], $0xffff;
	_ =	sdelay $0x4  }
0x86: {  	[tilespmem:$0xA800] =	vst v1  }
0x87: {  	v1 =	vld.idx.msk [tilespmem:v7+s13+$0x0], $0xffff;
	_ =	sdelay $0x4  }
0x88: {  	[tilespmem:$0xA810] =	vst v1  }
0x89: {  	v1 =	vld.idx.msk [tilespmem:v8+s13+$0x0], $0xffff;
	_ =	sdelay $0x4  }
0x8a: {  	[tilespmem:$0xA820] =	vst v1  }
0x8b: {  	v1 =	vld.idx.msk [tilespmem:v9+s13+$0x0], $0xffff;
	_ =	sdelay $0x4  }
0x8c: {  	[tilespmem:$0xA830] =	vst v1  }
0x8d: {  	v1 =	vld.idx.msk [tilespmem:v10+s13+$0x0], $0xffff;
	_ =	sdelay $0x4  }
0x8e: {  	[tilespmem:$0xA840] =	vst v1  }
0x8f: {  	v1 =	vld.idx.msk [tilespmem:v11+s13+$0x0], $0xffff;
	_ =	sdelay $0x4  }
0x90: {  	[tilespmem:$0xA850] =	vst v1  }
0x91: {  	v1 =	vld.idx.msk [tilespmem:v12+s13+$0x0], $0xffff;
	_ =	sdelay $0x4  }
0x92: {  	[tilespmem:$0xA860] =	vst v1  }
0x93: {  	v1 =	vld.idx.msk [tilespmem:v13+s13+$0x0], $0xffff;
	_ =	sdelay $0x4  }
0x94: {  	[tilespmem:$0xA870] =	vst v1  }
0x95: {  	v1 =	vld.idx.msk [tilespmem:v14+s13+$0x0], $0xffff;
	_ =	sdelay $0x4  }
0x96: {  	[tilespmem:$0xA880] =	vst v1  }
0x97: {  	v1 =	vld.idx.msk [tilespmem:v15+s13+$0x0], $0xffff;
	_ =	sdelay $0x4  }
0x98: {  	[tilespmem:$0xA890] =	vst v1  }
0x99: {  	v1 =	vld.idx.msk [tilespmem:v16+s13+$0x0], $0xffff;
	_ =	sdelay $0x4  }
0x9a: {  	[tilespmem:$0xA8A0] =	vst v1  }
0x9b: {  	v1 =	vld.idx.msk [tilespmem:v17+s13+$0x0], $0xffff;
	_ =	sdelay $0x4  }
0x9c: {  	[tilespmem:$0xA8B0] =	vst v1  }
0x9d: {  	v1 =	vld.idx.msk [tilespmem:v18+s13+$0x0], $0xffff;
	_ =	sdelay $0x4  }
0x9e: {  	[tilespmem:$0xA8C0] =	vst v1  }
0x9f: {  	v1 =	vld.idx.msk [tilespmem:v19+s13+$0x0], $0xffff;
	_ =	sdelay $0x4  }
0xa0: {  	[tilespmem:$0xA8D0] =	vst v1  }
0xa1: {  	v1 =	vld.idx.msk [tilespmem:v20+s13+$0x0], $0xffff;
	_ =	sdelay $0x4  }
0xa2: {  	[tilespmem:$0xA8E0] =	vst v1  }
0xa3: {  	v1 =	vld.idx.msk [tilespmem:v21+s13+$0x0], $0xffff;
	_ =	sdelay $0x4  }
0xa4: {  	[tilespmem:$0xA8F0] =	vst v1  }
0xa5: {  	v1 =	vld.idx.msk [tilespmem:v22+s13+$0x0], $0xffff;
	_ =	sdelay $0x4  }
0xa6: {  	[tilespmem:$0xA900] =	vst v1  }
0xa7: {  	v1 =	vld.idx.msk [tilespmem:v23+s13+$0x0], $0xffff;
	_ =	sdelay $0x4  }
0xa8: {  	[tilespmem:$0xA910] =	vst v1  }
0xa9: {  	v1 =	vld.idx.msk [tilespmem:v24+s13+$0x0], $0xffff;
	_ =	sdelay $0x4  }
0xaa: {  	[tilespmem:$0xA920] =	vst v1  }
0xab: {  	v1 =	vld.idx.msk [tilespmem:v25+s13+$0x0], $0xffff;
	_ =	sdelay $0x4  }
0xac: {  	[tilespmem:$0xA930] =	vst v1  }
0xad: {  	v1 =	vld.idx.msk [tilespmem:v26+s13+$0x0], $0xffff;
	_ =	sdelay $0x4  }
0xae: {  	[tilespmem:$0xA940] =	vst v1  }
0xaf: {  	v1 =	vld.idx.msk [tilespmem:v27+s13+$0x0], $0xffff;
	_ =	sdelay $0x4  }
0xb0: {  	[tilespmem:$0xA950] =	vst v1  }
0xb1: {  	v1 =	vld.idx.msk [tilespmem:v28+s13+$0x0], $0xffff;
	_ =	sdelay $0x4  }
0xb2: {  	[tilespmem:$0xA960] =	vst v1  }
0xb3: {  	v1 =	vld.idx.msk [tilespmem:v29+s13+$0x0], $0xffff;
	_ =	sdelay $0x4  }
0xb4: {  	[tilespmem:$0xA970] =	vst v1  }
0xb5: {  	v1 =	vld.idx.msk [tilespmem:v30+s13+$0x0], $0xffff;
	_ =	sdelay $0x4  }
0xb6: {  	[tilespmem:$0xA980] =	vst v1  }
0xb7: {  	v1 =	vld.idx.msk [tilespmem:v31+s13+$0x0], $0xffff;
	_ =	sdelay $0x4  }
0xb8: {  	[tilespmem:$0xA990] =	vst v1  }
0xb9: {  	v1 =	vld.idx.msk [tilespmem:v32+s13+$0x0], $0xffff;
	_ =	sdelay $0x4  }
0xba: {  	[tilespmem:$0xA9A0] =	vst v1  }
0xbb: {  	v1 =	vld.idx.msk [tilespmem:v33+s13+$0x0], $0xffff;
	_ =	sdelay $0x4  }
0xbc: {  	[tilespmem:$0xA9B0] =	vst v1  }
0xbd: {  	v1 =	vld.idx.msk [tilespmem:v34+s13+$0x0], $0xffff;
	_ =	sdelay $0x4  }
0xbe: {  	[tilespmem:$0xA9C0] =	vst v1  }
0xbf: {  	v1 =	vld.idx.msk [tilespmem:v35+s13+$0x0], $0xffff;
	_ =	sdelay $0x4  }
0xc0: {  	[tilespmem:$0xA9D0] =	vst v1  }
0xc1: {  	v1 =	vld.idx.msk [tilespmem:v36+s13+$0x0], $0xffff;
	_ =	sdelay $0x4  }
0xc2: {  	[tilespmem:$0xA9E0] =	vst v1  }
0xc3: {  	v1 =	vld.idx.msk [tilespmem:v37+s13+$0x0], $0xffff;
	_ =	sdelay $0x4  }
0xc4: {  	[tilespmem:$0xA9F0] =	vst v1  }
0xc5: {  	v1 =	vld.idx.msk [tilespmem:v38+s13+$0x0], $0xffff;
	_ =	sdelay $0x4  }
0xc6: {  	[tilespmem:$0xAA00] =	vst v1  }
0xc7: {  	v1 =	vld.idx.msk [tilespmem:v39+s13+$0x0], $0xffff;
	_ =	sdelay $0x4  }
0xc8: {  	[tilespmem:$0xAA10] =	vst v1  }
0xc9: {  	v1 =	vld.idx.msk [tilespmem:v40+s13+$0x0], $0xffff;
	_ =	sdelay $0x4  }
0xca: {  	[tilespmem:$0xAA20] =	vst v1  }
0xcb: {  	v1 =	vld.idx.msk [tilespmem:v41+s13+$0x0], $0xffff;
	_ =	sdelay $0x4  }
0xcc: {  	[tilespmem:$0xAA30] =	vst v1  }
0xcd: {  	v1 =	vld.idx.msk [tilespmem:v42+s13+$0x0], $0xffff;
	_ =	sdelay $0x4  }
0xce: {  	[tilespmem:$0xAA40] =	vst v1  }
0xcf: {  	v1 =	vld.idx.msk [tilespmem:v43+s13+$0x0], $0xffff;
	_ =	sdelay $0x4  }
0xd0: {  	[tilespmem:$0xAA50] =	vst v1  }
0xd1: {  	v1 =	vld.idx.msk [tilespmem:v44+s13+$0x0], $0xffff;
	_ =	sdelay $0x4  }
0xd2: {  	[tilespmem:$0xAA60] =	vst v1  }
0xd3: {  	v1 =	vld.idx.msk [tilespmem:v45+s13+$0x0], $0xffff;
	_ =	sdelay $0x4  }
0xd4: {  	[tilespmem:$0xAA70] =	vst v1  }
0xd5: {  	v1 =	vld.idx.msk [tilespmem:v46+s13+$0x0], $0xffff;
	_ =	sdelay $0x4  }
0xd6: {  	[tilespmem:$0xAA80] =	vst v1  }
0xd7: {  	v1 =	vld.idx.msk [tilespmem:v47+s13+$0x0], $0xffff;
	_ =	sdelay $0x4  }
0xd8: {  	[tilespmem:$0xAA90] =	vst v1  }
0xd9: {  	v1 =	vld.idx.msk [tilespmem:v48+s13+$0x0], $0xffff;
	_ =	sdelay $0x4  }
0xda: {  	[tilespmem:$0xAAA0] =	vst v1  }
0xdb: {  	v1 =	vld.idx.msk [tilespmem:v49+s13+$0x0], $0xffff;
	_ =	sdelay $0x4  }
0xdc: {  	[tilespmem:$0xAAB0] =	vst v1  }
0xdd: {  	v1 =	vld.idx.msk [tilespmem:v50+s13+$0x0], $0xffff;
	_ =	sdelay $0x4  }
0xde: {  	[tilespmem:$0xAAC0] =	vst v1  }
0xdf: {  	v1 =	vld.idx.msk [tilespmem:v51+s13+$0x0], $0xffff;
	_ =	sdelay $0x4  }
0xe0: {  	[tilespmem:$0xAAD0] =	vst v1  }
0xe1: {  	v1 =	vld.idx.msk [tilespmem:v52+s13+$0x0], $0xffff;
	_ =	sdelay $0x4  }
0xe2: {  	[tilespmem:$0xAAE0] =	vst v1  }
0xe3: {  	v1 =	vld.idx.msk [tilespmem:v53+s13+$0x0], $0xffff;
	_ =	sdelay $0x4  }
0xe4: {  	[tilespmem:$0xAAF0] =	vst v1  }
0xe5: {  	v1 =	vld.idx.msk [tilespmem:v54+s13+$0x0], $0xffff;
	_ =	sdelay $0x4  }
0xe6: {  	[tilespmem:$0xAB00] =	vst v1  }
0xe7: {  	v1 =	vld.idx.msk [tilespmem:v55+s13+$0x0], $0xffff;
	_ =	sdelay $0x4  }
0xe8: {  	[tilespmem:$0xAB10] =	vst v1  }
0xe9: {  	v1 =	vld.idx.msk [tilespmem:v56+s13+$0x0], $0xffff;
	_ =	sdelay $0x4  }
0xea: {  	[tilespmem:$0xAB20] =	vst v1  }
0xeb: {  	v1 =	vld.idx.msk [tilespmem:v57+s13+$0x0], $0xffff;
	_ =	sdelay $0x4  }
0xec: {  	[tilespmem:$0xAB30] =	vst v1  }
0xed: {  	v1 =	vld.idx.msk [tilespmem:v58+s13+$0x0], $0xffff;
	_ =	sdelay $0x4  }
0xee: {  	[tilespmem:$0xAB40] =	vst v1  }
0xef: {  	v1 =	vld.idx.msk [tilespmem:v59+s13+$0x0], $0xffff;
	_ =	sdelay $0x4  }
0xf0: {  	[tilespmem:$0xAB50] =	vst v1  }
0xf1: {  	v1 =	vld.idx.msk [tilespmem:v60+s13+$0x0], $0xffff;
	_ =	sdelay $0x4  }
0xf2: {  	[tilespmem:$0xAB60] =	vst v1  }
0xf3: {  	v1 =	vld.idx.msk [tilespmem:v61+s13+$0x0], $0xffff;
	_ =	sdelay $0x4  }
0xf4: {  	[tilespmem:$0xAB70] =	vst v1  }
0xf5: {  	v1 =	vld.idx.msk [tilespmem:v62+s13+$0x0], $0xffff;
	_ =	sdelay $0x4  }
0xf6: {  	[tilespmem:$0xAB80] =	vst v1  }
0xf7: {  	v1 =	vld.idx.msk [tilespmem:v63+s13+$0x0], $0xffff;
	_ =	sdelay $0x1  }
0xf8: {  	v63 =	vmov v62;
	v62 =	vmov v61  }
0xf9: {  	v61 =	vmovc v60;
	v60 =	vmovc v59;
	v59 =	vmov v58;
	v58 =	vmov v57;
	v57 =	vmov v56  }
0xfa: {  	v56 =	vmovc v55;
	v55 =	vmovc v54;
	v54 =	vmov v53;
	v53 =	vmov v52;
	v52 =	vmov v51  }
0xfb: {  	v51 =	vmovc v50;
	v50 =	vmovc v49;
	v49 =	vmov v48;
	v48 =	vmov v47;
	v47 =	vmov v46;
	[tilespmem:$0xAB90] =	vst v1;
	v1 =	vld [tilespmem:$0x1FFE0]  }
0xfc: {  	v46 =	vmovc v45;
	v45 =	vmovc v44;
	v44 =	vmov v43;
	v43 =	vmov v42;
	v42 =	vmov v41  }
0xfd: {  	v41 =	vmovc v40;
	v40 =	vmovc v39;
	v39 =	vmov v38;
	v38 =	vmov v37;
	v37 =	vmov v36  }
0xfe: {  	v36 =	vmovc v35;
	v35 =	vmovc v34;
	v34 =	vmov v33;
	v33 =	vmov v32;
	v32 =	vmov v31  }
0xff: {  	v31 =	vmovc v30;
	v30 =	vmovc v29;
	v29 =	vmov v28;
	v28 =	vmov v27;
	v27 =	vmov v26  }
0x100: {  	v26 =	vmovc v25;
	v25 =	vmovc v24;
	v24 =	vmov v23;
	v23 =	vmov v22;
	v22 =	vmov v21  }
0x101: {  	v21 =	vmovc v20;
	v20 =	vmovc v19;
	v19 =	vmov v18;
	v18 =	vmov v17;
	v17 =	vmov v16  }
0x102: {  	v16 =	vmovc v15;
	v15 =	vmovc v14;
	v14 =	vmov v13;
	v13 =	vmov v12;
	v12 =	vmov v11  }
0x103: {  	v11 =	vmovc v10;
	v10 =	vmovc v9;
	v9 =	vmov v8;
	v8 =	vmov v7;
	v7 =	vmov v6;
	v1 =	vld.idx.msk [tilespmem:v1+s13+$0x0], $0xffff  }
0x104: {  	v6 =	vmovc v5;
	v5 =	vmovc v4;
	v4 =	vmov v3;
	v3 =	vmov v2;
	v2 =	vor.u32 $0x2000, v0;
	_ =	sdelay $0x3  }
0x105: {  	[tilespmem:$0xABA0] =	vst v1  }
0x106: {  	v1 =	vld.idx.msk [tilespmem:v2+s13+$0x0], $0xffff  }
0x107: {  	v2 =	vor.u32 $0x2080, v0;
	_ =	sdelay $0x3  }
0x108: {  	[tilespmem:$0xABB0] =	vst v1  }
0x109: {  	v1 =	vld.idx.msk [tilespmem:v2+s13+$0x0], $0xffff  }
0x10a: {  	v2 =	vor.u32 $0x2100, v0;
	_ =	sdelay $0x3  }
0x10b: {  	[tilespmem:$0xABC0] =	vst v1  }
0x10c: {  	v1 =	vld.idx.msk [tilespmem:v2+s13+$0x0], $0xffff  }
0x10d: {  	v2 =	vor.u32 $0x2180, v0;
	_ =	sdelay $0x3  }
0x10e: {  	[tilespmem:$0xABD0] =	vst v1  }
0x10f: {  	v1 =	vld.idx.msk [tilespmem:v2+s13+$0x0], $0xffff  }
0x110: {  	v2 =	vor.u32 $0x2200, v0;
	_ =	sdelay $0x3  }
0x111: {  	[tilespmem:$0xABE0] =	vst v1  }
0x112: {  	v1 =	vld.idx.msk [tilespmem:v2+s13+$0x0], $0xffff  }
0x113: {  	v2 =	vor.u32 $0x2280, v0;
	_ =	sdelay $0x3  }
0x114: {  	[tilespmem:$0xABF0] =	vst v1  }
0x115: {  	v1 =	vld.idx.msk [tilespmem:v2+s13+$0x0], $0xffff  }
0x116: {  	v2 =	vor.u32 $0x2300, v0;
	_ =	sdelay $0x3  }
0x117: {  	[tilespmem:$0xAC00] =	vst v1  }
0x118: {  	v1 =	vld.idx.msk [tilespmem:v2+s13+$0x0], $0xffff  }
0x119: {  	v2 =	vor.u32 $0x2380, v0;
	_ =	sdelay $0x3  }
0x11a: {  	[tilespmem:$0xAC10] =	vst v1  }
0x11b: {  	v1 =	vld.idx.msk [tilespmem:v2+s13+$0x0], $0xffff  }
0x11c: {  	v2 =	vor.u32 $0x2400, v0;
	_ =	sdelay $0x3  }
0x11d: {  	[tilespmem:$0xAC20] =	vst v1  }
0x11e: {  	v1 =	vld.idx.msk [tilespmem:v2+s13+$0x0], $0xffff  }
0x11f: {  	v2 =	vor.u32 $0x2480, v0;
	_ =	sdelay $0x3  }
0x120: {  	[tilespmem:$0xAC30] =	vst v1  }
0x121: {  	v1 =	vld.idx.msk [tilespmem:v2+s13+$0x0], $0xffff  }
0x122: {  	v2 =	vor.u32 $0x2500, v0;
	_ =	sdelay $0x3  }
0x123: {  	[tilespmem:$0xAC40] =	vst v1  }
0x124: {  	v1 =	vld.idx.msk [tilespmem:v2+s13+$0x0], $0xffff  }
0x125: {  	v2 =	vor.u32 $0x2580, v0;
	_ =	sdelay $0x3  }
0x126: {  	[tilespmem:$0xAC50] =	vst v1  }
0x127: {  	v1 =	vld.idx.msk [tilespmem:v2+s13+$0x0], $0xffff  }
0x128: {  	v2 =	vor.u32 $0x2600, v0;
	_ =	sdelay $0x3  }
0x129: {  	[tilespmem:$0xAC60] =	vst v1  }
0x12a: {  	v1 =	vld.idx.msk [tilespmem:v2+s13+$0x0], $0xffff  }
0x12b: {  	v2 =	vor.u32 $0x2680, v0;
	_ =	sdelay $0x3  }
0x12c: {  	[tilespmem:$0xAC70] =	vst v1  }
0x12d: {  	v1 =	vld.idx.msk [tilespmem:v2+s13+$0x0], $0xffff  }
0x12e: {  	v2 =	vor.u32 $0x2700, v0;
	_ =	sdelay $0x3  }
0x12f: {  	[tilespmem:$0xAC80] =	vst v1  }
0x130: {  	v1 =	vld.idx.msk [tilespmem:v2+s13+$0x0], $0xffff  }
0x131: {  	v2 =	vor.u32 $0x2780, v0;
	_ =	sdelay $0x3  }
0x132: {  	[tilespmem:$0xAC90] =	vst v1  }
0x133: {  	v1 =	vld.idx.msk [tilespmem:v2+s13+$0x0], $0xffff  }
0x134: {  	v2 =	vor.u32 $0x2800, v0;
	_ =	sdelay $0x3  }
0x135: {  	[tilespmem:$0xACA0] =	vst v1  }
0x136: {  	v1 =	vld.idx.msk [tilespmem:v2+s13+$0x0], $0xffff  }
0x137: {  	v2 =	vor.u32 $0x2880, v0;
	_ =	sdelay $0x3  }
0x138: {  	[tilespmem:$0xACB0] =	vst v1  }
0x139: {  	v1 =	vld.idx.msk [tilespmem:v2+s13+$0x0], $0xffff  }
0x13a: {  	v2 =	vor.u32 $0x2900, v0;
	_ =	sdelay $0x3  }
0x13b: {  	[tilespmem:$0xACC0] =	vst v1  }
0x13c: {  	v1 =	vld.idx.msk [tilespmem:v2+s13+$0x0], $0xffff  }
0x13d: {  	v2 =	vor.u32 $0x2980, v0;
	_ =	sdelay $0x3  }
0x13e: {  	[tilespmem:$0xACD0] =	vst v1  }
0x13f: {  	v1 =	vld.idx.msk [tilespmem:v2+s13+$0x0], $0xffff  }
0x140: {  	v2 =	vor.u32 $0x2A00, v0;
	_ =	sdelay $0x3  }
0x141: {  	[tilespmem:$0xACE0] =	vst v1  }
0x142: {  	v1 =	vld.idx.msk [tilespmem:v2+s13+$0x0], $0xffff  }
0x143: {  	v2 =	vor.u32 $0x2A80, v0;
	_ =	sdelay $0x3  }
0x144: {  	[tilespmem:$0xACF0] =	vst v1  }
0x145: {  	v1 =	vld.idx.msk [tilespmem:v2+s13+$0x0], $0xffff  }
0x146: {  	v2 =	vor.u32 $0x2B00, v0;
	_ =	sdelay $0x3  }
0x147: {  	[tilespmem:$0xAD00] =	vst v1  }
0x148: {  	v1 =	vld.idx.msk [tilespmem:v2+s13+$0x0], $0xffff  }
0x149: {  	v2 =	vor.u32 $0x2B80, v0;
	_ =	sdelay $0x3  }
0x14a: {  	[tilespmem:$0xAD10] =	vst v1  }
0x14b: {  	v1 =	vld.idx.msk [tilespmem:v2+s13+$0x0], $0xffff  }
0x14c: {  	v2 =	vor.u32 $0x2C00, v0;
	_ =	sdelay $0x3  }
0x14d: {  	[tilespmem:$0xAD20] =	vst v1  }
0x14e: {  	v1 =	vld.idx.msk [tilespmem:v2+s13+$0x0], $0xffff  }
0x14f: {  	v2 =	vor.u32 $0x2C80, v0;
	_ =	sdelay $0x3  }
0x150: {  	[tilespmem:$0xAD30] =	vst v1  }
0x151: {  	v1 =	vld.idx.msk [tilespmem:v2+s13+$0x0], $0xffff  }
0x152: {  	v2 =	vor.u32 $0x2D00, v0;
	_ =	sdelay $0x3  }
0x153: {  	[tilespmem:$0xAD40] =	vst v1  }
0x154: {  	v1 =	vld.idx.msk [tilespmem:v2+s13+$0x0], $0xffff  }
0x155: {  	v2 =	vor.u32 $0x2D80, v0;
	_ =	sdelay $0x3  }
0x156: {  	[tilespmem:$0xAD50] =	vst v1  }
0x157: {  	v1 =	vld.idx.msk [tilespmem:v2+s13+$0x0], $0xffff  }
0x158: {  	v2 =	vor.u32 $0x2E00, v0;
	_ =	sdelay $0x3  }
0x159: {  	[tilespmem:$0xAD60] =	vst v1  }
0x15a: {  	v1 =	vld.idx.msk [tilespmem:v2+s13+$0x0], $0xffff  }
0x15b: {  	v2 =	vor.u32 $0x2E80, v0;
	_ =	sdelay $0x3  }
0x15c: {  	[tilespmem:$0xAD70] =	vst v1  }
0x15d: {  	v1 =	vld.idx.msk [tilespmem:v2+s13+$0x0], $0xffff  }
0x15e: {  	v2 =	vor.u32 $0x2F00, v0;
	_ =	sdelay $0x3  }
0x15f: {  	[tilespmem:$0xAD80] =	vst v1  }
0x160: {  	v1 =	vld.idx.msk [tilespmem:v2+s13+$0x0], $0xffff  }
0x161: {  	v2 =	vor.u32 $0x2F80, v0;
	_ =	sdelay $0x3  }
0x162: {  	[tilespmem:$0xAD90] =	vst v1  }
0x163: {  	v1 =	vld.idx.msk [tilespmem:v2+s13+$0x0], $0xffff  }
0x164: {  	v2 =	vor.u32 $0x3000, v0;
	_ =	sdelay $0x3  }
0x165: {  	[tilespmem:$0xADA0] =	vst v1  }
0x166: {  	v1 =	vld.idx.msk [tilespmem:v2+s13+$0x0], $0xffff  }
0x167: {  	v2 =	vor.u32 $0x3080, v0;
	_ =	sdelay $0x3  }
0x168: {  	[tilespmem:$0xADB0] =	vst v1  }
0x169: {  	v1 =	vld.idx.msk [tilespmem:v2+s13+$0x0], $0xffff  }
0x16a: {  	v2 =	vor.u32 $0x3100, v0;
	_ =	sdelay $0x3  }
0x16b: {  	[tilespmem:$0xADC0] =	vst v1  }
0x16c: {  	v1 =	vld.idx.msk [tilespmem:v2+s13+$0x0], $0xffff  }
0x16d: {  	v2 =	vor.u32 $0x3180, v0;
	_ =	sdelay $0x3  }
0x16e: {  	[tilespmem:$0xADD0] =	vst v1  }
0x16f: {  	v1 =	vld.idx.msk [tilespmem:v2+s13+$0x0], $0xffff  }
0x170: {  	v2 =	vor.u32 $0x3200, v0;
	_ =	sdelay $0x3  }
0x171: {  	[tilespmem:$0xADE0] =	vst v1  }
0x172: {  	v1 =	vld.idx.msk [tilespmem:v2+s13+$0x0], $0xffff  }
0x173: {  	v2 =	vor.u32 $0x3280, v0;
	_ =	sdelay $0x3  }
0x174: {  	[tilespmem:$0xADF0] =	vst v1  }
0x175: {  	v1 =	vld.idx.msk [tilespmem:v2+s13+$0x0], $0xffff  }
0x176: {  	v2 =	vor.u32 $0x3300, v0;
	_ =	sdelay $0x3  }
0x177: {  	[tilespmem:$0xAE00] =	vst v1  }
0x178: {  	v1 =	vld.idx.msk [tilespmem:v2+s13+$0x0], $0xffff  }
0x179: {  	v2 =	vor.u32 $0x3380, v0;
	_ =	sdelay $0x3  }
0x17a: {  	[tilespmem:$0xAE10] =	vst v1  }
0x17b: {  	v1 =	vld.idx.msk [tilespmem:v2+s13+$0x0], $0xffff  }
0x17c: {  	v2 =	vor.u32 $0x3400, v0;
	_ =	sdelay $0x3  }
0x17d: {  	[tilespmem:$0xAE20] =	vst v1  }
0x17e: {  	v1 =	vld.idx.msk [tilespmem:v2+s13+$0x0], $0xffff  }
0x17f: {  	v2 =	vor.u32 $0x3480, v0;
	_ =	sdelay $0x3  }
0x180: {  	[tilespmem:$0xAE30] =	vst v1  }
0x181: {  	v1 =	vld.idx.msk [tilespmem:v2+s13+$0x0], $0xffff  }
0x182: {  	v2 =	vor.u32 $0x3500, v0;
	_ =	sdelay $0x3  }
0x183: {  	[tilespmem:$0xAE40] =	vst v1  }
0x184: {  	v1 =	vld.idx.msk [tilespmem:v2+s13+$0x0], $0xffff  }
0x185: {  	v2 =	vor.u32 $0x3580, v0;
	_ =	sdelay $0x3  }
0x186: {  	[tilespmem:$0xAE50] =	vst v1  }
0x187: {  	v1 =	vld.idx.msk [tilespmem:v2+s13+$0x0], $0xffff  }
0x188: {  	v2 =	vor.u32 $0x3600, v0;
	_ =	sdelay $0x3  }
0x189: {  	[tilespmem:$0xAE60] =	vst v1  }
0x18a: {  	v1 =	vld.idx.msk [tilespmem:v2+s13+$0x0], $0xffff  }
0x18b: {  	v2 =	vor.u32 $0x3680, v0;
	_ =	sdelay $0x3  }
0x18c: {  	[tilespmem:$0xAE70] =	vst v1  }
0x18d: {  	v1 =	vld.idx.msk [tilespmem:v2+s13+$0x0], $0xffff  }
0x18e: {  	v2 =	vor.u32 $0x3700, v0;
	_ =	sdelay $0x3  }
0x18f: {  	[tilespmem:$0xAE80] =	vst v1  }
0x190: {  	v1 =	vld.idx.msk [tilespmem:v2+s13+$0x0], $0xffff  }
0x191: {  	v2 =	vor.u32 $0x3780, v0;
	_ =	sdelay $0x3  }
0x192: {  	[tilespmem:$0xAE90] =	vst v1  }
0x193: {  	v1 =	vld.idx.msk [tilespmem:v2+s13+$0x0], $0xffff;
	_ =	sdelay $0x4  }
0x194: {  	[tilespmem:$0xAEA0] =	vst v1  }
0x195: {  	[spmem:s3] =	stream.indirect.scatter.add.f32 [tilespmem:s13], [sflag:$0x2], $0x8, s11, s12, $0xb8;
	[tilespmem:$0xAEB0] =	vst v63  }
0x196: {  	s6 =	rddreg [dreg:$0x14]  }
0x197: {  	[spmem:s3] =	stream.indirect.scatter.add.f32 [tilespmem:s14], [sflag:$0x2], $0x8, s6, s12, $0xb8;
	[tilespmem:$0xAEB0] =	vst v63  }
0x198: {  	s24 =	rddreg [dreg:$0x15]  }
0x199: {  	[spmem:s3] =	stream.indirect.scatter.add.f32 [tilespmem:s15], [sflag:$0x2], $0x8, s24, s12, $0xb8;
	[tilespmem:$0xAEB0] =	vst v63  }
0x19a: {  	s6 =	rddreg [dreg:$0x16]  }
0x19b: {  	[spmem:s3] =	stream.indirect.scatter.add.f32 [tilespmem:s16], [sflag:$0x2], $0x8, s6, s12, $0xb8;
	[tilespmem:$0xAEB0] =	vst v63  }
0x19c: {  	s24 =	rddreg [dreg:$0x17]  }
0x19d: {  	[spmem:s3] =	stream.indirect.scatter.add.f32 [tilespmem:s17], [sflag:$0x2], $0x8, s24, s12, $0xb8;
	[tilespmem:$0xAEB0] =	vst v63  }
0x19e: {  	s6 =	rddreg [dreg:$0x18]  }
0x19f: {  	[spmem:s3] =	stream.indirect.scatter.add.f32 [tilespmem:s18], [sflag:$0x2], $0x8, s6, s12, $0xb8;
	[tilespmem:$0xAEB0] =	vst v63  }
0x1a0: {  	s24 =	rddreg [dreg:$0x19]  }
0x1a1: {  	[spmem:s3] =	stream.indirect.scatter.add.f32 [tilespmem:s19], [sflag:$0x2], $0x8, s24, s12, $0xb8;
	[tilespmem:$0xAEB0] =	vst v63  }
0x1a2: {  	s6 =	rddreg [dreg:$0x1a]  }
0x1a3: {  	[spmem:s3] =	stream.indirect.scatter.add.f32 [tilespmem:s20], [sflag:$0x2], $0x8, s6, s12, $0xb8;
	[tilespmem:$0xAEB0] =	vst v63  }
0x1a4: {  	s24 =	rddreg [dreg:$0x1b]  }
0x1a5: {  	[spmem:s3] =	stream.indirect.scatter.add.f32 [tilespmem:s21], [sflag:$0x2], $0x8, s24, s12, $0xb8;
	[tilespmem:$0xAEB0] =	vst v63  }
0x1a6: {  	v2 =	vmov v3;
	s6 =	rddreg [dreg:$0x1c]  }
0x1a7: {  	v3 =	vmovc v4;
	v4 =	vmovc v5;
	v5 =	vmov v6;
	v6 =	vmov v7;
	v7 =	vmov v8;
	[spmem:s3] =	stream.indirect.scatter.add.f32 [tilespmem:s22], [sflag:$0x2], $0x8, s6, s12, $0xb8;
	[tilespmem:$0xAEB0] =	vst v63  }
0x1a8: {  	v8 =	vmovc v9;
	v9 =	vmovc v10;
	v10 =	vmov v11;
	v11 =	vmov v12;
	v12 =	vmov v13;
	s24 =	rddreg [dreg:$0x1d]  }
0x1a9: {  	v13 =	vmovc v14;
	v14 =	vmovc v15;
	v15 =	vmov v16;
	v16 =	vmov v17;
	v17 =	vmov v18;
	[spmem:s3] =	stream.indirect.scatter.add.f32 [tilespmem:s23], [sflag:$0x2], $0x8, s24, s12, $0xb8;
	[tilespmem:$0xAEB0] =	vst v63  }
0x1aa: {  	v18 =	vmovc v19;
	v19 =	vmovc v20;
	v20 =	vmov v21;
	v21 =	vmov v22;
	v22 =	vmov v23;
	s6 =	rddreg [dreg:$0x1e]  }
0x1ab: {  	v23 =	vmovc v24;
	v24 =	vmovc v25;
	v25 =	vmov v26;
	v26 =	vmov v27;
	v27 =	vmov v28;
	[spmem:s3] =	stream.indirect.scatter.add.f32 [tilespmem:s25], [sflag:$0x2], $0x8, s6, s12, $0xb8;
	[tilespmem:$0xAEB0] =	vst v63  }
0x1ac: {  	v28 =	vmovc v29;
	v29 =	vmovc v30;
	v30 =	vmov v31;
	v31 =	vmov v32;
	v32 =	vmov v33  }
0x1ad: {  	v33 =	vmovc v34;
	v34 =	vmovc v35;
	v35 =	vmov v36;
	v36 =	vmov v37;
	v37 =	vmov v38;
	[spmem:s3] =	stream.indirect.scatter.add.f32 [tilespmem:s26], [sflag:$0x2], $0x8, s30, s12, $0xb8;
	[tilespmem:$0xAEB0] =	vst v63  }
0x1ae: {  	v38 =	vmovc v39;
	v39 =	vmovc v40;
	v40 =	vmov v41;
	v41 =	vmov v42;
	v42 =	vmov v43;
	s24 =	rddreg [dreg:$0x4]  }
0x1af: {  	v43 =	vmovc v44;
	v44 =	vmovc v45;
	v45 =	vmov v46;
	v46 =	vmov v47;
	v47 =	vmov v48;
	[spmem:s3] =	stream.indirect.scatter.add.f32 [tilespmem:s28], [sflag:$0x2], $0x8, s31, s12, $0xb8;
	[tilespmem:$0xAEB0] =	vst v63  }
0x1b0: {  	v48 =	vmovc v49;
	v49 =	vmovc v50;
	v50 =	vmov v51;
	v51 =	vmov v52;
	v52 =	vmov v53;
	s6 =	sadd.s32 s7, s24  }
0x1b1: {  	v53 =	vmovc v54;
	v54 =	vmovc v55;
	v55 =	vmov v56;
	v56 =	vmov v57;
	v57 =	vmov v58;
	[hbm4b:s6+s4] =	stream.linear.scatter [tilespmem:s1], [sflag:$0x3], $0x700, $0x38;
	[tilespmem:$0xAEB0] =	vst v63  }
0x1b2: {  	v58 =	vmovc v59;
	v59 =	vmovc v60;
	v60 =	vmov v61;
	v61 =	vmov v62;
	v62 =	vmov v63;
	v63 =	vld [tilespmem:$0x1FFF0];
	_ =	swait.ge [sflag:s9], $0x700  }
0x1b3: {  	[sflag:s9] =	ssyncset.done $0x0  }
0x1b4: {  	[sflag:s9] =	ssyncadd.s32 $0xFFFFF900  }
0x1b5: {  	_ =	swait.ge [sflag:s0], $0x400  }
0x1b6: {  	[sflag:s0] =	ssyncset.done $0x0  }
0x1b7: {  	[sflag:s0] =	ssyncadd.s32 $0xFFFFFC00  }
0x1b8: {  	_ =	swait.ge [sflag:s0], $0x400  }
0x1b9: {  	[sflag:s0] =	ssyncset.done $0x0  }
0x1ba: {  	[sflag:s0] =	ssyncadd.s32 $0xFFFFFC00  }
0x1bb: {  	_ =	swait.ge [sflag:s0], $0x400  }
0x1bc: {  	[sflag:s0] =	ssyncset.done $0x0  }
0x1bd: {  	[sflag:s0] =	ssyncadd.s32 $0xFFFFFC00  }
0x1be: {  	_ =	swait.ge [sflag:s0], $0x400  }
0x1bf: {  	[sflag:s0] =	ssyncset.done $0x0  }
0x1c0: {  	[sflag:s0] =	ssyncadd.s32 $0xFFFFFC00  }
0x1c1: {  	_ =	swait.ge [sflag:s0], $0x400  }
0x1c2: {  	[sflag:s0] =	ssyncset.done $0x0  }
0x1c3: {  	[sflag:s0] =	ssyncadd.s32 $0xFFFFFC00  }
0x1c4: {  	_ =	swait.ge [sflag:s0], $0x400  }
0x1c5: {  	[sflag:s0] =	ssyncset.done $0x0  }
0x1c6: {  	[sflag:s0] =	ssyncadd.s32 $0xFFFFFC00  }
0x1c7: {  	_ =	swait.ge [sflag:s0], $0x400  }
0x1c8: {  	[sflag:s0] =	ssyncset.done $0x0  }
0x1c9: {  	[sflag:s0] =	ssyncadd.s32 $0xFFFFFC00  }
0x1ca: {  	_ =	swait.ge [sflag:s0], $0x400  }
0x1cb: {  	[sflag:s0] =	ssyncset.done $0x0  }
0x1cc: {  	[sflag:s0] =	ssyncadd.s32 $0xFFFFFC00  }
0x1cd: {  	_ =	swait.ge [sflag:s0], $0x400  }
0x1ce: {  	[sflag:s0] =	ssyncset.done $0x0  }
0x1cf: {  	[sflag:s0] =	ssyncadd.s32 $0xFFFFFC00  }
0x1d0: {  	_ =	swait.ge [sflag:s0], $0x400  }
0x1d1: {  	[sflag:s0] =	ssyncset.done $0x0  }
0x1d2: {  	[sflag:s0] =	ssyncadd.s32 $0xFFFFFC00  }
0x1d3: {  	_ =	swait.ge [sflag:s0], $0x400  }
0x1d4: {  	[sflag:s0] =	ssyncset.done $0x0  }
0x1d5: {  	[sflag:s0] =	ssyncadd.s32 $0xFFFFFC00  }
0x1d6: {  	_ =	swait.ge [sflag:s0], $0x400  }
0x1d7: {  	[sflag:s0] =	ssyncset.done $0x0  }
0x1d8: {  	[sflag:s0] =	ssyncadd.s32 $0xFFFFFC00  }
0x1d9: {  	p0 =	sne.s32 s7, $0xB60;
	_ =	swait.ge [sflag:s0], $0x400  }
.Ltmp0:
0x1da: {  	[sflag:s0] =	ssyncset.done $0x0;
	(pc) =	sbr.rel @p0 .LBB2_2-.Ltmp0, $4  }
0x1db: {  	[sflag:s0] =	ssyncadd.s32 $0xFFFFFC00  }
0x1dc: {  	_ =	swait.ge [sflag:s0], $0x400  }
0x1dd: {  	[sflag:s0] =	ssyncset.done $0x0  }
0x1de: {  	s7 =	sadd.s32 $0xE0, s7;
	[sflag:s0] =	ssyncadd.s32 $0xFFFFFC00  }
0x1df: {  	[bflag:$0x0] =	sbarrier.arrive $0xFFFF  }
0x1e0: {  	s24 =	sld [smem:$0x7FD]  }
0x1e1: {  	s6 =	sld [smem:$0x7FC];
	_ =	sdelay $0x2  }
0x1e2: {  	[hbm:s6], [sflag:s24] =	dma.local [spmem:s8], $0xC36  }
0x1e3: {  	_ =	swait.ge [sflag:s9], $0xC36  }
0x1e4: {  	s7 =	smov.u32 s8;
	s2 =	sadd.s32 $0x1, s2;
	s8 =	rddreg [dreg:$0x1f]  }
0x1e5: {  	p0 =	sne.s32 s2, s8  }
.Ltmp1:
0x1e6: {  	_ = 	snop;
	(pc) =	sbr.rel @p0 .LBB2_1-.Ltmp1, $3  }
0x1e7: {  	_ =	sdelay $0x1  }
0x1e8: {  	[sflag:s9] =	ssyncset.done $0x0  }
0x1e9: {  	[sflag:s9] =	ssyncadd.s32 $0xFFFFF3CA  }
0x1ea: {  	_ =	sfence.sel $0x180000  }
0x1eb: {  	[bflag:$0x0] =	sbarrier.arrive $0xFFFF  }
0x1ec: {  	_ =	strace $0x90000047  }
0x1ed: {  	s0 =	stileid.u32;
	[bflag:$0x2] =	sbarrier.arrive $0xFFFF  }
0x1ee: {  	p0 =	sne.s32 s0, $0x0;
	s0 =	rddreg [dreg:$0x3]  }
0x1ef: {  	s0 =	sadd.s32 @!p0 $0x100000, s0  }
0x1f0: {  	[sflag:s0] =	ssyncadd.tile.s32 @!p0 $0x1;
	_ =	shalt  }
.Lfunc_end2:
_tile_overlayer_lowered:
.L_overlay_start_2:
0x1f1: {  	(tag) =	ssettag $0x2  }
0x1f2: {  	s0 =	rddreg [dreg:$0x0];
	s2 =	stileid.u32  }
0x1f3: {  	s1 =	rddreg [dreg:$0x1];
	p0 =	sne.s32 s2, $0x0  }
0x1f4: {  	s3 =	rddreg [dreg:$0x2];
	[bflag:$0x3] =	sbarrier.arrive $0xFFFF;
	s2 =	simm.s32 @!p0 $0x1C03  }
0x1f5: {  	[timem:s3], [sflag:s2] =	dma.local @!p0 [hbm:s0], s1  }
0x1f6: {  	s0 =	simm.s32 @!p0 $0x3  }
0x1f7: {  	_ =	swait.ge @!p0 [sflag:s0], s1  }
0x1f8: {  	s1 =	ssub.s32 @!p0 $0x0, s1;
	[sflag:s0] =	ssyncset.done @!p0 $0x0  }
0x1f9: {  	[sflag:s0] =	ssyncadd.s32 @!p0 s1  }
0x1fa: {  	[bflag:$0x3] =	sbarrier.arrive $0xFFFF  }
0x1fb: {  	_ =	shalt  }

</sc_bundles>
